<compile_context>
chip_gen: v7x
topology: tpu7x:2x2x1
jax: 0.10.2.dev20260603
libtpu: 0.0.44.dev20260713+nightly
codegen_flags: <defaults>
</compile_context>

<pallas_src>
import functools

import jax
import jax.numpy as jnp
from jax import lax
from jax.experimental import pallas as pl
from jax.experimental.pallas import tpu as pltpu
from jax.experimental.pallas import tpu_sc as plsc

N_NODES = 10000
HID = 8
HPAD = 16
NC = 2
NS = 16
NW = NC * NS
CH = 512
NROWS = 10240
RPS = NROWS // NS
DUMMY = N_NODES


def _sc_degrees(src3d, dst3d):
    ncv = src3d.shape[1]
    mesh = plsc.VectorSubcoreMesh(core_axis_name="c", subcore_axis_name="s")

    @functools.partial(
        pl.kernel,
        mesh=mesh,
        out_type=(
            jax.ShapeDtypeStruct((NC * NROWS,), jnp.float32),
            jax.ShapeDtypeStruct((NC * NROWS,), jnp.float32),
        ),
        scratch_types=[
            pltpu.VMEM((ncv, CH), jnp.int32),
            pltpu.VMEM((ncv, CH), jnp.int32),
            pltpu.VMEM((CH,), jnp.float32),
            pltpu.VMEM((RPS,), jnp.float32),
            pltpu.VMEM_SHARED((NROWS,), jnp.float32),
            pltpu.VMEM_SHARED((NROWS,), jnp.float32),
            pltpu.SemaphoreType.DMA,
        ],
        compiler_params=pltpu.CompilerParams(use_tc_tiling_on_sc=False),
    )
    def k(src_h, dst_h, do_h, di_h, srcv, dstv, onesv, zbuf, degA, degB,
          dsem):
        c = lax.axis_index("c")
        s = lax.axis_index("s")
        wid = c * NS + s

        def fill(i, carry):
            onesv[pl.ds(i * 16, 16)] = jnp.ones((16,), jnp.float32)
            return carry

        lax.fori_loop(0, CH // 16, fill, 0)

        def zfill(i, carry):
            zbuf[pl.ds(i * 16, 16)] = jnp.zeros((16,), jnp.float32)
            return carry

        lax.fori_loop(0, RPS // 16, zfill, 0)
        pltpu.sync_copy(zbuf, degA.at[pl.ds(s * RPS, RPS)])
        pltpu.sync_copy(zbuf, degB.at[pl.ds(s * RPS, RPS)])
        pltpu.sync_copy(src_h.at[wid], srcv)
        pltpu.sync_copy(dst_h.at[wid], dstv)
        plsc.subcore_barrier()

        def body(j, carry):
            pltpu.async_copy(onesv, degA.at[srcv.at[j]], dsem, add=True)
            pltpu.async_copy(onesv, degB.at[dstv.at[j]], dsem, add=True)
            return carry

        lax.fori_loop(0, ncv, body, 0)

        def drain(j, carry):
            pltpu.make_async_copy(onesv, degA.at[srcv.at[j]], dsem).wait()
            pltpu.make_async_copy(onesv, degB.at[dstv.at[j]], dsem).wait()
            return carry

        lax.fori_loop(0, ncv, drain, 0)
        plsc.subcore_barrier()
        pltpu.sync_copy(degA.at[pl.ds(s * RPS, RPS)],
                        do_h.at[pl.ds(c * NROWS + s * RPS, RPS)])
        pltpu.sync_copy(degB.at[pl.ds(s * RPS, RPS)],
                        di_h.at[pl.ds(c * NROWS + s * RPS, RPS)])

    return k(src3d, dst3d)


K_GRP = 5
K_GRP2 = 2


def _edge_pipeline(tab, srcv, dstv, rowsv, agg, gsA, gsB, ssA, ssB, ncv, kgrp):
    pairs = ncv // (2 * kgrp)
    assert ncv == pairs * 2 * kgrp

    def pair(p, carry):
        for par, gsem, ssem in ((0, gsA, ssA), (1, gsB, ssB)):
            o = 2 * p + par

            @pl.when(p >= 1)
            def _drain_old():
                for b in range(kgrp):
                    g_old = (o - 2) * kgrp + b
                    pltpu.make_async_copy(rowsv.at[par * kgrp + b],
                                          agg.at[dstv.at[g_old]], ssem).wait()

            for b in range(kgrp):
                g = o * kgrp + b
                pltpu.async_copy(tab.at[srcv.at[g]],
                                 rowsv.at[par * kgrp + b], gsem)
            for b in range(kgrp):
                g = o * kgrp + b
                pltpu.make_async_copy(tab.at[srcv.at[g]],
                                      rowsv.at[par * kgrp + b], gsem).wait()
            for b in range(kgrp):
                g = o * kgrp + b
                pltpu.async_copy(rowsv.at[par * kgrp + b],
                                 agg.at[dstv.at[g]], ssem, add=True)
        return carry

    lax.fori_loop(0, pairs, pair, 0)
    for par, ssem in ((0, ssA), (1, ssB)):
        o = (pairs - 1) * 2 + par
        for b in range(kgrp):
            g = o * kgrp + b
            pltpu.make_async_copy(rowsv.at[par * kgrp + b],
                                  agg.at[dstv.at[g]], ssem).wait()


def _zero_rows(zbuf):

    def zfill(i, carry):
        zbuf[i, :] = jnp.zeros((16,), jnp.float32)
        return carry

    lax.fori_loop(0, RPS, zfill, 0)


def _sc_msgpass(table, src3d, dst3d):
    ncv = src3d.shape[1]
    mesh = plsc.VectorSubcoreMesh(core_axis_name="c", subcore_axis_name="s")

    @functools.partial(
        pl.kernel,
        mesh=mesh,
        out_type=jax.ShapeDtypeStruct((NC * NROWS, HPAD), jnp.float32),
        scratch_types=[
            pltpu.VMEM((ncv, CH), jnp.int32),
            pltpu.VMEM((ncv, CH), jnp.int32),
            pltpu.VMEM((2 * K_GRP, CH, HPAD), jnp.float32),
            pltpu.VMEM((RPS, HPAD), jnp.float32),
            pltpu.VMEM_SHARED((NROWS, HPAD), jnp.float32),
            pltpu.SemaphoreType.DMA,
            pltpu.SemaphoreType.DMA,
            pltpu.SemaphoreType.DMA,
            pltpu.SemaphoreType.DMA,
        ],
        compiler_params=pltpu.CompilerParams(use_tc_tiling_on_sc=False),
    )
    def k(tab_h, src_h, dst_h, agg_h, srcv, dstv, rowsv, zbuf, agg,
          gsA, gsB, ssA, ssB):
        c = lax.axis_index("c")
        s = lax.axis_index("s")
        wid = c * NS + s
        _zero_rows(zbuf)
        pltpu.sync_copy(zbuf, agg.at[pl.ds(s * RPS, RPS)])
        pltpu.sync_copy(src_h.at[wid], srcv)
        pltpu.sync_copy(dst_h.at[wid], dstv)
        plsc.subcore_barrier()
        _edge_pipeline(tab_h, srcv, dstv, rowsv, agg, gsA, gsB, ssA, ssB,
                       ncv, K_GRP)
        plsc.subcore_barrier()
        pltpu.sync_copy(agg.at[pl.ds(s * RPS, RPS)],
                        agg_h.at[pl.ds(c * NROWS + s * RPS, RPS)])

    return k(table, src3d, dst3d)


def _sc_msgpass2(p1, h0p, m8, src3d, dst3d):
    ncv = src3d.shape[1]
    mesh = plsc.VectorSubcoreMesh(core_axis_name="c", subcore_axis_name="s")

    @functools.partial(
        pl.kernel,
        mesh=mesh,
        out_type=jax.ShapeDtypeStruct((NC * NROWS, HPAD), jnp.float32),
        scratch_types=[
            pltpu.VMEM((ncv, CH), jnp.int32),
            pltpu.VMEM((ncv, CH), jnp.int32),
            pltpu.VMEM((2 * K_GRP2, CH, HPAD), jnp.float32),
            pltpu.VMEM((RPS, HPAD), jnp.float32),
            pltpu.VMEM((RPS, HPAD), jnp.float32),
            pltpu.VMEM((RPS, HPAD), jnp.float32),
            pltpu.VMEM((RPS, HPAD), jnp.float32),
            pltpu.VMEM_SHARED((NROWS, HPAD), jnp.float32),
            pltpu.VMEM_SHARED((NROWS, HPAD), jnp.float32),
            pltpu.SemaphoreType.DMA,
            pltpu.SemaphoreType.DMA,
            pltpu.SemaphoreType.DMA,
            pltpu.SemaphoreType.DMA,
        ],
        compiler_params=pltpu.CompilerParams(use_tc_tiling_on_sc=False),
    )
    def k(p_h, h0_h, m8_h, src_h, dst_h, q_h, srcv, dstv, rowsv,
          cbuf, t1, t2, t3, h1m, agg, gsA, gsB, ssA, ssB):
        c = lax.axis_index("c")
        s = lax.axis_index("s")
        wid = c * NS + s
        base = s * RPS
        _zero_rows(t1)
        pltpu.sync_copy(t1, agg.at[pl.ds(base, RPS)])
        pltpu.sync_copy(src_h.at[wid], srcv)
        pltpu.sync_copy(dst_h.at[wid], dstv)
        pltpu.async_copy(p_h.at[pl.ds(base, RPS)], cbuf, gsA)
        pltpu.async_copy(p_h.at[pl.ds(NROWS + base, RPS)], t1, gsA)
        pltpu.async_copy(h0_h.at[pl.ds(base, RPS)], t2, gsA)
        pltpu.async_copy(m8_h.at[pl.ds(base, RPS)], t3, gsA)
        pltpu.make_async_copy(p_h.at[pl.ds(base, RPS)], cbuf, gsA).wait()
        pltpu.make_async_copy(p_h.at[pl.ds(NROWS + base, RPS)], t1, gsA).wait()
        pltpu.make_async_copy(h0_h.at[pl.ds(base, RPS)], t2, gsA).wait()
        pltpu.make_async_copy(m8_h.at[pl.ds(base, RPS)], t3, gsA).wait()

        def step(i, carry):
            cbuf[i, :] = (cbuf[i, :] + t1[i, :] + t2[i, :]) * t3[i, :]
            return carry

        lax.fori_loop(0, RPS, step, 0)
        pltpu.sync_copy(cbuf, h1m.at[pl.ds(base, RPS)])
        plsc.subcore_barrier()
        _edge_pipeline(h1m, srcv, dstv, rowsv, agg, gsA, gsB, ssA, ssB,
                       ncv, K_GRP2)
        plsc.subcore_barrier()
        pltpu.sync_copy(agg.at[pl.ds(base, RPS)],
                        q_h.at[pl.ds(c * NROWS + base, RPS)])

    return k(p1, h0p, m8, src3d, dst3d)


def _tc_prep(x, W1p, degp_o, degp_i):

    def body(x_r, w_r, do_r, di_r, h_r, m_r, ni_r):
        no = lax.rsqrt(do_r[0, :] + do_r[1, :] + 1.0)
        ni = lax.rsqrt(di_r[0, :] + di_r[1, :] + 1.0)
        m_r[...] = jnp.broadcast_to((no * ni)[:, None], (NROWS, HPAD))
        ni_r[...] = ni[:, None]
        h = jnp.dot(x_r[...] * no[:N_NODES, None], w_r[...],
                    preferred_element_type=jnp.float32)
        h_r[...] = jnp.concatenate(
            [h, jnp.zeros((NROWS - N_NODES, HPAD), jnp.float32)], axis=0)

    return pl.pallas_call(
        body,
        out_shape=(
            jax.ShapeDtypeStruct((NROWS, HPAD), jnp.float32),
            jax.ShapeDtypeStruct((NROWS, HPAD), jnp.float32),
            jax.ShapeDtypeStruct((NROWS, 1), jnp.float32),
        ),
    )(x, W1p, degp_o, degp_i)


def _tc_fin(q, p1, h0p, m8, ni, W2p):

    def body(q_r, p_r, h_r, m_r, ni_r, w_r, o_r):
        h1m = (p_r[0] + p_r[1] + h_r[...]) * m_r[...]
        pre = (q_r[0] + q_r[1] + h1m) * ni_r[...]
        o_r[...] = jnp.dot(pre, w_r[...], preferred_element_type=jnp.float32)

    return pl.pallas_call(
        body,
        out_shape=jax.ShapeDtypeStruct((NROWS, HID), jnp.float32),
    )(q, p1, h0p, m8, ni, W2p)


def kernel(x, edge_index, W1, W2):
    e = edge_index.shape[1]
    ncv = -(-e // (NW * CH))
    lcm = 2 * K_GRP * K_GRP2
    ncv = -(-ncv // lcm) * lcm
    e_pad = NW * ncv * CH
    pad = DUMMY + (jnp.arange(e_pad - e, dtype=jnp.int32) % (NROWS - N_NODES))
    src3d = jnp.concatenate([edge_index[0], pad]).reshape(NW, ncv, CH)
    dst3d = jnp.concatenate([edge_index[1], pad]).reshape(NW, ncv, CH)
    W1p = jnp.pad(W1, ((0, 0), (0, HPAD - HID)))
    W2p = jnp.pad(W2, ((0, HPAD - HID), (0, 0)))

    degp_o, degp_i = _sc_degrees(src3d, dst3d)
    degp_o = degp_o.reshape(NC, NROWS)
    degp_i = degp_i.reshape(NC, NROWS)
    h0p, m8, ni = _tc_prep(x, W1p, degp_o, degp_i)
    p1 = _sc_msgpass(h0p, src3d, dst3d)
    q = _sc_msgpass2(p1, h0p, m8, src3d, dst3d)
    out = _tc_fin(q.reshape(NC, NROWS, HPAD), p1.reshape(NC, NROWS, HPAD),
                  h0p, m8, ni, W2p)
    return out[:N_NODES]

# --- scband reference (transcript-rebuilt; emitter-appended) ---
"""Pipeline reference for scband-informed-mpconv-82102594830698 (READ-ONLY COPY).

The authoritative reference and input builder live on the scoring server;
editing this copy changes nothing except your own understanding.
"""

import jax, jax.numpy as jnp
import numpy as np

N = 10000
E = 320000
D_FEAT = 128
HIDDEN = 8
NUM_HEADS = 8
SPARSITY = 0.5


def _make_sparse_weight(key, shape, sparsity):
    k1, k2 = jax.random.split(key)
    fan_in = shape[0]
    w = jax.random.normal(k1, shape, dtype=jnp.float32) * (1.0 / np.sqrt(fan_in))
    # emulate randperm-based sparsification: zero out `sparsity` fraction of entries
    flat = w.reshape(-1)
    n = flat.shape[0]
    n_zero = int(sparsity * n)
    perm = jax.random.permutation(k2, n)
    mask = jnp.ones((n,), dtype=jnp.float32).at[perm[:n_zero]].set(0.0)
    return (flat * mask).reshape(shape)


def setup_inputs(seed: int = 0) -> dict:
    key = jax.random.key(seed)
    k1, k2, k3, k4 = jax.random.split(key, 4)
    x = jax.random.normal(k1, (N, D_FEAT), dtype=jnp.float32)
    edge_index = jax.random.randint(k2, (2, E), 0, N, dtype=jnp.int32)
    W1 = _make_sparse_weight(k3, (D_FEAT, HIDDEN), SPARSITY)
    W2 = _make_sparse_weight(k4, (HIDDEN, NUM_HEADS), SPARSITY)
    return {"x": x, "edge_index": edge_index, "W1": W1, "W2": W2}


def reference(x, edge_index, W1, W2):
    n = x.shape[0]
    # dgl.add_self_loop on the homogeneous graph
    loop = jnp.arange(n, dtype=edge_index.dtype)
    src = jnp.concatenate([edge_index[0], loop])
    dst = jnp.concatenate([edge_index[1], loop])

    deg_out = jnp.zeros((n,), dtype=jnp.float32).at[src].add(1.0)
    deg_in = jnp.zeros((n,), dtype=jnp.float32).at[dst].add(1.0)
    norm_out = jax.lax.rsqrt(jnp.clip(deg_out, 1.0, None))
    norm_in = jax.lax.rsqrt(jnp.clip(deg_in, 1.0, None))

    def graph_conv(h, W):
        # GraphConv norm='both', bias=False:
        # h' = D_in^{-1/2} A D_out^{-1/2} h W
        h = h * norm_out[:, None]
        msg = jnp.take(h, src, axis=0)
        agg = jnp.zeros((n, h.shape[1]), dtype=h.dtype).at[dst].add(msg)
        agg = agg * norm_in[:, None]
        return agg @ W

    h = graph_conv(x, W1)
    h = graph_conv(h, W2)
    return h

if __name__ == "__main__":
    import jax
    _d = setup_inputs()
    print(jax.jit(kernel)(*tuple(_d.values())))

</pallas_src>

<mosaic_0001>
#map = affine_map<(d0, d1) -> (0, 0, 0)>
#map1 = affine_map<(d0, d1) -> (0)>
module attributes {stable_mosaic.version = 14 : i64} {
  func.func @k(%arg0: i32, %arg1: i32, %arg2: memref<32x20x512xi32, #tpu.memory_space<hbm>>, %arg3: memref<32x20x512xi32, #tpu.memory_space<hbm>>, %arg4: memref<20480xf32, #tpu.memory_space<hbm>>, %arg5: memref<20480xf32, #tpu.memory_space<hbm>>, %arg6: memref<20x512xi32, #tpu.memory_space<vmem>>, %arg7: memref<20x512xi32, #tpu.memory_space<vmem>>, %arg8: memref<512xf32, #tpu.memory_space<vmem>>, %arg9: memref<640xf32, #tpu.memory_space<vmem>>, %arg10: memref<10240xf32, #tpu.memory_space<vmem_shared>>, %arg11: memref<10240xf32, #tpu.memory_space<vmem_shared>>, %arg12: memref<!tpu.dma_semaphore, #tpu.memory_space<semaphore_mem>>) attributes {dimension_semantics = [#tpu.dimension_semantics<core_parallel>, #tpu.dimension_semantics<subcore_parallel>], iteration_bounds = array<i64: 2, 16>, scalar_prefetch = 0 : i64, scratch_operands = 7 : i64, tpu.core_type = #tpu.core_type<sc_vector_subcore>, window_params = [{transform_indices = #map}, {transform_indices = #map}, {transform_indices = #map1}, {transform_indices = #map1}]} {
    %mul3A = arith.constant 16 : i32
    %mul3A_0 = arith.muli %arg0, %mul3A : i32
    %add3A = arith.addi %mul3A_0, %arg1 : i32
    %scan3A = arith.constant 0 : i32
    %scan3A_1 = arith.constant 0 : i32
    %scan3A_2 = arith.constant 32 : i32
    %scan3A_3 = arith.addi %scan3A_1, %scan3A_2 : i32
    %scan3A_4 = arith.constant 1 : i32
    scf.for %scan3A_43 = %scan3A_1 to %scan3A_3 step %scan3A_4  : i32 {
      %broadcast_in_dim3A = arith.constant 1.000000e+00 : f32
      %broadcast_in_dim3A_44 = vector.broadcast %broadcast_in_dim3A : f32 to vector<16xf32>
      %mul3A_45 = arith.constant 16 : i32
      %mul3A_46 = arith.muli %scan3A_43, %mul3A_45 : i32
      %swap3A = arith.index_cast %mul3A_46 : i32 to index
      %swap3A_47 = tpu.vector_load %arg8[%swap3A] {strides = array<i32>} : memref<512xf32, #tpu.memory_space<vmem>>, vector<16xf32>,
      %swap3A_48 = vector.shape_cast %swap3A_47 : vector<16xf32> to vector<16xf32>
      %swap3A_49 = vector.shape_cast %broadcast_in_dim3A_44 : vector<16xf32> to vector<16xf32>
      tpu.vector_store %arg8[%swap3A], %swap3A_49 {strides = array<i32>} : memref<512xf32, #tpu.memory_space<vmem>>, vector<16xf32>,
    }
    %scan3A_5 = arith.constant 32 : i32
    %scan3A_6 = arith.constant 0 : i32
    %scan3A_7 = arith.constant 0 : i32
    %scan3A_8 = arith.constant 40 : i32
    %scan3A_9 = arith.addi %scan3A_7, %scan3A_8 : i32
    %scan3A_10 = arith.constant 1 : i32
    scf.for %scan3A_43 = %scan3A_7 to %scan3A_9 step %scan3A_10  : i32 {
      %broadcast_in_dim3A = arith.constant 0.000000e+00 : f32
      %broadcast_in_dim3A_44 = vector.broadcast %broadcast_in_dim3A : f32 to vector<16xf32>
      %mul3A_45 = arith.constant 16 : i32
      %mul3A_46 = arith.muli %scan3A_43, %mul3A_45 : i32
      %swap3A = arith.index_cast %mul3A_46 : i32 to index
      %swap3A_47 = tpu.vector_load %arg9[%swap3A] {strides = array<i32>} : memref<640xf32, #tpu.memory_space<vmem>>, vector<16xf32>,
      %swap3A_48 = vector.shape_cast %swap3A_47 : vector<16xf32> to vector<16xf32>
      %swap3A_49 = vector.shape_cast %broadcast_in_dim3A_44 : vector<16xf32> to vector<16xf32>
      tpu.vector_store %arg9[%swap3A], %swap3A_49 {strides = array<i32>} : memref<640xf32, #tpu.memory_space<vmem>>, vector<16xf32>,
    }
    %scan3A_11 = arith.constant 40 : i32
    %mul3A_12 = arith.constant 640 : i32
    %mul3A_13 = arith.muli %arg1, %mul3A_12 : i32
    "tpu.region"() ({
      %run_scoped3A = tpu.sem_alloc : memref<!tpu.dma_semaphore, #tpu.memory_space<semaphore_mem>>
      %dma_start3A = tpu.memref_slice %arg10[%mul3A_13] : memref<10240xf32, #tpu.memory_space<vmem_shared>> -> memref<640xf32, #tpu.memory_space<vmem_shared>>
      %dma_start3A_43 = tpu.memref_slice %arg10[%mul3A_13] : memref<10240xf32, #tpu.memory_space<vmem_shared>> -> memref<640xf32, #tpu.memory_space<vmem_shared>>
      tpu.enqueue_dma source(%arg9 : memref<640xf32, #tpu.memory_space<vmem>>) target(%dma_start3A_43 : memref<640xf32, #tpu.memory_space<vmem_shared>>) target_semaphore(%run_scoped3A : memref<!tpu.dma_semaphore, #tpu.memory_space<semaphore_mem>>)
      %dma_wait3A = tpu.memref_slice %arg10[%mul3A_13] : memref<10240xf32, #tpu.memory_space<vmem_shared>> -> memref<640xf32, #tpu.memory_space<vmem_shared>>
      %dma_wait3A_44 = tpu.memref_slice %arg10[%mul3A_13] : memref<10240xf32, #tpu.memory_space<vmem_shared>> -> memref<640xf32, #tpu.memory_space<vmem_shared>>
      tpu.wait_dma2 semaphore(%run_scoped3A : memref<!tpu.dma_semaphore, #tpu.memory_space<semaphore_mem>>) src(%arg9 : memref<640xf32, #tpu.memory_space<vmem>>) dst(%dma_wait3A_44 : memref<640xf32, #tpu.memory_space<vmem_shared>>)
      tpu.yield
    }) : () -> ()
    %mul3A_14 = arith.constant 640 : i32
    %mul3A_15 = arith.muli %arg1, %mul3A_14 : i32
    "tpu.region"() ({
      %run_scoped3A = tpu.sem_alloc : memref<!tpu.dma_semaphore, #tpu.memory_space<semaphore_mem>>
      %dma_start3A = tpu.memref_slice %arg11[%mul3A_15] : memref<10240xf32, #tpu.memory_space<vmem_shared>> -> memref<640xf32, #tpu.memory_space<vmem_shared>>
      %dma_start3A_43 = tpu.memref_slice %arg11[%mul3A_15] : memref<10240xf32, #tpu.memory_space<vmem_shared>> -> memref<640xf32, #tpu.memory_space<vmem_shared>>
      tpu.enqueue_dma source(%arg9 : memref<640xf32, #tpu.memory_space<vmem>>) target(%dma_start3A_43 : memref<640xf32, #tpu.memory_space<vmem_shared>>) target_semaphore(%run_scoped3A : memref<!tpu.dma_semaphore, #tpu.memory_space<semaphore_mem>>)
      %dma_wait3A = tpu.memref_slice %arg11[%mul3A_15] : memref<10240xf32, #tpu.memory_space<vmem_shared>> -> memref<640xf32, #tpu.memory_space<vmem_shared>>
      %dma_wait3A_44 = tpu.memref_slice %arg11[%mul3A_15] : memref<10240xf32, #tpu.memory_space<vmem_shared>> -> memref<640xf32, #tpu.memory_space<vmem_shared>>
      tpu.wait_dma2 semaphore(%run_scoped3A : memref<!tpu.dma_semaphore, #tpu.memory_space<semaphore_mem>>) src(%arg9 : memref<640xf32, #tpu.memory_space<vmem>>) dst(%dma_wait3A_44 : memref<640xf32, #tpu.memory_space<vmem_shared>>)
      tpu.yield
    }) : () -> ()
    "tpu.region"() ({
      %run_scoped3A = tpu.sem_alloc : memref<!tpu.dma_semaphore, #tpu.memory_space<semaphore_mem>>
      %dma_start3A = arith.constant 0 : i32
      %dma_start3A_43 = arith.constant 0 : i32
      %dma_start3A_44 = tpu.memref_slice %arg2[%add3A, %dma_start3A, %dma_start3A_43] : memref<32x20x512xi32, #tpu.memory_space<hbm>> -> memref<1x20x512xi32, #tpu.memory_space<hbm>>
      %dma_start3A_45 = tpu.memref_squeeze %dma_start3A_44 : memref<1x20x512xi32, #tpu.memory_space<hbm>> -> memref<20x512xi32, #tpu.memory_space<hbm>>
      %dma_start3A_46 = arith.constant 0 : i32
      %dma_start3A_47 = arith.constant 0 : i32
      %dma_start3A_48 = tpu.memref_slice %arg2[%add3A, %dma_start3A_46, %dma_start3A_47] : memref<32x20x512xi32, #tpu.memory_space<hbm>> -> memref<1x20x512xi32, #tpu.memory_space<hbm>>
      %dma_start3A_49 = tpu.memref_squeeze %dma_start3A_48 : memref<1x20x512xi32, #tpu.memory_space<hbm>> -> memref<20x512xi32, #tpu.memory_space<hbm>>
      tpu.enqueue_dma source(%dma_start3A_49 : memref<20x512xi32, #tpu.memory_space<hbm>>) target(%arg6 : memref<20x512xi32, #tpu.memory_space<vmem>>) target_semaphore(%run_scoped3A : memref<!tpu.dma_semaphore, #tpu.memory_space<semaphore_mem>>)
      %dma_wait3A = arith.constant 0 : i32
      %dma_wait3A_50 = arith.constant 0 : i32
      %dma_wait3A_51 = tpu.memref_slice %arg2[%add3A, %dma_wait3A, %dma_wait3A_50] : memref<32x20x512xi32, #tpu.memory_space<hbm>> -> memref<1x20x512xi32, #tpu.memory_space<hbm>>
      %dma_wait3A_52 = tpu.memref_squeeze %dma_wait3A_51 : memref<1x20x512xi32, #tpu.memory_space<hbm>> -> memref<20x512xi32, #tpu.memory_space<hbm>>
      %dma_wait3A_53 = arith.constant 0 : i32
      %dma_wait3A_54 = arith.constant 0 : i32
      %dma_wait3A_55 = tpu.memref_slice %arg2[%add3A, %dma_wait3A_53, %dma_wait3A_54] : memref<32x20x512xi32, #tpu.memory_space<hbm>> -> memref<1x20x512xi32, #tpu.memory_space<hbm>>
      %dma_wait3A_56 = tpu.memref_squeeze %dma_wait3A_55 : memref<1x20x512xi32, #tpu.memory_space<hbm>> -> memref<20x512xi32, #tpu.memory_space<hbm>>
      tpu.wait_dma2 semaphore(%run_scoped3A : memref<!tpu.dma_semaphore, #tpu.memory_space<semaphore_mem>>) src(%dma_wait3A_56 : memref<20x512xi32, #tpu.memory_space<hbm>>) dst(%arg6 : memref<20x512xi32, #tpu.memory_space<vmem>>)
      tpu.yield
    }) : () -> ()
    "tpu.region"() ({
      %run_scoped3A = tpu.sem_alloc : memref<!tpu.dma_semaphore, #tpu.memory_space<semaphore_mem>>
      %dma_start3A = arith.constant 0 : i32
      %dma_start3A_43 = arith.constant 0 : i32
      %dma_start3A_44 = tpu.memref_slice %arg3[%add3A, %dma_start3A, %dma_start3A_43] : memref<32x20x512xi32, #tpu.memory_space<hbm>> -> memref<1x20x512xi32, #tpu.memory_space<hbm>>
      %dma_start3A_45 = tpu.memref_squeeze %dma_start3A_44 : memref<1x20x512xi32, #tpu.memory_space<hbm>> -> memref<20x512xi32, #tpu.memory_space<hbm>>
      %dma_start3A_46 = arith.constant 0 : i32
      %dma_start3A_47 = arith.constant 0 : i32
      %dma_start3A_48 = tpu.memref_slice %arg3[%add3A, %dma_start3A_46, %dma_start3A_47] : memref<32x20x512xi32, #tpu.memory_space<hbm>> -> memref<1x20x512xi32, #tpu.memory_space<hbm>>
      %dma_start3A_49 = tpu.memref_squeeze %dma_start3A_48 : memref<1x20x512xi32, #tpu.memory_space<hbm>> -> memref<20x512xi32, #tpu.memory_space<hbm>>
      tpu.enqueue_dma source(%dma_start3A_49 : memref<20x512xi32, #tpu.memory_space<hbm>>) target(%arg7 : memref<20x512xi32, #tpu.memory_space<vmem>>) target_semaphore(%run_scoped3A : memref<!tpu.dma_semaphore, #tpu.memory_space<semaphore_mem>>)
      %dma_wait3A = arith.constant 0 : i32
      %dma_wait3A_50 = arith.constant 0 : i32
      %dma_wait3A_51 = tpu.memref_slice %arg3[%add3A, %dma_wait3A, %dma_wait3A_50] : memref<32x20x512xi32, #tpu.memory_space<hbm>> -> memref<1x20x512xi32, #tpu.memory_space<hbm>>
      %dma_wait3A_52 = tpu.memref_squeeze %dma_wait3A_51 : memref<1x20x512xi32, #tpu.memory_space<hbm>> -> memref<20x512xi32, #tpu.memory_space<hbm>>
      %dma_wait3A_53 = arith.constant 0 : i32
      %dma_wait3A_54 = arith.constant 0 : i32
      %dma_wait3A_55 = tpu.memref_slice %arg3[%add3A, %dma_wait3A_53, %dma_wait3A_54] : memref<32x20x512xi32, #tpu.memory_space<hbm>> -> memref<1x20x512xi32, #tpu.memory_space<hbm>>
      %dma_wait3A_56 = tpu.memref_squeeze %dma_wait3A_55 : memref<1x20x512xi32, #tpu.memory_space<hbm>> -> memref<20x512xi32, #tpu.memory_space<hbm>>
      tpu.wait_dma2 semaphore(%run_scoped3A : memref<!tpu.dma_semaphore, #tpu.memory_space<semaphore_mem>>) src(%dma_wait3A_56 : memref<20x512xi32, #tpu.memory_space<hbm>>) dst(%arg7 : memref<20x512xi32, #tpu.memory_space<vmem>>)
      tpu.yield
    }) : () -> ()
    %barrier3A = arith.constant 0 : index
    tpu.barrier barrier_id(%barrier3A)
    %scan3A_16 = arith.constant 0 : i32
    %scan3A_17 = arith.constant 0 : i32
    %scan3A_18 = arith.constant 20 : i32
    %scan3A_19 = arith.addi %scan3A_17, %scan3A_18 : i32
    %scan3A_20 = arith.constant 1 : i32
    scf.for %scan3A_43 = %scan3A_17 to %scan3A_19 step %scan3A_20  : i32 {
      %dma_start3A = arith.constant 0 : i32
      %dma_start3A_44 = tpu.memref_slice %arg6[%scan3A_43, %dma_start3A] : memref<20x512xi32, #tpu.memory_space<vmem>> -> memref<1x512xi32, #tpu.memory_space<vmem>>
      %dma_start3A_45 = tpu.memref_squeeze %dma_start3A_44 : memref<1x512xi32, #tpu.memory_space<vmem>> -> memref<512xi32, #tpu.memory_space<vmem>>
      %dma_start3A_46 = arith.constant 0 : i32
      %dma_start3A_47 = tpu.memref_slice %arg10[%dma_start3A_46] : memref<10240xf32, #tpu.memory_space<vmem_shared>> -> memref<10240xf32, #tpu.memory_space<vmem_shared>>
      tpu.enqueue_indirect_dma source(%arg8 : memref<512xf32, #tpu.memory_space<vmem>>) target(%dma_start3A_47 : memref<10240xf32, #tpu.memory_space<vmem_shared>>) offsets(%dma_start3A_45 : memref<512xi32, #tpu.memory_space<vmem>>) semaphore(%arg12 : memref<!tpu.dma_semaphore, #tpu.memory_space<semaphore_mem>>) {add = true}
      %dma_start3A_48 = arith.constant 0 : i32
      %dma_start3A_49 = tpu.memref_slice %arg7[%scan3A_43, %dma_start3A_48] : memref<20x512xi32, #tpu.memory_space<vmem>> -> memref<1x512xi32, #tpu.memory_space<vmem>>
      %dma_start3A_50 = tpu.memref_squeeze %dma_start3A_49 : memref<1x512xi32, #tpu.memory_space<vmem>> -> memref<512xi32, #tpu.memory_space<vmem>>
      %dma_start3A_51 = arith.constant 0 : i32
      %dma_start3A_52 = tpu.memref_slice %arg11[%dma_start3A_51] : memref<10240xf32, #tpu.memory_space<vmem_shared>> -> memref<10240xf32, #tpu.memory_space<vmem_shared>>
      tpu.enqueue_indirect_dma source(%arg8 : memref<512xf32, #tpu.memory_space<vmem>>) target(%dma_start3A_52 : memref<10240xf32, #tpu.memory_space<vmem_shared>>) offsets(%dma_start3A_50 : memref<512xi32, #tpu.memory_space<vmem>>) semaphore(%arg12 : memref<!tpu.dma_semaphore, #tpu.memory_space<semaphore_mem>>) {add = true}
    }
    %scan3A_21 = arith.constant 20 : i32
    %scan3A_22 = arith.constant 0 : i32
    %scan3A_23 = arith.constant 0 : i32
    %scan3A_24 = arith.constant 20 : i32
    %scan3A_25 = arith.addi %scan3A_23, %scan3A_24 : i32
    %scan3A_26 = arith.constant 1 : i32
    scf.for %scan3A_43 = %scan3A_23 to %scan3A_25 step %scan3A_26  : i32 {
      %dma_wait3A = arith.constant 0 : i32
      %dma_wait3A_44 = tpu.memref_slice %arg6[%scan3A_43, %dma_wait3A] : memref<20x512xi32, #tpu.memory_space<vmem>> -> memref<1x512xi32, #tpu.memory_space<vmem>>
      %dma_wait3A_45 = tpu.memref_squeeze %dma_wait3A_44 : memref<1x512xi32, #tpu.memory_space<vmem>> -> memref<512xi32, #tpu.memory_space<vmem>>
      %dma_wait3A_46 = arith.constant 0 : i32
      %dma_wait3A_47 = tpu.memref_slice %arg10[%dma_wait3A_46] : memref<10240xf32, #tpu.memory_space<vmem_shared>> -> memref<10240xf32, #tpu.memory_space<vmem_shared>>
      tpu.wait_indirect_dma semaphore(%arg12 : memref<!tpu.dma_semaphore, #tpu.memory_space<semaphore_mem>>) src(%arg8 : memref<512xf32, #tpu.memory_space<vmem>>) dst(%dma_wait3A_47 : memref<10240xf32, #tpu.memory_space<vmem_shared>>)
      %dma_wait3A_48 = arith.constant 0 : i32
      %dma_wait3A_49 = tpu.memref_slice %arg7[%scan3A_43, %dma_wait3A_48] : memref<20x512xi32, #tpu.memory_space<vmem>> -> memref<1x512xi32, #tpu.memory_space<vmem>>
      %dma_wait3A_50 = tpu.memref_squeeze %dma_wait3A_49 : memref<1x512xi32, #tpu.memory_space<vmem>> -> memref<512xi32, #tpu.memory_space<vmem>>
      %dma_wait3A_51 = arith.constant 0 : i32
      %dma_wait3A_52 = tpu.memref_slice %arg11[%dma_wait3A_51] : memref<10240xf32, #tpu.memory_space<vmem_shared>> -> memref<10240xf32, #tpu.memory_space<vmem_shared>>
      tpu.wait_indirect_dma semaphore(%arg12 : memref<!tpu.dma_semaphore, #tpu.memory_space<semaphore_mem>>) src(%arg8 : memref<512xf32, #tpu.memory_space<vmem>>) dst(%dma_wait3A_52 : memref<10240xf32, #tpu.memory_space<vmem_shared>>)
    }
    %scan3A_27 = arith.constant 20 : i32
    %barrier3A_28 = arith.constant 0 : index
    tpu.barrier barrier_id(%barrier3A_28)
    %mul3A_29 = arith.constant 640 : i32
    %mul3A_30 = arith.muli %arg1, %mul3A_29 : i32
    %mul3A_31 = arith.constant 10240 : i32
    %mul3A_32 = arith.muli %arg0, %mul3A_31 : i32
    %mul3A_33 = arith.constant 640 : i32
    %mul3A_34 = arith.muli %arg1, %mul3A_33 : i32
    %add3A_35 = arith.addi %mul3A_32, %mul3A_34 : i32
    "tpu.region"() ({
      %run_scoped3A = tpu.sem_alloc : memref<!tpu.dma_semaphore, #tpu.memory_space<semaphore_mem>>
      %dma_start3A = tpu.memref_slice %arg4[%add3A_35] : memref<20480xf32, #tpu.memory_space<hbm>> -> memref<640xf32, #tpu.memory_space<hbm>>
      %dma_start3A_43 = tpu.memref_slice %arg10[%mul3A_30] : memref<10240xf32, #tpu.memory_space<vmem_shared>> -> memref<640xf32, #tpu.memory_space<vmem_shared>>
      tpu.enqueue_dma source(%dma_start3A_43 : memref<640xf32, #tpu.memory_space<vmem_shared>>) target(%dma_start3A : memref<640xf32, #tpu.memory_space<hbm>>) target_semaphore(%run_scoped3A : memref<!tpu.dma_semaphore, #tpu.memory_space<semaphore_mem>>)
      %dma_wait3A = tpu.memref_slice %arg4[%add3A_35] : memref<20480xf32, #tpu.memory_space<hbm>> -> memref<640xf32, #tpu.memory_space<hbm>>
      %dma_wait3A_44 = tpu.memref_slice %arg10[%mul3A_30] : memref<10240xf32, #tpu.memory_space<vmem_shared>> -> memref<640xf32, #tpu.memory_space<vmem_shared>>
      tpu.wait_dma2 semaphore(%run_scoped3A : memref<!tpu.dma_semaphore, #tpu.memory_space<semaphore_mem>>) src(%dma_wait3A_44 : memref<640xf32, #tpu.memory_space<vmem_shared>>) dst(%dma_wait3A : memref<640xf32, #tpu.memory_space<hbm>>)
      tpu.yield
    }) : () -> ()
    %mul3A_36 = arith.constant 640 : i32
    %mul3A_37 = arith.muli %arg1, %mul3A_36 : i32
    %mul3A_38 = arith.constant 10240 : i32
    %mul3A_39 = arith.muli %arg0, %mul3A_38 : i32
    %mul3A_40 = arith.constant 640 : i32
    %mul3A_41 = arith.muli %arg1, %mul3A_40 : i32
    %add3A_42 = arith.addi %mul3A_39, %mul3A_41 : i32
    "tpu.region"() ({
      %run_scoped3A = tpu.sem_alloc : memref<!tpu.dma_semaphore, #tpu.memory_space<semaphore_mem>>
      %dma_start3A = tpu.memref_slice %arg5[%add3A_42] : memref<20480xf32, #tpu.memory_space<hbm>> -> memref<640xf32, #tpu.memory_space<hbm>>
      %dma_start3A_43 = tpu.memref_slice %arg11[%mul3A_37] : memref<10240xf32, #tpu.memory_space<vmem_shared>> -> memref<640xf32, #tpu.memory_space<vmem_shared>>
      tpu.enqueue_dma source(%dma_start3A_43 : memref<640xf32, #tpu.memory_space<vmem_shared>>) target(%dma_start3A : memref<640xf32, #tpu.memory_space<hbm>>) target_semaphore(%run_scoped3A : memref<!tpu.dma_semaphore, #tpu.memory_space<semaphore_mem>>)
      %dma_wait3A = tpu.memref_slice %arg5[%add3A_42] : memref<20480xf32, #tpu.memory_space<hbm>> -> memref<640xf32, #tpu.memory_space<hbm>>
      %dma_wait3A_44 = tpu.memref_slice %arg11[%mul3A_37] : memref<10240xf32, #tpu.memory_space<vmem_shared>> -> memref<640xf32, #tpu.memory_space<vmem_shared>>
      tpu.wait_dma2 semaphore(%run_scoped3A : memref<!tpu.dma_semaphore, #tpu.memory_space<semaphore_mem>>) src(%dma_wait3A_44 : memref<640xf32, #tpu.memory_space<vmem_shared>>) dst(%dma_wait3A : memref<640xf32, #tpu.memory_space<hbm>>)
      tpu.yield
    }) : () -> ()
    return
  }
}

#map = affine_map<(d0, d1) -> (0, 0)>
#map1 = affine_map<(d0, d1) -> (0, 0, 0)>
module attributes {stable_mosaic.version = 14 : i64} {
  func.func @k(%arg0: i32, %arg1: i32, %arg2: memref<10240x16xf32, #tpu.memory_space<hbm>>, %arg3: memref<32x20x512xi32, #tpu.memory_space<hbm>>, %arg4: memref<32x20x512xi32, #tpu.memory_space<hbm>>, %arg5: memref<20480x16xf32, #tpu.memory_space<hbm>>, %arg6: memref<20x512xi32, #tpu.memory_space<vmem>>, %arg7: memref<20x512xi32, #tpu.memory_space<vmem>>, %arg8: memref<10x512x16xf32, #tpu.memory_space<vmem>>, %arg9: memref<640x16xf32, #tpu.memory_space<vmem>>, %arg10: memref<10240x16xf32, #tpu.memory_space<vmem_shared>>, %arg11: memref<!tpu.dma_semaphore, #tpu.memory_space<semaphore_mem>>, %arg12: memref<!tpu.dma_semaphore, #tpu.memory_space<semaphore_mem>>, %arg13: memref<!tpu.dma_semaphore, #tpu.memory_space<semaphore_mem>>, %arg14: memref<!tpu.dma_semaphore, #tpu.memory_space<semaphore_mem>>) attributes {dimension_semantics = [#tpu.dimension_semantics<core_parallel>, #tpu.dimension_semantics<subcore_parallel>], iteration_bounds = array<i64: 2, 16>, scalar_prefetch = 0 : i64, scratch_operands = 9 : i64, tpu.core_type = #tpu.core_type<sc_vector_subcore>, window_params = [{transform_indices = #map}, {transform_indices = #map1}, {transform_indices = #map1}, {transform_indices = #map}]} {
    %mul3A = arith.constant 16 : i32
    %mul3A_0 = arith.muli %arg0, %mul3A : i32
    %add3A = arith.addi %mul3A_0, %arg1 : i32
    %scan3A = arith.constant 0 : i32
    %scan3A_1 = arith.constant 0 : i32
    %scan3A_2 = arith.constant 640 : i32
    %scan3A_3 = arith.addi %scan3A_1, %scan3A_2 : i32
    %scan3A_4 = arith.constant 1 : i32
    scf.for %scan3A_141 = %scan3A_1 to %scan3A_3 step %scan3A_4  : i32 {
      %broadcast_in_dim3A = arith.constant 0.000000e+00 : f32
      %broadcast_in_dim3A_142 = vector.broadcast %broadcast_in_dim3A : f32 to vector<16xf32>
      %swap3A = arith.index_cast %scan3A_141 : i32 to index
      %swap3A_143 = arith.constant 0 : index
      %swap3A_144 = tpu.vector_load %arg9[%swap3A, %swap3A_143] {strides = array<i32>} : memref<640x16xf32, #tpu.memory_space<vmem>>, vector<1x16xf32>,
      %swap3A_145 = vector.shape_cast %swap3A_144 : vector<1x16xf32> to vector<16xf32>
      %swap3A_146 = vector.shape_cast %broadcast_in_dim3A_142 : vector<16xf32> to vector<1x16xf32>
      tpu.vector_store %arg9[%swap3A, %swap3A_143], %swap3A_146 {strides = array<i32>} : memref<640x16xf32, #tpu.memory_space<vmem>>, vector<1x16xf32>,
    }
    %scan3A_5 = arith.constant 640 : i32
    %mul3A_6 = arith.constant 640 : i32
    %mul3A_7 = arith.muli %arg1, %mul3A_6 : i32
    "tpu.region"() ({
      %run_scoped3A = tpu.sem_alloc : memref<!tpu.dma_semaphore, #tpu.memory_space<semaphore_mem>>
      %dma_start3A = arith.constant 0 : i32
      %dma_start3A_141 = tpu.memref_slice %arg10[%mul3A_7, %dma_start3A] : memref<10240x16xf32, #tpu.memory_space<vmem_shared>> -> memref<640x16xf32, #tpu.memory_space<vmem_shared>>
      %dma_start3A_142 = arith.constant 0 : i32
      %dma_start3A_143 = tpu.memref_slice %arg10[%mul3A_7, %dma_start3A_142] : memref<10240x16xf32, #tpu.memory_space<vmem_shared>> -> memref<640x16xf32, #tpu.memory_space<vmem_shared>>
      tpu.enqueue_dma source(%arg9 : memref<640x16xf32, #tpu.memory_space<vmem>>) target(%dma_start3A_143 : memref<640x16xf32, #tpu.memory_space<vmem_shared>>) target_semaphore(%run_scoped3A : memref<!tpu.dma_semaphore, #tpu.memory_space<semaphore_mem>>)
      %dma_wait3A_144 = arith.constant 0 : i32
      %dma_wait3A_145 = tpu.memref_slice %arg10[%mul3A_7, %dma_wait3A_144] : memref<10240x16xf32, #tpu.memory_space<vmem_shared>> -> memref<640x16xf32, #tpu.memory_space<vmem_shared>>
      %dma_wait3A_146 = arith.constant 0 : i32
      %dma_wait3A_147 = tpu.memref_slice %arg10[%mul3A_7, %dma_wait3A_146] : memref<10240x16xf32, #tpu.memory_space<vmem_shared>> -> memref<640x16xf32, #tpu.memory_space<vmem_shared>>
      tpu.wait_dma2 semaphore(%run_scoped3A : memref<!tpu.dma_semaphore, #tpu.memory_space<semaphore_mem>>) src(%arg9 : memref<640x16xf32, #tpu.memory_space<vmem>>) dst(%dma_wait3A_147 : memref<640x16xf32, #tpu.memory_space<vmem_shared>>)
      tpu.yield
    }) : () -> ()
    "tpu.region"() ({
      %run_scoped3A = tpu.sem_alloc : memref<!tpu.dma_semaphore, #tpu.memory_space<semaphore_mem>>
      %dma_start3A = arith.constant 0 : i32
      %dma_start3A_141 = arith.constant 0 : i32
      %dma_start3A_142 = tpu.memref_slice %arg3[%add3A, %dma_start3A, %dma_start3A_141] : memref<32x20x512xi32, #tpu.memory_space<hbm>> -> memref<1x20x512xi32, #tpu.memory_space<hbm>>
      %dma_start3A_143 = tpu.memref_squeeze %dma_start3A_142 : memref<1x20x512xi32, #tpu.memory_space<hbm>> -> memref<20x512xi32, #tpu.memory_space<hbm>>
      %dma_start3A_144 = arith.constant 0 : i32
      %dma_start3A_145 = arith.constant 0 : i32
      %dma_start3A_146 = tpu.memref_slice %arg3[%add3A, %dma_start3A_144, %dma_start3A_145] : memref<32x20x512xi32, #tpu.memory_space<hbm>> -> memref<1x20x512xi32, #tpu.memory_space<hbm>>
      %dma_start3A_147 = tpu.memref_squeeze %dma_start3A_146 : memref<1x20x512xi32, #tpu.memory_space<hbm>> -> memref<20x512xi32, #tpu.memory_space<hbm>>
      tpu.enqueue_dma source(%dma_start3A_147 : memref<20x512xi32, #tpu.memory_space<hbm>>) target(%arg6 : memref<20x512xi32, #tpu.memory_space<vmem>>) target_semaphore(%run_scoped3A : memref<!tpu.dma_semaphore, #tpu.memory_space<semaphore_mem>>)
      %dma_wait3A_148 = arith.constant 0 : i32
      %dma_wait3A_149 = arith.constant 0 : i32
      %dma_wait3A_150 = tpu.memref_slice %arg3[%add3A, %dma_wait3A_148, %dma_wait3A_149] : memref<32x20x512xi32, #tpu.memory_space<hbm>> -> memref<1x20x512xi32, #tpu.memory_space<hbm>>
      %dma_wait3A_151 = tpu.memref_squeeze %dma_wait3A_150 : memref<1x20x512xi32, #tpu.memory_space<hbm>> -> memref<20x512xi32, #tpu.memory_space<hbm>>
      %dma_wait3A_152 = arith.constant 0 : i32
      %dma_wait3A_153 = arith.constant 0 : i32
      %dma_wait3A_154 = tpu.memref_slice %arg3[%add3A, %dma_wait3A_152, %dma_wait3A_153] : memref<32x20x512xi32, #tpu.memory_space<hbm>> -> memref<1x20x512xi32, #tpu.memory_space<hbm>>
      %dma_wait3A_155 = tpu.memref_squeeze %dma_wait3A_154 : memref<1x20x512xi32, #tpu.memory_space<hbm>> -> memref<20x512xi32, #tpu.memory_space<hbm>>
      tpu.wait_dma2 semaphore(%run_scoped3A : memref<!tpu.dma_semaphore, #tpu.memory_space<semaphore_mem>>) src(%dma_wait3A_155 : memref<20x512xi32, #tpu.memory_space<hbm>>) dst(%arg6 : memref<20x512xi32, #tpu.memory_space<vmem>>)
      tpu.yield
    }) : () -> ()
    "tpu.region"() ({
      %run_scoped3A = tpu.sem_alloc : memref<!tpu.dma_semaphore, #tpu.memory_space<semaphore_mem>>
      %dma_start3A = arith.constant 0 : i32
      %dma_start3A_141 = arith.constant 0 : i32
      %dma_start3A_142 = tpu.memref_slice %arg4[%add3A, %dma_start3A, %dma_start3A_141] : memref<32x20x512xi32, #tpu.memory_space<hbm>> -> memref<1x20x512xi32, #tpu.memory_space<hbm>>
      %dma_start3A_143 = tpu.memref_squeeze %dma_start3A_142 : memref<1x20x512xi32, #tpu.memory_space<hbm>> -> memref<20x512xi32, #tpu.memory_space<hbm>>
      %dma_start3A_144 = arith.constant 0 : i32
      %dma_start3A_145 = arith.constant 0 : i32
      %dma_start3A_146 = tpu.memref_slice %arg4[%add3A, %dma_start3A_144, %dma_start3A_145] : memref<32x20x512xi32, #tpu.memory_space<hbm>> -> memref<1x20x512xi32, #tpu.memory_space<hbm>>
      %dma_start3A_147 = tpu.memref_squeeze %dma_start3A_146 : memref<1x20x512xi32, #tpu.memory_space<hbm>> -> memref<20x512xi32, #tpu.memory_space<hbm>>
      tpu.enqueue_dma source(%dma_start3A_147 : memref<20x512xi32, #tpu.memory_space<hbm>>) target(%arg7 : memref<20x512xi32, #tpu.memory_space<vmem>>) target_semaphore(%run_scoped3A : memref<!tpu.dma_semaphore, #tpu.memory_space<semaphore_mem>>)
      %dma_wait3A_148 = arith.constant 0 : i32
      %dma_wait3A_149 = arith.constant 0 : i32
      %dma_wait3A_150 = tpu.memref_slice %arg4[%add3A, %dma_wait3A_148, %dma_wait3A_149] : memref<32x20x512xi32, #tpu.memory_space<hbm>> -> memref<1x20x512xi32, #tpu.memory_space<hbm>>
      %dma_wait3A_151 = tpu.memref_squeeze %dma_wait3A_150 : memref<1x20x512xi32, #tpu.memory_space<hbm>> -> memref<20x512xi32, #tpu.memory_space<hbm>>
      %dma_wait3A_152 = arith.constant 0 : i32
      %dma_wait3A_153 = arith.constant 0 : i32
      %dma_wait3A_154 = tpu.memref_slice %arg4[%add3A, %dma_wait3A_152, %dma_wait3A_153] : memref<32x20x512xi32, #tpu.memory_space<hbm>> -> memref<1x20x512xi32, #tpu.memory_space<hbm>>
      %dma_wait3A_155 = tpu.memref_squeeze %dma_wait3A_154 : memref<1x20x512xi32, #tpu.memory_space<hbm>> -> memref<20x512xi32, #tpu.memory_space<hbm>>
      tpu.wait_dma2 semaphore(%run_scoped3A : memref<!tpu.dma_semaphore, #tpu.memory_space<semaphore_mem>>) src(%dma_wait3A_155 : memref<20x512xi32, #tpu.memory_space<hbm>>) dst(%arg7 : memref<20x512xi32, #tpu.memory_space<vmem>>)
      tpu.yield
    }) : () -> ()
    %barrier3A = arith.constant 0 : index
    tpu.barrier barrier_id(%barrier3A)
    %scan3A_8 = arith.constant 0 : i32
    %scan3A_9 = arith.constant 0 : i32
    %scan3A_10 = arith.constant 2 : i32
    %scan3A_11 = arith.addi %scan3A_9, %scan3A_10 : i32
    %scan3A_12 = arith.constant 1 : i32
    scf.for %scan3A_141 = %scan3A_9 to %scan3A_11 step %scan3A_12  : i32 {
      %mul3A_142 = arith.constant 2 : i32
      %mul3A_143 = arith.muli %mul3A_142, %scan3A_141 : i32
      %add3A_144 = arith.constant 0 : i32
      %add3A_145 = arith.addi %mul3A_143, %add3A_144 : i32
      %ge3A = arith.constant 1 : i32
      %ge3A_146 = arith.cmpi sge, %scan3A_141, %ge3A : i32
      %convert_element_type3A = arith.extui %ge3A_146 : i1 to i32
      %cond3A = arith.constant 0 : i32
      %cond3A_147 = arith.cmpi ne, %convert_element_type3A, %cond3A : i32
      scf.if %cond3A_147 {
        %sub3A = arith.constant 2 : i32
        %sub3A_606 = arith.subi %add3A_145, %sub3A : i32
        %mul3A_607 = arith.constant 5 : i32
        %mul3A_608 = arith.muli %sub3A_606, %mul3A_607 : i32
        %add3A_609 = arith.constant 0 : i32
        %add3A_610 = arith.addi %mul3A_608, %add3A_609 : i32
        %dma_wait3A_611 = arith.constant 0 : i32
        %dma_wait3A_612 = arith.constant 0 : i32
        %dma_wait3A_613 = arith.constant 0 : i32
        %dma_wait3A_614 = tpu.memref_slice %arg8[%dma_wait3A_611, %dma_wait3A_612, %dma_wait3A_613] : memref<10x512x16xf32, #tpu.memory_space<vmem>> -> memref<1x512x16xf32, #tpu.memory_space<vmem>>
        %dma_wait3A_615 = tpu.memref_squeeze %dma_wait3A_614 : memref<1x512x16xf32, #tpu.memory_space<vmem>> -> memref<512x16xf32, #tpu.memory_space<vmem>>
        %dma_wait3A_616 = arith.constant 0 : i32
        %dma_wait3A_617 = tpu.memref_slice %arg7[%add3A_610, %dma_wait3A_616] : memref<20x512xi32, #tpu.memory_space<vmem>> -> memref<1x512xi32, #tpu.memory_space<vmem>>
        %dma_wait3A_618 = tpu.memref_squeeze %dma_wait3A_617 : memref<1x512xi32, #tpu.memory_space<vmem>> -> memref<512xi32, #tpu.memory_space<vmem>>
        %dma_wait3A_619 = arith.constant 0 : i32
        %dma_wait3A_620 = arith.constant 0 : i32
        %dma_wait3A_621 = tpu.memref_slice %arg10[%dma_wait3A_619, %dma_wait3A_620] : memref<10240x16xf32, #tpu.memory_space<vmem_shared>> -> memref<10240x16xf32, #tpu.memory_space<vmem_shared>>
        tpu.wait_indirect_dma semaphore(%arg13 : memref<!tpu.dma_semaphore, #tpu.memory_space<semaphore_mem>>) src(%dma_wait3A_615 : memref<512x16xf32, #tpu.memory_space<vmem>>) dst(%dma_wait3A_621 : memref<10240x16xf32, #tpu.memory_space<vmem_shared>>)
        %sub3A_622 = arith.constant 2 : i32
        %sub3A_623 = arith.subi %add3A_145, %sub3A_622 : i32
        %mul3A_624 = arith.constant 5 : i32
        %mul3A_625 = arith.muli %sub3A_623, %mul3A_624 : i32
        %add3A_626 = arith.constant 1 : i32
        %add3A_627 = arith.addi %mul3A_625, %add3A_626 : i32
        %dma_wait3A_628 = arith.constant 1 : i32
        %dma_wait3A_629 = arith.constant 0 : i32
        %dma_wait3A_630 = arith.constant 0 : i32
        %dma_wait3A_631 = tpu.memref_slice %arg8[%dma_wait3A_628, %dma_wait3A_629, %dma_wait3A_630] : memref<10x512x16xf32, #tpu.memory_space<vmem>> -> memref<1x512x16xf32, #tpu.memory_space<vmem>>
        %dma_wait3A_632 = tpu.memref_squeeze %dma_wait3A_631 : memref<1x512x16xf32, #tpu.memory_space<vmem>> -> memref<512x16xf32, #tpu.memory_space<vmem>>
        %dma_wait3A_633 = arith.constant 0 : i32
        %dma_wait3A_634 = tpu.memref_slice %arg7[%add3A_627, %dma_wait3A_633] : memref<20x512xi32, #tpu.memory_space<vmem>> -> memref<1x512xi32, #tpu.memory_space<vmem>>
        %dma_wait3A_635 = tpu.memref_squeeze %dma_wait3A_634 : memref<1x512xi32, #tpu.memory_space<vmem>> -> memref<512xi32, #tpu.memory_space<vmem>>
        %dma_wait3A_636 = arith.constant 0 : i32
        %dma_wait3A_637 = arith.constant 0 : i32
        %dma_wait3A_638 = tpu.memref_slice %arg10[%dma_wait3A_636, %dma_wait3A_637] : memref<10240x16xf32, #tpu.memory_space<vmem_shared>> -> memref<10240x16xf32, #tpu.memory_space<vmem_shared>>
        tpu.wait_indirect_dma semaphore(%arg13 : memref<!tpu.dma_semaphore, #tpu.memory_space<semaphore_mem>>) src(%dma_wait3A_632 : memref<512x16xf32, #tpu.memory_space<vmem>>) dst(%dma_wait3A_638 : memref<10240x16xf32, #tpu.memory_space<vmem_shared>>)
        %sub3A_639 = arith.constant 2 : i32
        %sub3A_640 = arith.subi %add3A_145, %sub3A_639 : i32
        %mul3A_641 = arith.constant 5 : i32
        %mul3A_642 = arith.muli %sub3A_640, %mul3A_641 : i32
        %add3A_643 = arith.constant 2 : i32
        %add3A_644 = arith.addi %mul3A_642, %add3A_643 : i32
        %dma_wait3A_645 = arith.constant 2 : i32
        %dma_wait3A_646 = arith.constant 0 : i32
        %dma_wait3A_647 = arith.constant 0 : i32
        %dma_wait3A_648 = tpu.memref_slice %arg8[%dma_wait3A_645, %dma_wait3A_646, %dma_wait3A_647] : memref<10x512x16xf32, #tpu.memory_space<vmem>> -> memref<1x512x16xf32, #tpu.memory_space<vmem>>
        %dma_wait3A_649 = tpu.memref_squeeze %dma_wait3A_648 : memref<1x512x16xf32, #tpu.memory_space<vmem>> -> memref<512x16xf32, #tpu.memory_space<vmem>>
        %dma_wait3A_650 = arith.constant 0 : i32
        %dma_wait3A_651 = tpu.memref_slice %arg7[%add3A_644, %dma_wait3A_650] : memref<20x512xi32, #tpu.memory_space<vmem>> -> memref<1x512xi32, #tpu.memory_space<vmem>>
        %dma_wait3A_652 = tpu.memref_squeeze %dma_wait3A_651 : memref<1x512xi32, #tpu.memory_space<vmem>> -> memref<512xi32, #tpu.memory_space<vmem>>
        %dma_wait3A_653 = arith.constant 0 : i32
        %dma_wait3A_654 = arith.constant 0 : i32
        %dma_wait3A_655 = tpu.memref_slice %arg10[%dma_wait3A_653, %dma_wait3A_654] : memref<10240x16xf32, #tpu.memory_space<vmem_shared>> -> memref<10240x16xf32, #tpu.memory_space<vmem_shared>>
        tpu.wait_indirect_dma semaphore(%arg13 : memref<!tpu.dma_semaphore, #tpu.memory_space<semaphore_mem>>) src(%dma_wait3A_649 : memref<512x16xf32, #tpu.memory_space<vmem>>) dst(%dma_wait3A_655 : memref<10240x16xf32, #tpu.memory_space<vmem_shared>>)
        %sub3A_656 = arith.constant 2 : i32
        %sub3A_657 = arith.subi %add3A_145, %sub3A_656 : i32
        %mul3A_658 = arith.constant 5 : i32
        %mul3A_659 = arith.muli %sub3A_657, %mul3A_658 : i32
        %add3A_660 = arith.constant 3 : i32
        %add3A_661 = arith.addi %mul3A_659, %add3A_660 : i32
        %dma_wait3A_662 = arith.constant 3 : i32
        %dma_wait3A_663 = arith.constant 0 : i32
        %dma_wait3A_664 = arith.constant 0 : i32
        %dma_wait3A_665 = tpu.memref_slice %arg8[%dma_wait3A_662, %dma_wait3A_663, %dma_wait3A_664] : memref<10x512x16xf32, #tpu.memory_space<vmem>> -> memref<1x512x16xf32, #tpu.memory_space<vmem>>
        %dma_wait3A_666 = tpu.memref_squeeze %dma_wait3A_665 : memref<1x512x16xf32, #tpu.memory_space<vmem>> -> memref<512x16xf32, #tpu.memory_space<vmem>>
        %dma_wait3A_667 = arith.constant 0 : i32
        %dma_wait3A_668 = tpu.memref_slice %arg7[%add3A_661, %dma_wait3A_667] : memref<20x512xi32, #tpu.memory_space<vmem>> -> memref<1x512xi32, #tpu.memory_space<vmem>>
        %dma_wait3A_669 = tpu.memref_squeeze %dma_wait3A_668 : memref<1x512xi32, #tpu.memory_space<vmem>> -> memref<512xi32, #tpu.memory_space<vmem>>
        %dma_wait3A_670 = arith.constant 0 : i32
        %dma_wait3A_671 = arith.constant 0 : i32
        %dma_wait3A_672 = tpu.memref_slice %arg10[%dma_wait3A_670, %dma_wait3A_671] : memref<10240x16xf32, #tpu.memory_space<vmem_shared>> -> memref<10240x16xf32, #tpu.memory_space<vmem_shared>>
        tpu.wait_indirect_dma semaphore(%arg13 : memref<!tpu.dma_semaphore, #tpu.memory_space<semaphore_mem>>) src(%dma_wait3A_666 : memref<512x16xf32, #tpu.memory_space<vmem>>) dst(%dma_wait3A_672 : memref<10240x16xf32, #tpu.memory_space<vmem_shared>>)
        %sub3A_673 = arith.constant 2 : i32
        %sub3A_674 = arith.subi %add3A_145, %sub3A_673 : i32
        %mul3A_675 = arith.constant 5 : i32
        %mul3A_676 = arith.muli %sub3A_674, %mul3A_675 : i32
        %add3A_677 = arith.constant 4 : i32
        %add3A_678 = arith.addi %mul3A_676, %add3A_677 : i32
        %dma_wait3A_679 = arith.constant 4 : i32
        %dma_wait3A_680 = arith.constant 0 : i32
        %dma_wait3A_681 = arith.constant 0 : i32
        %dma_wait3A_682 = tpu.memref_slice %arg8[%dma_wait3A_679, %dma_wait3A_680, %dma_wait3A_681] : memref<10x512x16xf32, #tpu.memory_space<vmem>> -> memref<1x512x16xf32, #tpu.memory_space<vmem>>
        %dma_wait3A_683 = tpu.memref_squeeze %dma_wait3A_682 : memref<1x512x16xf32, #tpu.memory_space<vmem>> -> memref<512x16xf32, #tpu.memory_space<vmem>>
        %dma_wait3A_684 = arith.constant 0 : i32
        %dma_wait3A_685 = tpu.memref_slice %arg7[%add3A_678, %dma_wait3A_684] : memref<20x512xi32, #tpu.memory_space<vmem>> -> memref<1x512xi32, #tpu.memory_space<vmem>>
        %dma_wait3A_686 = tpu.memref_squeeze %dma_wait3A_685 : memref<1x512xi32, #tpu.memory_space<vmem>> -> memref<512xi32, #tpu.memory_space<vmem>>
        %dma_wait3A_687 = arith.constant 0 : i32
        %dma_wait3A_688 = arith.constant 0 : i32
        %dma_wait3A_689 = tpu.memref_slice %arg10[%dma_wait3A_687, %dma_wait3A_688] : memref<10240x16xf32, #tpu.memory_space<vmem_shared>> -> memref<10240x16xf32, #tpu.memory_space<vmem_shared>>
        tpu.wait_indirect_dma semaphore(%arg13 : memref<!tpu.dma_semaphore, #tpu.memory_space<semaphore_mem>>) src(%dma_wait3A_683 : memref<512x16xf32, #tpu.memory_space<vmem>>) dst(%dma_wait3A_689 : memref<10240x16xf32, #tpu.memory_space<vmem_shared>>)
      } else {
      }
      %mul3A_148 = arith.constant 5 : i32
      %mul3A_149 = arith.muli %add3A_145, %mul3A_148 : i32
      %add3A_150 = arith.constant 0 : i32
      %add3A_151 = arith.addi %mul3A_149, %add3A_150 : i32
      %dma_start3A = arith.constant 0 : i32
      %dma_start3A_152 = arith.constant 0 : i32
      %dma_start3A_153 = arith.constant 0 : i32
      %dma_start3A_154 = tpu.memref_slice %arg8[%dma_start3A, %dma_start3A_152, %dma_start3A_153] : memref<10x512x16xf32, #tpu.memory_space<vmem>> -> memref<1x512x16xf32, #tpu.memory_space<vmem>>
      %dma_start3A_155 = tpu.memref_squeeze %dma_start3A_154 : memref<1x512x16xf32, #tpu.memory_space<vmem>> -> memref<512x16xf32, #tpu.memory_space<vmem>>
      %dma_start3A_156 = arith.constant 0 : i32
      %dma_start3A_157 = tpu.memref_slice %arg6[%add3A_151, %dma_start3A_156] : memref<20x512xi32, #tpu.memory_space<vmem>> -> memref<1x512xi32, #tpu.memory_space<vmem>>
      %dma_start3A_158 = tpu.memref_squeeze %dma_start3A_157 : memref<1x512xi32, #tpu.memory_space<vmem>> -> memref<512xi32, #tpu.memory_space<vmem>>
      %dma_start3A_159 = arith.constant 0 : i32
      %dma_start3A_160 = arith.constant 0 : i32
      %dma_start3A_161 = tpu.memref_slice %arg2[%dma_start3A_159, %dma_start3A_160] : memref<10240x16xf32, #tpu.memory_space<hbm>> -> memref<10240x16xf32, #tpu.memory_space<hbm>>
      tpu.enqueue_indirect_dma source(%dma_start3A_161 : memref<10240x16xf32, #tpu.memory_space<hbm>>) target(%dma_start3A_155 : memref<512x16xf32, #tpu.memory_space<vmem>>) offsets(%dma_start3A_158 : memref<512xi32, #tpu.memory_space<vmem>>) semaphore(%arg11 : memref<!tpu.dma_semaphore, #tpu.memory_space<semaphore_mem>>)
      %mul3A_162 = arith.constant 5 : i32
      %mul3A_163 = arith.muli %add3A_145, %mul3A_162 : i32
      %add3A_164 = arith.constant 1 : i32
      %add3A_165 = arith.addi %mul3A_163, %add3A_164 : i32
      %dma_start3A_166 = arith.constant 1 : i32
      %dma_start3A_167 = arith.constant 0 : i32
      %dma_start3A_168 = arith.constant 0 : i32
      %dma_start3A_169 = tpu.memref_slice %arg8[%dma_start3A_166, %dma_start3A_167, %dma_start3A_168] : memref<10x512x16xf32, #tpu.memory_space<vmem>> -> memref<1x512x16xf32, #tpu.memory_space<vmem>>
      %dma_start3A_170 = tpu.memref_squeeze %dma_start3A_169 : memref<1x512x16xf32, #tpu.memory_space<vmem>> -> memref<512x16xf32, #tpu.memory_space<vmem>>
      %dma_start3A_171 = arith.constant 0 : i32
      %dma_start3A_172 = tpu.memref_slice %arg6[%add3A_165, %dma_start3A_171] : memref<20x512xi32, #tpu.memory_space<vmem>> -> memref<1x512xi32, #tpu.memory_space<vmem>>
      %dma_start3A_173 = tpu.memref_squeeze %dma_start3A_172 : memref<1x512xi32, #tpu.memory_space<vmem>> -> memref<512xi32, #tpu.memory_space<vmem>>
      %dma_start3A_174 = arith.constant 0 : i32
      %dma_start3A_175 = arith.constant 0 : i32
      %dma_start3A_176 = tpu.memref_slice %arg2[%dma_start3A_174, %dma_start3A_175] : memref<10240x16xf32, #tpu.memory_space<hbm>> -> memref<10240x16xf32, #tpu.memory_space<hbm>>
      tpu.enqueue_indirect_dma source(%dma_start3A_176 : memref<10240x16xf32, #tpu.memory_space<hbm>>) target(%dma_start3A_170 : memref<512x16xf32, #tpu.memory_space<vmem>>) offsets(%dma_start3A_173 : memref<512xi32, #tpu.memory_space<vmem>>) semaphore(%arg11 : memref<!tpu.dma_semaphore, #tpu.memory_space<semaphore_mem>>)
      %mul3A_177 = arith.constant 5 : i32
      %mul3A_178 = arith.muli %add3A_145, %mul3A_177 : i32
      %add3A_179 = arith.constant 2 : i32
      %add3A_180 = arith.addi %mul3A_178, %add3A_179 : i32
      %dma_start3A_181 = arith.constant 2 : i32
      %dma_start3A_182 = arith.constant 0 : i32
      %dma_start3A_183 = arith.constant 0 : i32
      %dma_start3A_184 = tpu.memref_slice %arg8[%dma_start3A_181, %dma_start3A_182, %dma_start3A_183] : memref<10x512x16xf32, #tpu.memory_space<vmem>> -> memref<1x512x16xf32, #tpu.memory_space<vmem>>
      %dma_start3A_185 = tpu.memref_squeeze %dma_start3A_184 : memref<1x512x16xf32, #tpu.memory_space<vmem>> -> memref<512x16xf32, #tpu.memory_space<vmem>>
      %dma_start3A_186 = arith.constant 0 : i32
      %dma_start3A_187 = tpu.memref_slice %arg6[%add3A_180, %dma_start3A_186] : memref<20x512xi32, #tpu.memory_space<vmem>> -> memref<1x512xi32, #tpu.memory_space<vmem>>
      %dma_start3A_188 = tpu.memref_squeeze %dma_start3A_187 : memref<1x512xi32, #tpu.memory_space<vmem>> -> memref<512xi32, #tpu.memory_space<vmem>>
      %dma_start3A_189 = arith.constant 0 : i32
      %dma_start3A_190 = arith.constant 0 : i32
      %dma_start3A_191 = tpu.memref_slice %arg2[%dma_start3A_189, %dma_start3A_190] : memref<10240x16xf32, #tpu.memory_space<hbm>> -> memref<10240x16xf32, #tpu.memory_space<hbm>>
      tpu.enqueue_indirect_dma source(%dma_start3A_191 : memref<10240x16xf32, #tpu.memory_space<hbm>>) target(%dma_start3A_185 : memref<512x16xf32, #tpu.memory_space<vmem>>) offsets(%dma_start3A_188 : memref<512xi32, #tpu.memory_space<vmem>>) semaphore(%arg11 : memref<!tpu.dma_semaphore, #tpu.memory_space<semaphore_mem>>)
      %mul3A_192 = arith.constant 5 : i32
      %mul3A_193 = arith.muli %add3A_145, %mul3A_192 : i32
      %add3A_194 = arith.constant 3 : i32
      %add3A_195 = arith.addi %mul3A_193, %add3A_194 : i32
      %dma_start3A_196 = arith.constant 3 : i32
      %dma_start3A_197 = arith.constant 0 : i32
      %dma_start3A_198 = arith.constant 0 : i32
      %dma_start3A_199 = tpu.memref_slice %arg8[%dma_start3A_196, %dma_start3A_197, %dma_start3A_198] : memref<10x512x16xf32, #tpu.memory_space<vmem>> -> memref<1x512x16xf32, #tpu.memory_space<vmem>>
      %dma_start3A_200 = tpu.memref_squeeze %dma_start3A_199 : memref<1x512x16xf32, #tpu.memory_space<vmem>> -> memref<512x16xf32, #tpu.memory_space<vmem>>
      %dma_start3A_201 = arith.constant 0 : i32
      %dma_start3A_202 = tpu.memref_slice %arg6[%add3A_195, %dma_start3A_201] : memref<20x512xi32, #tpu.memory_space<vmem>> -> memref<1x512xi32, #tpu.memory_space<vmem>>
      %dma_start3A_203 = tpu.memref_squeeze %dma_start3A_202 : memref<1x512xi32, #tpu.memory_space<vmem>> -> memref<512xi32, #tpu.memory_space<vmem>>
      %dma_start3A_204 = arith.constant 0 : i32
      %dma_start3A_205 = arith.constant 0 : i32
      %dma_start3A_206 = tpu.memref_slice %arg2[%dma_start3A_204, %dma_start3A_205] : memref<10240x16xf32, #tpu.memory_space<hbm>> -> memref<10240x16xf32, #tpu.memory_space<hbm>>
      tpu.enqueue_indirect_dma source(%dma_start3A_206 : memref<10240x16xf32, #tpu.memory_space<hbm>>) target(%dma_start3A_200 : memref<512x16xf32, #tpu.memory_space<vmem>>) offsets(%dma_start3A_203 : memref<512xi32, #tpu.memory_space<vmem>>) semaphore(%arg11 : memref<!tpu.dma_semaphore, #tpu.memory_space<semaphore_mem>>)
      %mul3A_207 = arith.constant 5 : i32
      %mul3A_208 = arith.muli %add3A_145, %mul3A_207 : i32
      %add3A_209 = arith.constant 4 : i32
      %add3A_210 = arith.addi %mul3A_208, %add3A_209 : i32
      %dma_start3A_211 = arith.constant 4 : i32
      %dma_start3A_212 = arith.constant 0 : i32
      %dma_start3A_213 = arith.constant 0 : i32
      %dma_start3A_214 = tpu.memref_slice %arg8[%dma_start3A_211, %dma_start3A_212, %dma_start3A_213] : memref<10x512x16xf32, #tpu.memory_space<vmem>> -> memref<1x512x16xf32, #tpu.memory_space<vmem>>
      %dma_start3A_215 = tpu.memref_squeeze %dma_start3A_214 : memref<1x512x16xf32, #tpu.memory_space<vmem>> -> memref<512x16xf32, #tpu.memory_space<vmem>>
      %dma_start3A_216 = arith.constant 0 : i32
      %dma_start3A_217 = tpu.memref_slice %arg6[%add3A_210, %dma_start3A_216] : memref<20x512xi32, #tpu.memory_space<vmem>> -> memref<1x512xi32, #tpu.memory_space<vmem>>
      %dma_start3A_218 = tpu.memref_squeeze %dma_start3A_217 : memref<1x512xi32, #tpu.memory_space<vmem>> -> memref<512xi32, #tpu.memory_space<vmem>>
      %dma_start3A_219 = arith.constant 0 : i32
      %dma_start3A_220 = arith.constant 0 : i32
      %dma_start3A_221 = tpu.memref_slice %arg2[%dma_start3A_219, %dma_start3A_220] : memref<10240x16xf32, #tpu.memory_space<hbm>> -> memref<10240x16xf32, #tpu.memory_space<hbm>>
      tpu.enqueue_indirect_dma source(%dma_start3A_221 : memref<10240x16xf32, #tpu.memory_space<hbm>>) target(%dma_start3A_215 : memref<512x16xf32, #tpu.memory_space<vmem>>) offsets(%dma_start3A_218 : memref<512xi32, #tpu.memory_space<vmem>>) semaphore(%arg11 : memref<!tpu.dma_semaphore, #tpu.memory_space<semaphore_mem>>)
      %mul3A_222 = arith.constant 5 : i32
      %mul3A_223 = arith.muli %add3A_145, %mul3A_222 : i32
      %add3A_224 = arith.constant 0 : i32
      %add3A_225 = arith.addi %mul3A_223, %add3A_224 : i32
      %dma_wait3A_226 = arith.constant 0 : i32
      %dma_wait3A_227 = arith.constant 0 : i32
      %dma_wait3A_228 = arith.constant 0 : i32
      %dma_wait3A_229 = tpu.memref_slice %arg8[%dma_wait3A_226, %dma_wait3A_227, %dma_wait3A_228] : memref<10x512x16xf32, #tpu.memory_space<vmem>> -> memref<1x512x16xf32, #tpu.memory_space<vmem>>
      %dma_wait3A_230 = tpu.memref_squeeze %dma_wait3A_229 : memref<1x512x16xf32, #tpu.memory_space<vmem>> -> memref<512x16xf32, #tpu.memory_space<vmem>>
      %dma_wait3A_231 = arith.constant 0 : i32
      %dma_wait3A_232 = tpu.memref_slice %arg6[%add3A_225, %dma_wait3A_231] : memref<20x512xi32, #tpu.memory_space<vmem>> -> memref<1x512xi32, #tpu.memory_space<vmem>>
      %dma_wait3A_233 = tpu.memref_squeeze %dma_wait3A_232 : memref<1x512xi32, #tpu.memory_space<vmem>> -> memref<512xi32, #tpu.memory_space<vmem>>
      %dma_wait3A_234 = arith.constant 0 : i32
      %dma_wait3A_235 = arith.constant 0 : i32
      %dma_wait3A_236 = tpu.memref_slice %arg2[%dma_wait3A_234, %dma_wait3A_235] : memref<10240x16xf32, #tpu.memory_space<hbm>> -> memref<10240x16xf32, #tpu.memory_space<hbm>>
      tpu.wait_indirect_dma semaphore(%arg11 : memref<!tpu.dma_semaphore, #tpu.memory_space<semaphore_mem>>) src(%dma_wait3A_236 : memref<10240x16xf32, #tpu.memory_space<hbm>>) dst(%dma_wait3A_230 : memref<512x16xf32, #tpu.memory_space<vmem>>)
      %mul3A_237 = arith.constant 5 : i32
      %mul3A_238 = arith.muli %add3A_145, %mul3A_237 : i32
      %add3A_239 = arith.constant 1 : i32
      %add3A_240 = arith.addi %mul3A_238, %add3A_239 : i32
      %dma_wait3A_241 = arith.constant 1 : i32
      %dma_wait3A_242 = arith.constant 0 : i32
      %dma_wait3A_243 = arith.constant 0 : i32
      %dma_wait3A_244 = tpu.memref_slice %arg8[%dma_wait3A_241, %dma_wait3A_242, %dma_wait3A_243] : memref<10x512x16xf32, #tpu.memory_space<vmem>> -> memref<1x512x16xf32, #tpu.memory_space<vmem>>
      %dma_wait3A_245 = tpu.memref_squeeze %dma_wait3A_244 : memref<1x512x16xf32, #tpu.memory_space<vmem>> -> memref<512x16xf32, #tpu.memory_space<vmem>>
      %dma_wait3A_246 = arith.constant 0 : i32
      %dma_wait3A_247 = tpu.memref_slice %arg6[%add3A_240, %dma_wait3A_246] : memref<20x512xi32, #tpu.memory_space<vmem>> -> memref<1x512xi32, #tpu.memory_space<vmem>>
      %dma_wait3A_248 = tpu.memref_squeeze %dma_wait3A_247 : memref<1x512xi32, #tpu.memory_space<vmem>> -> memref<512xi32, #tpu.memory_space<vmem>>
      %dma_wait3A_249 = arith.constant 0 : i32
      %dma_wait3A_250 = arith.constant 0 : i32
      %dma_wait3A_251 = tpu.memref_slice %arg2[%dma_wait3A_249, %dma_wait3A_250] : memref<10240x16xf32, #tpu.memory_space<hbm>> -> memref<10240x16xf32, #tpu.memory_space<hbm>>
      tpu.wait_indirect_dma semaphore(%arg11 : memref<!tpu.dma_semaphore, #tpu.memory_space<semaphore_mem>>) src(%dma_wait3A_251 : memref<10240x16xf32, #tpu.memory_space<hbm>>) dst(%dma_wait3A_245 : memref<512x16xf32, #tpu.memory_space<vmem>>)
      %mul3A_252 = arith.constant 5 : i32
      %mul3A_253 = arith.muli %add3A_145, %mul3A_252 : i32
      %add3A_254 = arith.constant 2 : i32
      %add3A_255 = arith.addi %mul3A_253, %add3A_254 : i32
      %dma_wait3A_256 = arith.constant 2 : i32
      %dma_wait3A_257 = arith.constant 0 : i32
      %dma_wait3A_258 = arith.constant 0 : i32
      %dma_wait3A_259 = tpu.memref_slice %arg8[%dma_wait3A_256, %dma_wait3A_257, %dma_wait3A_258] : memref<10x512x16xf32, #tpu.memory_space<vmem>> -> memref<1x512x16xf32, #tpu.memory_space<vmem>>
      %dma_wait3A_260 = tpu.memref_squeeze %dma_wait3A_259 : memref<1x512x16xf32, #tpu.memory_space<vmem>> -> memref<512x16xf32, #tpu.memory_space<vmem>>
      %dma_wait3A_261 = arith.constant 0 : i32
      %dma_wait3A_262 = tpu.memref_slice %arg6[%add3A_255, %dma_wait3A_261] : memref<20x512xi32, #tpu.memory_space<vmem>> -> memref<1x512xi32, #tpu.memory_space<vmem>>
      %dma_wait3A_263 = tpu.memref_squeeze %dma_wait3A_262 : memref<1x512xi32, #tpu.memory_space<vmem>> -> memref<512xi32, #tpu.memory_space<vmem>>
      %dma_wait3A_264 = arith.constant 0 : i32
      %dma_wait3A_265 = arith.constant 0 : i32
      %dma_wait3A_266 = tpu.memref_slice %arg2[%dma_wait3A_264, %dma_wait3A_265] : memref<10240x16xf32, #tpu.memory_space<hbm>> -> memref<10240x16xf32, #tpu.memory_space<hbm>>
      tpu.wait_indirect_dma semaphore(%arg11 : memref<!tpu.dma_semaphore, #tpu.memory_space<semaphore_mem>>) src(%dma_wait3A_266 : memref<10240x16xf32, #tpu.memory_space<hbm>>) dst(%dma_wait3A_260 : memref<512x16xf32, #tpu.memory_space<vmem>>)
      %mul3A_267 = arith.constant 5 : i32
      %mul3A_268 = arith.muli %add3A_145, %mul3A_267 : i32
      %add3A_269 = arith.constant 3 : i32
      %add3A_270 = arith.addi %mul3A_268, %add3A_269 : i32
      %dma_wait3A_271 = arith.constant 3 : i32
      %dma_wait3A_272 = arith.constant 0 : i32
      %dma_wait3A_273 = arith.constant 0 : i32
      %dma_wait3A_274 = tpu.memref_slice %arg8[%dma_wait3A_271, %dma_wait3A_272, %dma_wait3A_273] : memref<10x512x16xf32, #tpu.memory_space<vmem>> -> memref<1x512x16xf32, #tpu.memory_space<vmem>>
      %dma_wait3A_275 = tpu.memref_squeeze %dma_wait3A_274 : memref<1x512x16xf32, #tpu.memory_space<vmem>> -> memref<512x16xf32, #tpu.memory_space<vmem>>
      %dma_wait3A_276 = arith.constant 0 : i32
      %dma_wait3A_277 = tpu.memref_slice %arg6[%add3A_270, %dma_wait3A_276] : memref<20x512xi32, #tpu.memory_space<vmem>> -> memref<1x512xi32, #tpu.memory_space<vmem>>
      %dma_wait3A_278 = tpu.memref_squeeze %dma_wait3A_277 : memref<1x512xi32, #tpu.memory_space<vmem>> -> memref<512xi32, #tpu.memory_space<vmem>>
      %dma_wait3A_279 = arith.constant 0 : i32
      %dma_wait3A_280 = arith.constant 0 : i32
      %dma_wait3A_281 = tpu.memref_slice %arg2[%dma_wait3A_279, %dma_wait3A_280] : memref<10240x16xf32, #tpu.memory_space<hbm>> -> memref<10240x16xf32, #tpu.memory_space<hbm>>
      tpu.wait_indirect_dma semaphore(%arg11 : memref<!tpu.dma_semaphore, #tpu.memory_space<semaphore_mem>>) src(%dma_wait3A_281 : memref<10240x16xf32, #tpu.memory_space<hbm>>) dst(%dma_wait3A_275 : memref<512x16xf32, #tpu.memory_space<vmem>>)
      %mul3A_282 = arith.constant 5 : i32
      %mul3A_283 = arith.muli %add3A_145, %mul3A_282 : i32
      %add3A_284 = arith.constant 4 : i32
      %add3A_285 = arith.addi %mul3A_283, %add3A_284 : i32
      %dma_wait3A_286 = arith.constant 4 : i32
      %dma_wait3A_287 = arith.constant 0 : i32
      %dma_wait3A_288 = arith.constant 0 : i32
      %dma_wait3A_289 = tpu.memref_slice %arg8[%dma_wait3A_286, %dma_wait3A_287, %dma_wait3A_288] : memref<10x512x16xf32, #tpu.memory_space<vmem>> -> memref<1x512x16xf32, #tpu.memory_space<vmem>>
      %dma_wait3A_290 = tpu.memref_squeeze %dma_wait3A_289 : memref<1x512x16xf32, #tpu.memory_space<vmem>> -> memref<512x16xf32, #tpu.memory_space<vmem>>
      %dma_wait3A_291 = arith.constant 0 : i32
      %dma_wait3A_292 = tpu.memref_slice %arg6[%add3A_285, %dma_wait3A_291] : memref<20x512xi32, #tpu.memory_space<vmem>> -> memref<1x512xi32, #tpu.memory_space<vmem>>
      %dma_wait3A_293 = tpu.memref_squeeze %dma_wait3A_292 : memref<1x512xi32, #tpu.memory_space<vmem>> -> memref<512xi32, #tpu.memory_space<vmem>>
      %dma_wait3A_294 = arith.constant 0 : i32
      %dma_wait3A_295 = arith.constant 0 : i32
      %dma_wait3A_296 = tpu.memref_slice %arg2[%dma_wait3A_294, %dma_wait3A_295] : memref<10240x16xf32, #tpu.memory_space<hbm>> -> memref<10240x16xf32, #tpu.memory_space<hbm>>
      tpu.wait_indirect_dma semaphore(%arg11 : memref<!tpu.dma_semaphore, #tpu.memory_space<semaphore_mem>>) src(%dma_wait3A_296 : memref<10240x16xf32, #tpu.memory_space<hbm>>) dst(%dma_wait3A_290 : memref<512x16xf32, #tpu.memory_space<vmem>>)
      %mul3A_297 = arith.constant 5 : i32
      %mul3A_298 = arith.muli %add3A_145, %mul3A_297 : i32
      %add3A_299 = arith.constant 0 : i32
      %add3A_300 = arith.addi %mul3A_298, %add3A_299 : i32
      %dma_start3A_301 = arith.constant 0 : i32
      %dma_start3A_302 = arith.constant 0 : i32
      %dma_start3A_303 = arith.constant 0 : i32
      %dma_start3A_304 = tpu.memref_slice %arg8[%dma_start3A_301, %dma_start3A_302, %dma_start3A_303] : memref<10x512x16xf32, #tpu.memory_space<vmem>> -> memref<1x512x16xf32, #tpu.memory_space<vmem>>
      %dma_start3A_305 = tpu.memref_squeeze %dma_start3A_304 : memref<1x512x16xf32, #tpu.memory_space<vmem>> -> memref<512x16xf32, #tpu.memory_space<vmem>>
      %dma_start3A_306 = arith.constant 0 : i32
      %dma_start3A_307 = tpu.memref_slice %arg7[%add3A_300, %dma_start3A_306] : memref<20x512xi32, #tpu.memory_space<vmem>> -> memref<1x512xi32, #tpu.memory_space<vmem>>
      %dma_start3A_308 = tpu.memref_squeeze %dma_start3A_307 : memref<1x512xi32, #tpu.memory_space<vmem>> -> memref<512xi32, #tpu.memory_space<vmem>>
      %dma_start3A_309 = arith.constant 0 : i32
      %dma_start3A_310 = arith.constant 0 : i32
      %dma_start3A_311 = tpu.memref_slice %arg10[%dma_start3A_309, %dma_start3A_310] : memref<10240x16xf32, #tpu.memory_space<vmem_shared>> -> memref<10240x16xf32, #tpu.memory_space<vmem_shared>>
      tpu.enqueue_indirect_dma source(%dma_start3A_305 : memref<512x16xf32, #tpu.memory_space<vmem>>) target(%dma_start3A_311 : memref<10240x16xf32, #tpu.memory_space<vmem_shared>>) offsets(%dma_start3A_308 : memref<512xi32, #tpu.memory_space<vmem>>) semaphore(%arg13 : memref<!tpu.dma_semaphore, #tpu.memory_space<semaphore_mem>>) {add = true}
      %mul3A_312 = arith.constant 5 : i32
      %mul3A_313 = arith.muli %add3A_145, %mul3A_312 : i32
      %add3A_314 = arith.constant 1 : i32
      %add3A_315 = arith.addi %mul3A_313, %add3A_314 : i32
      %dma_start3A_316 = arith.constant 1 : i32
      %dma_start3A_317 = arith.constant 0 : i32
      %dma_start3A_318 = arith.constant 0 : i32
      %dma_start3A_319 = tpu.memref_slice %arg8[%dma_start3A_316, %dma_start3A_317, %dma_start3A_318] : memref<10x512x16xf32, #tpu.memory_space<vmem>> -> memref<1x512x16xf32, #tpu.memory_space<vmem>>
      %dma_start3A_320 = tpu.memref_squeeze %dma_start3A_319 : memref<1x512x16xf32, #tpu.memory_space<vmem>> -> memref<512x16xf32, #tpu.memory_space<vmem>>
      %dma_start3A_321 = arith.constant 0 : i32
      %dma_start3A_322 = tpu.memref_slice %arg7[%add3A_315, %dma_start3A_321] : memref<20x512xi32, #tpu.memory_space<vmem>> -> memref<1x512xi32, #tpu.memory_space<vmem>>
      %dma_start3A_323 = tpu.memref_squeeze %dma_start3A_322 : memref<1x512xi32, #tpu.memory_space<vmem>> -> memref<512xi32, #tpu.memory_space<vmem>>
      %dma_start3A_324 = arith.constant 0 : i32
      %dma_start3A_325 = arith.constant 0 : i32
      %dma_start3A_326 = tpu.memref_slice %arg10[%dma_start3A_324, %dma_start3A_325] : memref<10240x16xf32, #tpu.memory_space<vmem_shared>> -> memref<10240x16xf32, #tpu.memory_space<vmem_shared>>
      tpu.enqueue_indirect_dma source(%dma_start3A_320 : memref<512x16xf32, #tpu.memory_space<vmem>>) target(%dma_start3A_326 : memref<10240x16xf32, #tpu.memory_space<vmem_shared>>) offsets(%dma_start3A_323 : memref<512xi32, #tpu.memory_space<vmem>>) semaphore(%arg13 : memref<!tpu.dma_semaphore, #tpu.memory_space<semaphore_mem>>) {add = true}
      %mul3A_327 = arith.constant 5 : i32
      %mul3A_328 = arith.muli %add3A_145, %mul3A_327 : i32
      %add3A_329 = arith.constant 2 : i32
      %add3A_330 = arith.addi %mul3A_328, %add3A_329 : i32
      %dma_start3A_331 = arith.constant 2 : i32
      %dma_start3A_332 = arith.constant 0 : i32
      %dma_start3A_333 = arith.constant 0 : i32
      %dma_start3A_334 = tpu.memref_slice %arg8[%dma_start3A_331, %dma_start3A_332, %dma_start3A_333] : memref<10x512x16xf32, #tpu.memory_space<vmem>> -> memref<1x512x16xf32, #tpu.memory_space<vmem>>
      %dma_start3A_335 = tpu.memref_squeeze %dma_start3A_334 : memref<1x512x16xf32, #tpu.memory_space<vmem>> -> memref<512x16xf32, #tpu.memory_space<vmem>>
      %dma_start3A_336 = arith.constant 0 : i32
      %dma_start3A_337 = tpu.memref_slice %arg7[%add3A_330, %dma_start3A_336] : memref<20x512xi32, #tpu.memory_space<vmem>> -> memref<1x512xi32, #tpu.memory_space<vmem>>
      %dma_start3A_338 = tpu.memref_squeeze %dma_start3A_337 : memref<1x512xi32, #tpu.memory_space<vmem>> -> memref<512xi32, #tpu.memory_space<vmem>>
      %dma_start3A_339 = arith.constant 0 : i32
      %dma_start3A_340 = arith.constant 0 : i32
      %dma_start3A_341 = tpu.memref_slice %arg10[%dma_start3A_339, %dma_start3A_340] : memref<10240x16xf32, #tpu.memory_space<vmem_shared>> -> memref<10240x16xf32, #tpu.memory_space<vmem_shared>>
      tpu.enqueue_indirect_dma source(%dma_start3A_335 : memref<512x16xf32, #tpu.memory_space<vmem>>) target(%dma_start3A_341 : memref<10240x16xf32, #tpu.memory_space<vmem_shared>>) offsets(%dma_start3A_338 : memref<512xi32, #tpu.memory_space<vmem>>) semaphore(%arg13 : memref<!tpu.dma_semaphore, #tpu.memory_space<semaphore_mem>>) {add = true}
      %mul3A_342 = arith.constant 5 : i32
      %mul3A_343 = arith.muli %add3A_145, %mul3A_342 : i32
      %add3A_344 = arith.constant 3 : i32
      %add3A_345 = arith.addi %mul3A_343, %add3A_344 : i32
      %dma_start3A_346 = arith.constant 3 : i32
      %dma_start3A_347 = arith.constant 0 : i32
      %dma_start3A_348 = arith.constant 0 : i32
      %dma_start3A_349 = tpu.memref_slice %arg8[%dma_start3A_346, %dma_start3A_347, %dma_start3A_348] : memref<10x512x16xf32, #tpu.memory_space<vmem>> -> memref<1x512x16xf32, #tpu.memory_space<vmem>>
      %dma_start3A_350 = tpu.memref_squeeze %dma_start3A_349 : memref<1x512x16xf32, #tpu.memory_space<vmem>> -> memref<512x16xf32, #tpu.memory_space<vmem>>
      %dma_start3A_351 = arith.constant 0 : i32
      %dma_start3A_352 = tpu.memref_slice %arg7[%add3A_345, %dma_start3A_351] : memref<20x512xi32, #tpu.memory_space<vmem>> -> memref<1x512xi32, #tpu.memory_space<vmem>>
      %dma_start3A_353 = tpu.memref_squeeze %dma_start3A_352 : memref<1x512xi32, #tpu.memory_space<vmem>> -> memref<512xi32, #tpu.memory_space<vmem>>
      %dma_start3A_354 = arith.constant 0 : i32
      %dma_start3A_355 = arith.constant 0 : i32
      %dma_start3A_356 = tpu.memref_slice %arg10[%dma_start3A_354, %dma_start3A_355] : memref<10240x16xf32, #tpu.memory_space<vmem_shared>> -> memref<10240x16xf32, #tpu.memory_space<vmem_shared>>
      tpu.enqueue_indirect_dma source(%dma_start3A_350 : memref<512x16xf32, #tpu.memory_space<vmem>>) target(%dma_start3A_356 : memref<10240x16xf32, #tpu.memory_space<vmem_shared>>) offsets(%dma_start3A_353 : memref<512xi32, #tpu.memory_space<vmem>>) semaphore(%arg13 : memref<!tpu.dma_semaphore, #tpu.memory_space<semaphore_mem>>) {add = true}
      %mul3A_357 = arith.constant 5 : i32
      %mul3A_358 = arith.muli %add3A_145, %mul3A_357 : i32
      %add3A_359 = arith.constant 4 : i32
      %add3A_360 = arith.addi %mul3A_358, %add3A_359 : i32
      %dma_start3A_361 = arith.constant 4 : i32
      %dma_start3A_362 = arith.constant 0 : i32
      %dma_start3A_363 = arith.constant 0 : i32
      %dma_start3A_364 = tpu.memref_slice %arg8[%dma_start3A_361, %dma_start3A_362, %dma_start3A_363] : memref<10x512x16xf32, #tpu.memory_space<vmem>> -> memref<1x512x16xf32, #tpu.memory_space<vmem>>
      %dma_start3A_365 = tpu.memref_squeeze %dma_start3A_364 : memref<1x512x16xf32, #tpu.memory_space<vmem>> -> memref<512x16xf32, #tpu.memory_space<vmem>>
      %dma_start3A_366 = arith.constant 0 : i32
      %dma_start3A_367 = tpu.memref_slice %arg7[%add3A_360, %dma_start3A_366] : memref<20x512xi32, #tpu.memory_space<vmem>> -> memref<1x512xi32, #tpu.memory_space<vmem>>
      %dma_start3A_368 = tpu.memref_squeeze %dma_start3A_367 : memref<1x512xi32, #tpu.memory_space<vmem>> -> memref<512xi32, #tpu.memory_space<vmem>>
      %dma_start3A_369 = arith.constant 0 : i32
      %dma_start3A_370 = arith.constant 0 : i32
      %dma_start3A_371 = tpu.memref_slice %arg10[%dma_start3A_369, %dma_start3A_370] : memref<10240x16xf32, #tpu.memory_space<vmem_shared>> -> memref<10240x16xf32, #tpu.memory_space<vmem_shared>>
      tpu.enqueue_indirect_dma source(%dma_start3A_365 : memref<512x16xf32, #tpu.memory_space<vmem>>) target(%dma_start3A_371 : memref<10240x16xf32, #tpu.memory_space<vmem_shared>>) offsets(%dma_start3A_368 : memref<512xi32, #tpu.memory_space<vmem>>) semaphore(%arg13 : memref<!tpu.dma_semaphore, #tpu.memory_space<semaphore_mem>>) {add = true}
      %mul3A_372 = arith.constant 2 : i32
      %mul3A_373 = arith.muli %mul3A_372, %scan3A_141 : i32
      %add3A_374 = arith.constant 1 : i32
      %add3A_375 = arith.addi %mul3A_373, %add3A_374 : i32
      %ge3A_376 = arith.constant 1 : i32
      %ge3A_377 = arith.cmpi sge, %scan3A_141, %ge3A_376 : i32
      %convert_element_type3A_378 = arith.extui %ge3A_377 : i1 to i32
      %cond3A_379 = arith.constant 0 : i32
      %cond3A_380 = arith.cmpi ne, %convert_element_type3A_378, %cond3A_379 : i32
      scf.if %cond3A_380 {
        %sub3A = arith.constant 2 : i32
        %sub3A_606 = arith.subi %add3A_375, %sub3A : i32
        %mul3A_607 = arith.constant 5 : i32
        %mul3A_608 = arith.muli %sub3A_606, %mul3A_607 : i32
        %add3A_609 = arith.constant 0 : i32
        %add3A_610 = arith.addi %mul3A_608, %add3A_609 : i32
        %dma_wait3A_611 = arith.constant 5 : i32
        %dma_wait3A_612 = arith.constant 0 : i32
        %dma_wait3A_613 = arith.constant 0 : i32
        %dma_wait3A_614 = tpu.memref_slice %arg8[%dma_wait3A_611, %dma_wait3A_612, %dma_wait3A_613] : memref<10x512x16xf32, #tpu.memory_space<vmem>> -> memref<1x512x16xf32, #tpu.memory_space<vmem>>
        %dma_wait3A_615 = tpu.memref_squeeze %dma_wait3A_614 : memref<1x512x16xf32, #tpu.memory_space<vmem>> -> memref<512x16xf32, #tpu.memory_space<vmem>>
        %dma_wait3A_616 = arith.constant 0 : i32
        %dma_wait3A_617 = tpu.memref_slice %arg7[%add3A_610, %dma_wait3A_616] : memref<20x512xi32, #tpu.memory_space<vmem>> -> memref<1x512xi32, #tpu.memory_space<vmem>>
        %dma_wait3A_618 = tpu.memref_squeeze %dma_wait3A_617 : memref<1x512xi32, #tpu.memory_space<vmem>> -> memref<512xi32, #tpu.memory_space<vmem>>
        %dma_wait3A_619 = arith.constant 0 : i32
        %dma_wait3A_620 = arith.constant 0 : i32
        %dma_wait3A_621 = tpu.memref_slice %arg10[%dma_wait3A_619, %dma_wait3A_620] : memref<10240x16xf32, #tpu.memory_space<vmem_shared>> -> memref<10240x16xf32, #tpu.memory_space<vmem_shared>>
        tpu.wait_indirect_dma semaphore(%arg14 : memref<!tpu.dma_semaphore, #tpu.memory_space<semaphore_mem>>) src(%dma_wait3A_615 : memref<512x16xf32, #tpu.memory_space<vmem>>) dst(%dma_wait3A_621 : memref<10240x16xf32, #tpu.memory_space<vmem_shared>>)
        %sub3A_622 = arith.constant 2 : i32
        %sub3A_623 = arith.subi %add3A_375, %sub3A_622 : i32
        %mul3A_624 = arith.constant 5 : i32
        %mul3A_625 = arith.muli %sub3A_623, %mul3A_624 : i32
        %add3A_626 = arith.constant 1 : i32
        %add3A_627 = arith.addi %mul3A_625, %add3A_626 : i32
        %dma_wait3A_628 = arith.constant 6 : i32
        %dma_wait3A_629 = arith.constant 0 : i32
        %dma_wait3A_630 = arith.constant 0 : i32
        %dma_wait3A_631 = tpu.memref_slice %arg8[%dma_wait3A_628, %dma_wait3A_629, %dma_wait3A_630] : memref<10x512x16xf32, #tpu.memory_space<vmem>> -> memref<1x512x16xf32, #tpu.memory_space<vmem>>
        %dma_wait3A_632 = tpu.memref_squeeze %dma_wait3A_631 : memref<1x512x16xf32, #tpu.memory_space<vmem>> -> memref<512x16xf32, #tpu.memory_space<vmem>>
        %dma_wait3A_633 = arith.constant 0 : i32
        %dma_wait3A_634 = tpu.memref_slice %arg7[%add3A_627, %dma_wait3A_633] : memref<20x512xi32, #tpu.memory_space<vmem>> -> memref<1x512xi32, #tpu.memory_space<vmem>>
        %dma_wait3A_635 = tpu.memref_squeeze %dma_wait3A_634 : memref<1x512xi32, #tpu.memory_space<vmem>> -> memref<512xi32, #tpu.memory_space<vmem>>
        %dma_wait3A_636 = arith.constant 0 : i32
        %dma_wait3A_637 = arith.constant 0 : i32
        %dma_wait3A_638 = tpu.memref_slice %arg10[%dma_wait3A_636, %dma_wait3A_637] : memref<10240x16xf32, #tpu.memory_space<vmem_shared>> -> memref<10240x16xf32, #tpu.memory_space<vmem_shared>>
        tpu.wait_indirect_dma semaphore(%arg14 : memref<!tpu.dma_semaphore, #tpu.memory_space<semaphore_mem>>) src(%dma_wait3A_632 : memref<512x16xf32, #tpu.memory_space<vmem>>) dst(%dma_wait3A_638 : memref<10240x16xf32, #tpu.memory_space<vmem_shared>>)
        %sub3A_639 = arith.constant 2 : i32
        %sub3A_640 = arith.subi %add3A_375, %sub3A_639 : i32
        %mul3A_641 = arith.constant 5 : i32
        %mul3A_642 = arith.muli %sub3A_640, %mul3A_641 : i32
        %add3A_643 = arith.constant 2 : i32
        %add3A_644 = arith.addi %mul3A_642, %add3A_643 : i32
        %dma_wait3A_645 = arith.constant 7 : i32
        %dma_wait3A_646 = arith.constant 0 : i32
        %dma_wait3A_647 = arith.constant 0 : i32
        %dma_wait3A_648 = tpu.memref_slice %arg8[%dma_wait3A_645, %dma_wait3A_646, %dma_wait3A_647] : memref<10x512x16xf32, #tpu.memory_space<vmem>> -> memref<1x512x16xf32, #tpu.memory_space<vmem>>
        %dma_wait3A_649 = tpu.memref_squeeze %dma_wait3A_648 : memref<1x512x16xf32, #tpu.memory_space<vmem>> -> memref<512x16xf32, #tpu.memory_space<vmem>>
        %dma_wait3A_650 = arith.constant 0 : i32
        %dma_wait3A_651 = tpu.memref_slice %arg7[%add3A_644, %dma_wait3A_650] : memref<20x512xi32, #tpu.memory_space<vmem>> -> memref<1x512xi32, #tpu.memory_space<vmem>>
        %dma_wait3A_652 = tpu.memref_squeeze %dma_wait3A_651 : memref<1x512xi32, #tpu.memory_space<vmem>> -> memref<512xi32, #tpu.memory_space<vmem>>
        %dma_wait3A_653 = arith.constant 0 : i32
        %dma_wait3A_654 = arith.constant 0 : i32
        %dma_wait3A_655 = tpu.memref_slice %arg10[%dma_wait3A_653, %dma_wait3A_654] : memref<10240x16xf32, #tpu.memory_space<vmem_shared>> -> memref<10240x16xf32, #tpu.memory_space<vmem_shared>>
        tpu.wait_indirect_dma semaphore(%arg14 : memref<!tpu.dma_semaphore, #tpu.memory_space<semaphore_mem>>) src(%dma_wait3A_649 : memref<512x16xf32, #tpu.memory_space<vmem>>) dst(%dma_wait3A_655 : memref<10240x16xf32, #tpu.memory_space<vmem_shared>>)
        %sub3A_656 = arith.constant 2 : i32
        %sub3A_657 = arith.subi %add3A_375, %sub3A_656 : i32
        %mul3A_658 = arith.constant 5 : i32
        %mul3A_659 = arith.muli %sub3A_657, %mul3A_658 : i32
        %add3A_660 = arith.constant 3 : i32
        %add3A_661 = arith.addi %mul3A_659, %add3A_660 : i32
        %dma_wait3A_662 = arith.constant 8 : i32
        %dma_wait3A_663 = arith.constant 0 : i32
        %dma_wait3A_664 = arith.constant 0 : i32
        %dma_wait3A_665 = tpu.memref_slice %arg8[%dma_wait3A_662, %dma_wait3A_663, %dma_wait3A_664] : memref<10x512x16xf32, #tpu.memory_space<vmem>> -> memref<1x512x16xf32, #tpu.memory_space<vmem>>
        %dma_wait3A_666 = tpu.memref_squeeze %dma_wait3A_665 : memref<1x512x16xf32, #tpu.memory_space<vmem>> -> memref<512x16xf32, #tpu.memory_space<vmem>>
        %dma_wait3A_667 = arith.constant 0 : i32
        %dma_wait3A_668 = tpu.memref_slice %arg7[%add3A_661, %dma_wait3A_667] : memref<20x512xi32, #tpu.memory_space<vmem>> -> memref<1x512xi32, #tpu.memory_space<vmem>>
        %dma_wait3A_669 = tpu.memref_squeeze %dma_wait3A_668 : memref<1x512xi32, #tpu.memory_space<vmem>> -> memref<512xi32, #tpu.memory_space<vmem>>
        %dma_wait3A_670 = arith.constant 0 : i32
        %dma_wait3A_671 = arith.constant 0 : i32
        %dma_wait3A_672 = tpu.memref_slice %arg10[%dma_wait3A_670, %dma_wait3A_671] : memref<10240x16xf32, #tpu.memory_space<vmem_shared>> -> memref<10240x16xf32, #tpu.memory_space<vmem_shared>>
        tpu.wait_indirect_dma semaphore(%arg14 : memref<!tpu.dma_semaphore, #tpu.memory_space<semaphore_mem>>) src(%dma_wait3A_666 : memref<512x16xf32, #tpu.memory_space<vmem>>) dst(%dma_wait3A_672 : memref<10240x16xf32, #tpu.memory_space<vmem_shared>>)
        %sub3A_673 = arith.constant 2 : i32
        %sub3A_674 = arith.subi %add3A_375, %sub3A_673 : i32
        %mul3A_675 = arith.constant 5 : i32
        %mul3A_676 = arith.muli %sub3A_674, %mul3A_675 : i32
        %add3A_677 = arith.constant 4 : i32
        %add3A_678 = arith.addi %mul3A_676, %add3A_677 : i32
        %dma_wait3A_679 = arith.constant 9 : i32
        %dma_wait3A_680 = arith.constant 0 : i32
        %dma_wait3A_681 = arith.constant 0 : i32
        %dma_wait3A_682 = tpu.memref_slice %arg8[%dma_wait3A_679, %dma_wait3A_680, %dma_wait3A_681] : memref<10x512x16xf32, #tpu.memory_space<vmem>> -> memref<1x512x16xf32, #tpu.memory_space<vmem>>
        %dma_wait3A_683 = tpu.memref_squeeze %dma_wait3A_682 : memref<1x512x16xf32, #tpu.memory_space<vmem>> -> memref<512x16xf32, #tpu.memory_space<vmem>>
        %dma_wait3A_684 = arith.constant 0 : i32
        %dma_wait3A_685 = tpu.memref_slice %arg7[%add3A_678, %dma_wait3A_684] : memref<20x512xi32, #tpu.memory_space<vmem>> -> memref<1x512xi32, #tpu.memory_space<vmem>>
        %dma_wait3A_686 = tpu.memref_squeeze %dma_wait3A_685 : memref<1x512xi32, #tpu.memory_space<vmem>> -> memref<512xi32, #tpu.memory_space<vmem>>
        %dma_wait3A_687 = arith.constant 0 : i32
        %dma_wait3A_688 = arith.constant 0 : i32
        %dma_wait3A_689 = tpu.memref_slice %arg10[%dma_wait3A_687, %dma_wait3A_688] : memref<10240x16xf32, #tpu.memory_space<vmem_shared>> -> memref<10240x16xf32, #tpu.memory_space<vmem_shared>>
        tpu.wait_indirect_dma semaphore(%arg14 : memref<!tpu.dma_semaphore, #tpu.memory_space<semaphore_mem>>) src(%dma_wait3A_683 : memref<512x16xf32, #tpu.memory_space<vmem>>) dst(%dma_wait3A_689 : memref<10240x16xf32, #tpu.memory_space<vmem_shared>>)
      } else {
      }
      %mul3A_381 = arith.constant 5 : i32
      %mul3A_382 = arith.muli %add3A_375, %mul3A_381 : i32
      %add3A_383 = arith.constant 0 : i32
      %add3A_384 = arith.addi %mul3A_382, %add3A_383 : i32
      %dma_start3A_385 = arith.constant 5 : i32
      %dma_start3A_386 = arith.constant 0 : i32
      %dma_start3A_387 = arith.constant 0 : i32
      %dma_start3A_388 = tpu.memref_slice %arg8[%dma_start3A_385, %dma_start3A_386, %dma_start3A_387] : memref<10x512x16xf32, #tpu.memory_space<vmem>> -> memref<1x512x16xf32, #tpu.memory_space<vmem>>
      %dma_start3A_389 = tpu.memref_squeeze %dma_start3A_388 : memref<1x512x16xf32, #tpu.memory_space<vmem>> -> memref<512x16xf32, #tpu.memory_space<vmem>>
      %dma_start3A_390 = arith.constant 0 : i32
      %dma_start3A_391 = tpu.memref_slice %arg6[%add3A_384, %dma_start3A_390] : memref<20x512xi32, #tpu.memory_space<vmem>> -> memref<1x512xi32, #tpu.memory_space<vmem>>
      %dma_start3A_392 = tpu.memref_squeeze %dma_start3A_391 : memref<1x512xi32, #tpu.memory_space<vmem>> -> memref<512xi32, #tpu.memory_space<vmem>>
      %dma_start3A_393 = arith.constant 0 : i32
      %dma_start3A_394 = arith.constant 0 : i32
      %dma_start3A_395 = tpu.memref_slice %arg2[%dma_start3A_393, %dma_start3A_394] : memref<10240x16xf32, #tpu.memory_space<hbm>> -> memref<10240x16xf32, #tpu.memory_space<hbm>>
      tpu.enqueue_indirect_dma source(%dma_start3A_395 : memref<10240x16xf32, #tpu.memory_space<hbm>>) target(%dma_start3A_389 : memref<512x16xf32, #tpu.memory_space<vmem>>) offsets(%dma_start3A_392 : memref<512xi32, #tpu.memory_space<vmem>>) semaphore(%arg12 : memref<!tpu.dma_semaphore, #tpu.memory_space<semaphore_mem>>)
      %mul3A_396 = arith.constant 5 : i32
      %mul3A_397 = arith.muli %add3A_375, %mul3A_396 : i32
      %add3A_398 = arith.constant 1 : i32
      %add3A_399 = arith.addi %mul3A_397, %add3A_398 : i32
      %dma_start3A_400 = arith.constant 6 : i32
      %dma_start3A_401 = arith.constant 0 : i32
      %dma_start3A_402 = arith.constant 0 : i32
      %dma_start3A_403 = tpu.memref_slice %arg8[%dma_start3A_400, %dma_start3A_401, %dma_start3A_402] : memref<10x512x16xf32, #tpu.memory_space<vmem>> -> memref<1x512x16xf32, #tpu.memory_space<vmem>>
      %dma_start3A_404 = tpu.memref_squeeze %dma_start3A_403 : memref<1x512x16xf32, #tpu.memory_space<vmem>> -> memref<512x16xf32, #tpu.memory_space<vmem>>
      %dma_start3A_405 = arith.constant 0 : i32
      %dma_start3A_406 = tpu.memref_slice %arg6[%add3A_399, %dma_start3A_405] : memref<20x512xi32, #tpu.memory_space<vmem>> -> memref<1x512xi32, #tpu.memory_space<vmem>>
      %dma_start3A_407 = tpu.memref_squeeze %dma_start3A_406 : memref<1x512xi32, #tpu.memory_space<vmem>> -> memref<512xi32, #tpu.memory_space<vmem>>
      %dma_start3A_408 = arith.constant 0 : i32
      %dma_start3A_409 = arith.constant 0 : i32
      %dma_start3A_410 = tpu.memref_slice %arg2[%dma_start3A_408, %dma_start3A_409] : memref<10240x16xf32, #tpu.memory_space<hbm>> -> memref<10240x16xf32, #tpu.memory_space<hbm>>
      tpu.enqueue_indirect_dma source(%dma_start3A_410 : memref<10240x16xf32, #tpu.memory_space<hbm>>) target(%dma_start3A_404 : memref<512x16xf32, #tpu.memory_space<vmem>>) offsets(%dma_start3A_407 : memref<512xi32, #tpu.memory_space<vmem>>) semaphore(%arg12 : memref<!tpu.dma_semaphore, #tpu.memory_space<semaphore_mem>>)
      %mul3A_411 = arith.constant 5 : i32
      %mul3A_412 = arith.muli %add3A_375, %mul3A_411 : i32
      %add3A_413 = arith.constant 2 : i32
      %add3A_414 = arith.addi %mul3A_412, %add3A_413 : i32
      %dma_start3A_415 = arith.constant 7 : i32
      %dma_start3A_416 = arith.constant 0 : i32
      %dma_start3A_417 = arith.constant 0 : i32
      %dma_start3A_418 = tpu.memref_slice %arg8[%dma_start3A_415, %dma_start3A_416, %dma_start3A_417] : memref<10x512x16xf32, #tpu.memory_space<vmem>> -> memref<1x512x16xf32, #tpu.memory_space<vmem>>
      %dma_start3A_419 = tpu.memref_squeeze %dma_start3A_418 : memref<1x512x16xf32, #tpu.memory_space<vmem>> -> memref<512x16xf32, #tpu.memory_space<vmem>>
      %dma_start3A_420 = arith.constant 0 : i32
      %dma_start3A_421 = tpu.memref_slice %arg6[%add3A_414, %dma_start3A_420] : memref<20x512xi32, #tpu.memory_space<vmem>> -> memref<1x512xi32, #tpu.memory_space<vmem>>
      %dma_start3A_422 = tpu.memref_squeeze %dma_start3A_421 : memref<1x512xi32, #tpu.memory_space<vmem>> -> memref<512xi32, #tpu.memory_space<vmem>>
      %dma_start3A_423 = arith.constant 0 : i32
      %dma_start3A_424 = arith.constant 0 : i32
      %dma_start3A_425 = tpu.memref_slice %arg2[%dma_start3A_423, %dma_start3A_424] : memref<10240x16xf32, #tpu.memory_space<hbm>> -> memref<10240x16xf32, #tpu.memory_space<hbm>>
      tpu.enqueue_indirect_dma source(%dma_start3A_425 : memref<10240x16xf32, #tpu.memory_space<hbm>>) target(%dma_start3A_419 : memref<512x16xf32, #tpu.memory_space<vmem>>) offsets(%dma_start3A_422 : memref<512xi32, #tpu.memory_space<vmem>>) semaphore(%arg12 : memref<!tpu.dma_semaphore, #tpu.memory_space<semaphore_mem>>)
      %mul3A_426 = arith.constant 5 : i32
      %mul3A_427 = arith.muli %add3A_375, %mul3A_426 : i32
      %add3A_428 = arith.constant 3 : i32
      %add3A_429 = arith.addi %mul3A_427, %add3A_428 : i32
      %dma_start3A_430 = arith.constant 8 : i32
      %dma_start3A_431 = arith.constant 0 : i32
      %dma_start3A_432 = arith.constant 0 : i32
      %dma_start3A_433 = tpu.memref_slice %arg8[%dma_start3A_430, %dma_start3A_431, %dma_start3A_432] : memref<10x512x16xf32, #tpu.memory_space<vmem>> -> memref<1x512x16xf32, #tpu.memory_space<vmem>>
      %dma_start3A_434 = tpu.memref_squeeze %dma_start3A_433 : memref<1x512x16xf32, #tpu.memory_space<vmem>> -> memref<512x16xf32, #tpu.memory_space<vmem>>
      %dma_start3A_435 = arith.constant 0 : i32
      %dma_start3A_436 = tpu.memref_slice %arg6[%add3A_429, %dma_start3A_435] : memref<20x512xi32, #tpu.memory_space<vmem>> -> memref<1x512xi32, #tpu.memory_space<vmem>>
      %dma_start3A_437 = tpu.memref_squeeze %dma_start3A_436 : memref<1x512xi32, #tpu.memory_space<vmem>> -> memref<512xi32, #tpu.memory_space<vmem>>
      %dma_start3A_438 = arith.constant 0 : i32
      %dma_start3A_439 = arith.constant 0 : i32
      %dma_start3A_440 = tpu.memref_slice %arg2[%dma_start3A_438, %dma_start3A_439] : memref<10240x16xf32, #tpu.memory_space<hbm>> -> memref<10240x16xf32, #tpu.memory_space<hbm>>
      tpu.enqueue_indirect_dma source(%dma_start3A_440 : memref<10240x16xf32, #tpu.memory_space<hbm>>) target(%dma_start3A_434 : memref<512x16xf32, #tpu.memory_space<vmem>>) offsets(%dma_start3A_437 : memref<512xi32, #tpu.memory_space<vmem>>) semaphore(%arg12 : memref<!tpu.dma_semaphore, #tpu.memory_space<semaphore_mem>>)
      %mul3A_441 = arith.constant 5 : i32
      %mul3A_442 = arith.muli %add3A_375, %mul3A_441 : i32
      %add3A_443 = arith.constant 4 : i32
      %add3A_444 = arith.addi %mul3A_442, %add3A_443 : i32
      %dma_start3A_445 = arith.constant 9 : i32
      %dma_start3A_446 = arith.constant 0 : i32
      %dma_start3A_447 = arith.constant 0 : i32
      %dma_start3A_448 = tpu.memref_slice %arg8[%dma_start3A_445, %dma_start3A_446, %dma_start3A_447] : memref<10x512x16xf32, #tpu.memory_space<vmem>> -> memref<1x512x16xf32, #tpu.memory_space<vmem>>
      %dma_start3A_449 = tpu.memref_squeeze %dma_start3A_448 : memref<1x512x16xf32, #tpu.memory_space<vmem>> -> memref<512x16xf32, #tpu.memory_space<vmem>>
      %dma_start3A_450 = arith.constant 0 : i32
      %dma_start3A_451 = tpu.memref_slice %arg6[%add3A_444, %dma_start3A_450] : memref<20x512xi32, #tpu.memory_space<vmem>> -> memref<1x512xi32, #tpu.memory_space<vmem>>
      %dma_start3A_452 = tpu.memref_squeeze %dma_start3A_451 : memref<1x512xi32, #tpu.memory_space<vmem>> -> memref<512xi32, #tpu.memory_space<vmem>>
      %dma_start3A_453 = arith.constant 0 : i32
      %dma_start3A_454 = arith.constant 0 : i32
      %dma_start3A_455 = tpu.memref_slice %arg2[%dma_start3A_453, %dma_start3A_454] : memref<10240x16xf32, #tpu.memory_space<hbm>> -> memref<10240x16xf32, #tpu.memory_space<hbm>>
      tpu.enqueue_indirect_dma source(%dma_start3A_455 : memref<10240x16xf32, #tpu.memory_space<hbm>>) target(%dma_start3A_449 : memref<512x16xf32, #tpu.memory_space<vmem>>) offsets(%dma_start3A_452 : memref<512xi32, #tpu.memory_space<vmem>>) semaphore(%arg12 : memref<!tpu.dma_semaphore, #tpu.memory_space<semaphore_mem>>)
      %mul3A_456 = arith.constant 5 : i32
      %mul3A_457 = arith.muli %add3A_375, %mul3A_456 : i32
      %add3A_458 = arith.constant 0 : i32
      %add3A_459 = arith.addi %mul3A_457, %add3A_458 : i32
      %dma_wait3A_460 = arith.constant 5 : i32
      %dma_wait3A_461 = arith.constant 0 : i32
      %dma_wait3A_462 = arith.constant 0 : i32
      %dma_wait3A_463 = tpu.memref_slice %arg8[%dma_wait3A_460, %dma_wait3A_461, %dma_wait3A_462] : memref<10x512x16xf32, #tpu.memory_space<vmem>> -> memref<1x512x16xf32, #tpu.memory_space<vmem>>
      %dma_wait3A_464 = tpu.memref_squeeze %dma_wait3A_463 : memref<1x512x16xf32, #tpu.memory_space<vmem>> -> memref<512x16xf32, #tpu.memory_space<vmem>>
      %dma_wait3A_465 = arith.constant 0 : i32
      %dma_wait3A_466 = tpu.memref_slice %arg6[%add3A_459, %dma_wait3A_465] : memref<20x512xi32, #tpu.memory_space<vmem>> -> memref<1x512xi32, #tpu.memory_space<vmem>>
      %dma_wait3A_467 = tpu.memref_squeeze %dma_wait3A_466 : memref<1x512xi32, #tpu.memory_space<vmem>> -> memref<512xi32, #tpu.memory_space<vmem>>
      %dma_wait3A_468 = arith.constant 0 : i32
      %dma_wait3A_469 = arith.constant 0 : i32
      %dma_wait3A_470 = tpu.memref_slice %arg2[%dma_wait3A_468, %dma_wait3A_469] : memref<10240x16xf32, #tpu.memory_space<hbm>> -> memref<10240x16xf32, #tpu.memory_space<hbm>>
      tpu.wait_indirect_dma semaphore(%arg12 : memref<!tpu.dma_semaphore, #tpu.memory_space<semaphore_mem>>) src(%dma_wait3A_470 : memref<10240x16xf32, #tpu.memory_space<hbm>>) dst(%dma_wait3A_464 : memref<512x16xf32, #tpu.memory_space<vmem>>)
      %mul3A_471 = arith.constant 5 : i32
      %mul3A_472 = arith.muli %add3A_375, %mul3A_471 : i32
      %add3A_473 = arith.constant 1 : i32
      %add3A_474 = arith.addi %mul3A_472, %add3A_473 : i32
      %dma_wait3A_475 = arith.constant 6 : i32
      %dma_wait3A_476 = arith.constant 0 : i32
      %dma_wait3A_477 = arith.constant 0 : i32
      %dma_wait3A_478 = tpu.memref_slice %arg8[%dma_wait3A_475, %dma_wait3A_476, %dma_wait3A_477] : memref<10x512x16xf32, #tpu.memory_space<vmem>> -> memref<1x512x16xf32, #tpu.memory_space<vmem>>
      %dma_wait3A_479 = tpu.memref_squeeze %dma_wait3A_478 : memref<1x512x16xf32, #tpu.memory_space<vmem>> -> memref<512x16xf32, #tpu.memory_space<vmem>>
      %dma_wait3A_480 = arith.constant 0 : i32
      %dma_wait3A_481 = tpu.memref_slice %arg6[%add3A_474, %dma_wait3A_480] : memref<20x512xi32, #tpu.memory_space<vmem>> -> memref<1x512xi32, #tpu.memory_space<vmem>>
      %dma_wait3A_482 = tpu.memref_squeeze %dma_wait3A_481 : memref<1x512xi32, #tpu.memory_space<vmem>> -> memref<512xi32, #tpu.memory_space<vmem>>
      %dma_wait3A_483 = arith.constant 0 : i32
      %dma_wait3A_484 = arith.constant 0 : i32
      %dma_wait3A_485 = tpu.memref_slice %arg2[%dma_wait3A_483, %dma_wait3A_484] : memref<10240x16xf32, #tpu.memory_space<hbm>> -> memref<10240x16xf32, #tpu.memory_space<hbm>>
      tpu.wait_indirect_dma semaphore(%arg12 : memref<!tpu.dma_semaphore, #tpu.memory_space<semaphore_mem>>) src(%dma_wait3A_485 : memref<10240x16xf32, #tpu.memory_space<hbm>>) dst(%dma_wait3A_479 : memref<512x16xf32, #tpu.memory_space<vmem>>)
      %mul3A_486 = arith.constant 5 : i32
      %mul3A_487 = arith.muli %add3A_375, %mul3A_486 : i32
      %add3A_488 = arith.constant 2 : i32
      %add3A_489 = arith.addi %mul3A_487, %add3A_488 : i32
      %dma_wait3A_490 = arith.constant 7 : i32
      %dma_wait3A_491 = arith.constant 0 : i32
      %dma_wait3A_492 = arith.constant 0 : i32
      %dma_wait3A_493 = tpu.memref_slice %arg8[%dma_wait3A_490, %dma_wait3A_491, %dma_wait3A_492] : memref<10x512x16xf32, #tpu.memory_space<vmem>> -> memref<1x512x16xf32, #tpu.memory_space<vmem>>
      %dma_wait3A_494 = tpu.memref_squeeze %dma_wait3A_493 : memref<1x512x16xf32, #tpu.memory_space<vmem>> -> memref<512x16xf32, #tpu.memory_space<vmem>>
      %dma_wait3A_495 = arith.constant 0 : i32
      %dma_wait3A_496 = tpu.memref_slice %arg6[%add3A_489, %dma_wait3A_495] : memref<20x512xi32, #tpu.memory_space<vmem>> -> memref<1x512xi32, #tpu.memory_space<vmem>>
      %dma_wait3A_497 = tpu.memref_squeeze %dma_wait3A_496 : memref<1x512xi32, #tpu.memory_space<vmem>> -> memref<512xi32, #tpu.memory_space<vmem>>
      %dma_wait3A_498 = arith.constant 0 : i32
      %dma_wait3A_499 = arith.constant 0 : i32
      %dma_wait3A_500 = tpu.memref_slice %arg2[%dma_wait3A_498, %dma_wait3A_499] : memref<10240x16xf32, #tpu.memory_space<hbm>> -> memref<10240x16xf32, #tpu.memory_space<hbm>>
      tpu.wait_indirect_dma semaphore(%arg12 : memref<!tpu.dma_semaphore, #tpu.memory_space<semaphore_mem>>) src(%dma_wait3A_500 : memref<10240x16xf32, #tpu.memory_space<hbm>>) dst(%dma_wait3A_494 : memref<512x16xf32, #tpu.memory_space<vmem>>)
      %mul3A_501 = arith.constant 5 : i32
      %mul3A_502 = arith.muli %add3A_375, %mul3A_501 : i32
      %add3A_503 = arith.constant 3 : i32
      %add3A_504 = arith.addi %mul3A_502, %add3A_503 : i32
      %dma_wait3A_505 = arith.constant 8 : i32
      %dma_wait3A_506 = arith.constant 0 : i32
      %dma_wait3A_507 = arith.constant 0 : i32
      %dma_wait3A_508 = tpu.memref_slice %arg8[%dma_wait3A_505, %dma_wait3A_506, %dma_wait3A_507] : memref<10x512x16xf32, #tpu.memory_space<vmem>> -> memref<1x512x16xf32, #tpu.memory_space<vmem>>
      %dma_wait3A_509 = tpu.memref_squeeze %dma_wait3A_508 : memref<1x512x16xf32, #tpu.memory_space<vmem>> -> memref<512x16xf32, #tpu.memory_space<vmem>>
      %dma_wait3A_510 = arith.constant 0 : i32
      %dma_wait3A_511 = tpu.memref_slice %arg6[%add3A_504, %dma_wait3A_510] : memref<20x512xi32, #tpu.memory_space<vmem>> -> memref<1x512xi32, #tpu.memory_space<vmem>>
      %dma_wait3A_512 = tpu.memref_squeeze %dma_wait3A_511 : memref<1x512xi32, #tpu.memory_space<vmem>> -> memref<512xi32, #tpu.memory_space<vmem>>
      %dma_wait3A_513 = arith.constant 0 : i32
      %dma_wait3A_514 = arith.constant 0 : i32
      %dma_wait3A_515 = tpu.memref_slice %arg2[%dma_wait3A_513, %dma_wait3A_514] : memref<10240x16xf32, #tpu.memory_space<hbm>> -> memref<10240x16xf32, #tpu.memory_space<hbm>>
      tpu.wait_indirect_dma semaphore(%arg12 : memref<!tpu.dma_semaphore, #tpu.memory_space<semaphore_mem>>) src(%dma_wait3A_515 : memref<10240x16xf32, #tpu.memory_space<hbm>>) dst(%dma_wait3A_509 : memref<512x16xf32, #tpu.memory_space<vmem>>)
      %mul3A_516 = arith.constant 5 : i32
      %mul3A_517 = arith.muli %add3A_375, %mul3A_516 : i32
      %add3A_518 = arith.constant 4 : i32
      %add3A_519 = arith.addi %mul3A_517, %add3A_518 : i32
      %dma_wait3A_520 = arith.constant 9 : i32
      %dma_wait3A_521 = arith.constant 0 : i32
      %dma_wait3A_522 = arith.constant 0 : i32
      %dma_wait3A_523 = tpu.memref_slice %arg8[%dma_wait3A_520, %dma_wait3A_521, %dma_wait3A_522] : memref<10x512x16xf32, #tpu.memory_space<vmem>> -> memref<1x512x16xf32, #tpu.memory_space<vmem>>
      %dma_wait3A_524 = tpu.memref_squeeze %dma_wait3A_523 : memref<1x512x16xf32, #tpu.memory_space<vmem>> -> memref<512x16xf32, #tpu.memory_space<vmem>>
      %dma_wait3A_525 = arith.constant 0 : i32
      %dma_wait3A_526 = tpu.memref_slice %arg6[%add3A_519, %dma_wait3A_525] : memref<20x512xi32, #tpu.memory_space<vmem>> -> memref<1x512xi32, #tpu.memory_space<vmem>>
      %dma_wait3A_527 = tpu.memref_squeeze %dma_wait3A_526 : memref<1x512xi32, #tpu.memory_space<vmem>> -> memref<512xi32, #tpu.memory_space<vmem>>
      %dma_wait3A_528 = arith.constant 0 : i32
      %dma_wait3A_529 = arith.constant 0 : i32
      %dma_wait3A_530 = tpu.memref_slice %arg2[%dma_wait3A_528, %dma_wait3A_529] : memref<10240x16xf32, #tpu.memory_space<hbm>> -> memref<10240x16xf32, #tpu.memory_space<hbm>>
      tpu.wait_indirect_dma semaphore(%arg12 : memref<!tpu.dma_semaphore, #tpu.memory_space<semaphore_mem>>) src(%dma_wait3A_530 : memref<10240x16xf32, #tpu.memory_space<hbm>>) dst(%dma_wait3A_524 : memref<512x16xf32, #tpu.memory_space<vmem>>)
      %mul3A_531 = arith.constant 5 : i32
      %mul3A_532 = arith.muli %add3A_375, %mul3A_531 : i32
      %add3A_533 = arith.constant 0 : i32
      %add3A_534 = arith.addi %mul3A_532, %add3A_533 : i32
      %dma_start3A_535 = arith.constant 5 : i32
      %dma_start3A_536 = arith.constant 0 : i32
      %dma_start3A_537 = arith.constant 0 : i32
      %dma_start3A_538 = tpu.memref_slice %arg8[%dma_start3A_535, %dma_start3A_536, %dma_start3A_537] : memref<10x512x16xf32, #tpu.memory_space<vmem>> -> memref<1x512x16xf32, #tpu.memory_space<vmem>>
      %dma_start3A_539 = tpu.memref_squeeze %dma_start3A_538 : memref<1x512x16xf32, #tpu.memory_space<vmem>> -> memref<512x16xf32, #tpu.memory_space<vmem>>
      %dma_start3A_540 = arith.constant 0 : i32
      %dma_start3A_541 = tpu.memref_slice %arg7[%add3A_534, %dma_start3A_540] : memref<20x512xi32, #tpu.memory_space<vmem>> -> memref<1x512xi32, #tpu.memory_space<vmem>>
      %dma_start3A_542 = tpu.memref_squeeze %dma_start3A_541 : memref<1x512xi32, #tpu.memory_space<vmem>> -> memref<512xi32, #tpu.memory_space<vmem>>
      %dma_start3A_543 = arith.constant 0 : i32
      %dma_start3A_544 = arith.constant 0 : i32
      %dma_start3A_545 = tpu.memref_slice %arg10[%dma_start3A_543, %dma_start3A_544] : memref<10240x16xf32, #tpu.memory_space<vmem_shared>> -> memref<10240x16xf32, #tpu.memory_space<vmem_shared>>
      tpu.enqueue_indirect_dma source(%dma_start3A_539 : memref<512x16xf32, #tpu.memory_space<vmem>>) target(%dma_start3A_545 : memref<10240x16xf32, #tpu.memory_space<vmem_shared>>) offsets(%dma_start3A_542 : memref<512xi32, #tpu.memory_space<vmem>>) semaphore(%arg14 : memref<!tpu.dma_semaphore, #tpu.memory_space<semaphore_mem>>) {add = true}
      %mul3A_546 = arith.constant 5 : i32
      %mul3A_547 = arith.muli %add3A_375, %mul3A_546 : i32
      %add3A_548 = arith.constant 1 : i32
      %add3A_549 = arith.addi %mul3A_547, %add3A_548 : i32
      %dma_start3A_550 = arith.constant 6 : i32
      %dma_start3A_551 = arith.constant 0 : i32
      %dma_start3A_552 = arith.constant 0 : i32
      %dma_start3A_553 = tpu.memref_slice %arg8[%dma_start3A_550, %dma_start3A_551, %dma_start3A_552] : memref<10x512x16xf32, #tpu.memory_space<vmem>> -> memref<1x512x16xf32, #tpu.memory_space<vmem>>
      %dma_start3A_554 = tpu.memref_squeeze %dma_start3A_553 : memref<1x512x16xf32, #tpu.memory_space<vmem>> -> memref<512x16xf32, #tpu.memory_space<vmem>>
      %dma_start3A_555 = arith.constant 0 : i32
      %dma_start3A_556 = tpu.memref_slice %arg7[%add3A_549, %dma_start3A_555] : memref<20x512xi32, #tpu.memory_space<vmem>> -> memref<1x512xi32, #tpu.memory_space<vmem>>
      %dma_start3A_557 = tpu.memref_squeeze %dma_start3A_556 : memref<1x512xi32, #tpu.memory_space<vmem>> -> memref<512xi32, #tpu.memory_space<vmem>>
      %dma_start3A_558 = arith.constant 0 : i32
      %dma_start3A_559 = arith.constant 0 : i32
      %dma_start3A_560 = tpu.memref_slice %arg10[%dma_start3A_558, %dma_start3A_559] : memref<10240x16xf32, #tpu.memory_space<vmem_shared>> -> memref<10240x16xf32, #tpu.memory_space<vmem_shared>>
      tpu.enqueue_indirect_dma source(%dma_start3A_554 : memref<512x16xf32, #tpu.memory_space<vmem>>) target(%dma_start3A_560 : memref<10240x16xf32, #tpu.memory_space<vmem_shared>>) offsets(%dma_start3A_557 : memref<512xi32, #tpu.memory_space<vmem>>) semaphore(%arg14 : memref<!tpu.dma_semaphore, #tpu.memory_space<semaphore_mem>>) {add = true}
      %mul3A_561 = arith.constant 5 : i32
      %mul3A_562 = arith.muli %add3A_375, %mul3A_561 : i32
      %add3A_563 = arith.constant 2 : i32
      %add3A_564 = arith.addi %mul3A_562, %add3A_563 : i32
      %dma_start3A_565 = arith.constant 7 : i32
      %dma_start3A_566 = arith.constant 0 : i32
      %dma_start3A_567 = arith.constant 0 : i32
      %dma_start3A_568 = tpu.memref_slice %arg8[%dma_start3A_565, %dma_start3A_566, %dma_start3A_567] : memref<10x512x16xf32, #tpu.memory_space<vmem>> -> memref<1x512x16xf32, #tpu.memory_space<vmem>>
      %dma_start3A_569 = tpu.memref_squeeze %dma_start3A_568 : memref<1x512x16xf32, #tpu.memory_space<vmem>> -> memref<512x16xf32, #tpu.memory_space<vmem>>
      %dma_start3A_570 = arith.constant 0 : i32
      %dma_start3A_571 = tpu.memref_slice %arg7[%add3A_564, %dma_start3A_570] : memref<20x512xi32, #tpu.memory_space<vmem>> -> memref<1x512xi32, #tpu.memory_space<vmem>>
      %dma_start3A_572 = tpu.memref_squeeze %dma_start3A_571 : memref<1x512xi32, #tpu.memory_space<vmem>> -> memref<512xi32, #tpu.memory_space<vmem>>
      %dma_start3A_573 = arith.constant 0 : i32
      %dma_start3A_574 = arith.constant 0 : i32
      %dma_start3A_575 = tpu.memref_slice %arg10[%dma_start3A_573, %dma_start3A_574] : memref<10240x16xf32, #tpu.memory_space<vmem_shared>> -> memref<10240x16xf32, #tpu.memory_space<vmem_shared>>
      tpu.enqueue_indirect_dma source(%dma_start3A_569 : memref<512x16xf32, #tpu.memory_space<vmem>>) target(%dma_start3A_575 : memref<10240x16xf32, #tpu.memory_space<vmem_shared>>) offsets(%dma_start3A_572 : memref<512xi32, #tpu.memory_space<vmem>>) semaphore(%arg14 : memref<!tpu.dma_semaphore, #tpu.memory_space<semaphore_mem>>) {add = true}
      %mul3A_576 = arith.constant 5 : i32
      %mul3A_577 = arith.muli %add3A_375, %mul3A_576 : i32
      %add3A_578 = arith.constant 3 : i32
      %add3A_579 = arith.addi %mul3A_577, %add3A_578 : i32
      %dma_start3A_580 = arith.constant 8 : i32
      %dma_start3A_581 = arith.constant 0 : i32
      %dma_start3A_582 = arith.constant 0 : i32
      %dma_start3A_583 = tpu.memref_slice %arg8[%dma_start3A_580, %dma_start3A_581, %dma_start3A_582] : memref<10x512x16xf32, #tpu.memory_space<vmem>> -> memref<1x512x16xf32, #tpu.memory_space<vmem>>
      %dma_start3A_584 = tpu.memref_squeeze %dma_start3A_583 : memref<1x512x16xf32, #tpu.memory_space<vmem>> -> memref<512x16xf32, #tpu.memory_space<vmem>>
      %dma_start3A_585 = arith.constant 0 : i32
      %dma_start3A_586 = tpu.memref_slice %arg7[%add3A_579, %dma_start3A_585] : memref<20x512xi32, #tpu.memory_space<vmem>> -> memref<1x512xi32, #tpu.memory_space<vmem>>
      %dma_start3A_587 = tpu.memref_squeeze %dma_start3A_586 : memref<1x512xi32, #tpu.memory_space<vmem>> -> memref<512xi32, #tpu.memory_space<vmem>>
      %dma_start3A_588 = arith.constant 0 : i32
      %dma_start3A_589 = arith.constant 0 : i32
      %dma_start3A_590 = tpu.memref_slice %arg10[%dma_start3A_588, %dma_start3A_589] : memref<10240x16xf32, #tpu.memory_space<vmem_shared>> -> memref<10240x16xf32, #tpu.memory_space<vmem_shared>>
      tpu.enqueue_indirect_dma source(%dma_start3A_584 : memref<512x16xf32, #tpu.memory_space<vmem>>) target(%dma_start3A_590 : memref<10240x16xf32, #tpu.memory_space<vmem_shared>>) offsets(%dma_start3A_587 : memref<512xi32, #tpu.memory_space<vmem>>) semaphore(%arg14 : memref<!tpu.dma_semaphore, #tpu.memory_space<semaphore_mem>>) {add = true}
      %mul3A_591 = arith.constant 5 : i32
      %mul3A_592 = arith.muli %add3A_375, %mul3A_591 : i32
      %add3A_593 = arith.constant 4 : i32
      %add3A_594 = arith.addi %mul3A_592, %add3A_593 : i32
      %dma_start3A_595 = arith.constant 9 : i32
      %dma_start3A_596 = arith.constant 0 : i32
      %dma_start3A_597 = arith.constant 0 : i32
      %dma_start3A_598 = tpu.memref_slice %arg8[%dma_start3A_595, %dma_start3A_596, %dma_start3A_597] : memref<10x512x16xf32, #tpu.memory_space<vmem>> -> memref<1x512x16xf32, #tpu.memory_space<vmem>>
      %dma_start3A_599 = tpu.memref_squeeze %dma_start3A_598 : memref<1x512x16xf32, #tpu.memory_space<vmem>> -> memref<512x16xf32, #tpu.memory_space<vmem>>
      %dma_start3A_600 = arith.constant 0 : i32
      %dma_start3A_601 = tpu.memref_slice %arg7[%add3A_594, %dma_start3A_600] : memref<20x512xi32, #tpu.memory_space<vmem>> -> memref<1x512xi32, #tpu.memory_space<vmem>>
      %dma_start3A_602 = tpu.memref_squeeze %dma_start3A_601 : memref<1x512xi32, #tpu.memory_space<vmem>> -> memref<512xi32, #tpu.memory_space<vmem>>
      %dma_start3A_603 = arith.constant 0 : i32
      %dma_start3A_604 = arith.constant 0 : i32
      %dma_start3A_605 = tpu.memref_slice %arg10[%dma_start3A_603, %dma_start3A_604] : memref<10240x16xf32, #tpu.memory_space<vmem_shared>> -> memref<10240x16xf32, #tpu.memory_space<vmem_shared>>
      tpu.enqueue_indirect_dma source(%dma_start3A_599 : memref<512x16xf32, #tpu.memory_space<vmem>>) target(%dma_start3A_605 : memref<10240x16xf32, #tpu.memory_space<vmem_shared>>) offsets(%dma_start3A_602 : memref<512xi32, #tpu.memory_space<vmem>>) semaphore(%arg14 : memref<!tpu.dma_semaphore, #tpu.memory_space<semaphore_mem>>) {add = true}
    }
    %scan3A_13 = arith.constant 2 : i32
    %dma_wait3A = arith.constant 0 : i32
    %dma_wait3A_14 = arith.constant 10 : i32
    %dma_wait3A_15 = arith.constant 0 : i32
    %dma_wait3A_16 = arith.constant 0 : i32
    %dma_wait3A_17 = tpu.memref_slice %arg8[%dma_wait3A, %dma_wait3A_15, %dma_wait3A_16] : memref<10x512x16xf32, #tpu.memory_space<vmem>> -> memref<1x512x16xf32, #tpu.memory_space<vmem>>
    %dma_wait3A_18 = tpu.memref_squeeze %dma_wait3A_17 : memref<1x512x16xf32, #tpu.memory_space<vmem>> -> memref<512x16xf32, #tpu.memory_space<vmem>>
    %dma_wait3A_19 = arith.constant 0 : i32
    %dma_wait3A_20 = tpu.memref_slice %arg7[%dma_wait3A_14, %dma_wait3A_19] : memref<20x512xi32, #tpu.memory_space<vmem>> -> memref<1x512xi32, #tpu.memory_space<vmem>>
    %dma_wait3A_21 = tpu.memref_squeeze %dma_wait3A_20 : memref<1x512xi32, #tpu.memory_space<vmem>> -> memref<512xi32, #tpu.memory_space<vmem>>
    %dma_wait3A_22 = arith.constant 0 : i32
    %dma_wait3A_23 = arith.constant 0 : i32
    %dma_wait3A_24 = tpu.memref_slice %arg10[%dma_wait3A_22, %dma_wait3A_23] : memref<10240x16xf32, #tpu.memory_space<vmem_shared>> -> memref<10240x16xf32, #tpu.memory_space<vmem_shared>>
    tpu.wait_indirect_dma semaphore(%arg13 : memref<!tpu.dma_semaphore, #tpu.memory_space<semaphore_mem>>) src(%dma_wait3A_18 : memref<512x16xf32, #tpu.memory_space<vmem>>) dst(%dma_wait3A_24 : memref<10240x16xf32, #tpu.memory_space<vmem_shared>>)
    %dma_wait3A_25 = arith.constant 1 : i32
    %dma_wait3A_26 = arith.constant 11 : i32
    %dma_wait3A_27 = arith.constant 0 : i32
    %dma_wait3A_28 = arith.constant 0 : i32
    %dma_wait3A_29 = tpu.memref_slice %arg8[%dma_wait3A_25, %dma_wait3A_27, %dma_wait3A_28] : memref<10x512x16xf32, #tpu.memory_space<vmem>> -> memref<1x512x16xf32, #tpu.memory_space<vmem>>
    %dma_wait3A_30 = tpu.memref_squeeze %dma_wait3A_29 : memref<1x512x16xf32, #tpu.memory_space<vmem>> -> memref<512x16xf32, #tpu.memory_space<vmem>>
    %dma_wait3A_31 = arith.constant 0 : i32
    %dma_wait3A_32 = tpu.memref_slice %arg7[%dma_wait3A_26, %dma_wait3A_31] : memref<20x512xi32, #tpu.memory_space<vmem>> -> memref<1x512xi32, #tpu.memory_space<vmem>>
    %dma_wait3A_33 = tpu.memref_squeeze %dma_wait3A_32 : memref<1x512xi32, #tpu.memory_space<vmem>> -> memref<512xi32, #tpu.memory_space<vmem>>
    %dma_wait3A_34 = arith.constant 0 : i32
    %dma_wait3A_35 = arith.constant 0 : i32
    %dma_wait3A_36 = tpu.memref_slice %arg10[%dma_wait3A_34, %dma_wait3A_35] : memref<10240x16xf32, #tpu.memory_space<vmem_shared>> -> memref<10240x16xf32, #tpu.memory_space<vmem_shared>>
    tpu.wait_indirect_dma semaphore(%arg13 : memref<!tpu.dma_semaphore, #tpu.memory_space<semaphore_mem>>) src(%dma_wait3A_30 : memref<512x16xf32, #tpu.memory_space<vmem>>) dst(%dma_wait3A_36 : memref<10240x16xf32, #tpu.memory_space<vmem_shared>>)
    %dma_wait3A_37 = arith.constant 2 : i32
    %dma_wait3A_38 = arith.constant 12 : i32
    %dma_wait3A_39 = arith.constant 0 : i32
    %dma_wait3A_40 = arith.constant 0 : i32
    %dma_wait3A_41 = tpu.memref_slice %arg8[%dma_wait3A_37, %dma_wait3A_39, %dma_wait3A_40] : memref<10x512x16xf32, #tpu.memory_space<vmem>> -> memref<1x512x16xf32, #tpu.memory_space<vmem>>
    %dma_wait3A_42 = tpu.memref_squeeze %dma_wait3A_41 : memref<1x512x16xf32, #tpu.memory_space<vmem>> -> memref<512x16xf32, #tpu.memory_space<vmem>>
    %dma_wait3A_43 = arith.constant 0 : i32
    %dma_wait3A_44 = tpu.memref_slice %arg7[%dma_wait3A_38, %dma_wait3A_43] : memref<20x512xi32, #tpu.memory_space<vmem>> -> memref<1x512xi32, #tpu.memory_space<vmem>>
    %dma_wait3A_45 = tpu.memref_squeeze %dma_wait3A_44 : memref<1x512xi32, #tpu.memory_space<vmem>> -> memref<512xi32, #tpu.memory_space<vmem>>
    %dma_wait3A_46 = arith.constant 0 : i32
    %dma_wait3A_47 = arith.constant 0 : i32
    %dma_wait3A_48 = tpu.memref_slice %arg10[%dma_wait3A_46, %dma_wait3A_47] : memref<10240x16xf32, #tpu.memory_space<vmem_shared>> -> memref<10240x16xf32, #tpu.memory_space<vmem_shared>>
    tpu.wait_indirect_dma semaphore(%arg13 : memref<!tpu.dma_semaphore, #tpu.memory_space<semaphore_mem>>) src(%dma_wait3A_42 : memref<512x16xf32, #tpu.memory_space<vmem>>) dst(%dma_wait3A_48 : memref<10240x16xf32, #tpu.memory_space<vmem_shared>>)
    %dma_wait3A_49 = arith.constant 3 : i32
    %dma_wait3A_50 = arith.constant 13 : i32
    %dma_wait3A_51 = arith.constant 0 : i32
    %dma_wait3A_52 = arith.constant 0 : i32
    %dma_wait3A_53 = tpu.memref_slice %arg8[%dma_wait3A_49, %dma_wait3A_51, %dma_wait3A_52] : memref<10x512x16xf32, #tpu.memory_space<vmem>> -> memref<1x512x16xf32, #tpu.memory_space<vmem>>
    %dma_wait3A_54 = tpu.memref_squeeze %dma_wait3A_53 : memref<1x512x16xf32, #tpu.memory_space<vmem>> -> memref<512x16xf32, #tpu.memory_space<vmem>>
    %dma_wait3A_55 = arith.constant 0 : i32
    %dma_wait3A_56 = tpu.memref_slice %arg7[%dma_wait3A_50, %dma_wait3A_55] : memref<20x512xi32, #tpu.memory_space<vmem>> -> memref<1x512xi32, #tpu.memory_space<vmem>>
    %dma_wait3A_57 = tpu.memref_squeeze %dma_wait3A_56 : memref<1x512xi32, #tpu.memory_space<vmem>> -> memref<512xi32, #tpu.memory_space<vmem>>
    %dma_wait3A_58 = arith.constant 0 : i32
    %dma_wait3A_59 = arith.constant 0 : i32
    %dma_wait3A_60 = tpu.memref_slice %arg10[%dma_wait3A_58, %dma_wait3A_59] : memref<10240x16xf32, #tpu.memory_space<vmem_shared>> -> memref<10240x16xf32, #tpu.memory_space<vmem_shared>>
    tpu.wait_indirect_dma semaphore(%arg13 : memref<!tpu.dma_semaphore, #tpu.memory_space<semaphore_mem>>) src(%dma_wait3A_54 : memref<512x16xf32, #tpu.memory_space<vmem>>) dst(%dma_wait3A_60 : memref<10240x16xf32, #tpu.memory_space<vmem_shared>>)
    %dma_wait3A_61 = arith.constant 4 : i32
    %dma_wait3A_62 = arith.constant 14 : i32
    %dma_wait3A_63 = arith.constant 0 : i32
    %dma_wait3A_64 = arith.constant 0 : i32
    %dma_wait3A_65 = tpu.memref_slice %arg8[%dma_wait3A_61, %dma_wait3A_63, %dma_wait3A_64] : memref<10x512x16xf32, #tpu.memory_space<vmem>> -> memref<1x512x16xf32, #tpu.memory_space<vmem>>
    %dma_wait3A_66 = tpu.memref_squeeze %dma_wait3A_65 : memref<1x512x16xf32, #tpu.memory_space<vmem>> -> memref<512x16xf32, #tpu.memory_space<vmem>>
    %dma_wait3A_67 = arith.constant 0 : i32
    %dma_wait3A_68 = tpu.memref_slice %arg7[%dma_wait3A_62, %dma_wait3A_67] : memref<20x512xi32, #tpu.memory_space<vmem>> -> memref<1x512xi32, #tpu.memory_space<vmem>>
    %dma_wait3A_69 = tpu.memref_squeeze %dma_wait3A_68 : memref<1x512xi32, #tpu.memory_space<vmem>> -> memref<512xi32, #tpu.memory_space<vmem>>
    %dma_wait3A_70 = arith.constant 0 : i32
    %dma_wait3A_71 = arith.constant 0 : i32
    %dma_wait3A_72 = tpu.memref_slice %arg10[%dma_wait3A_70, %dma_wait3A_71] : memref<10240x16xf32, #tpu.memory_space<vmem_shared>> -> memref<10240x16xf32, #tpu.memory_space<vmem_shared>>
    tpu.wait_indirect_dma semaphore(%arg13 : memref<!tpu.dma_semaphore, #tpu.memory_space<semaphore_mem>>) src(%dma_wait3A_66 : memref<512x16xf32, #tpu.memory_space<vmem>>) dst(%dma_wait3A_72 : memref<10240x16xf32, #tpu.memory_space<vmem_shared>>)
    %dma_wait3A_73 = arith.constant 5 : i32
    %dma_wait3A_74 = arith.constant 15 : i32
    %dma_wait3A_75 = arith.constant 0 : i32
    %dma_wait3A_76 = arith.constant 0 : i32
    %dma_wait3A_77 = tpu.memref_slice %arg8[%dma_wait3A_73, %dma_wait3A_75, %dma_wait3A_76] : memref<10x512x16xf32, #tpu.memory_space<vmem>> -> memref<1x512x16xf32, #tpu.memory_space<vmem>>
    %dma_wait3A_78 = tpu.memref_squeeze %dma_wait3A_77 : memref<1x512x16xf32, #tpu.memory_space<vmem>> -> memref<512x16xf32, #tpu.memory_space<vmem>>
    %dma_wait3A_79 = arith.constant 0 : i32
    %dma_wait3A_80 = tpu.memref_slice %arg7[%dma_wait3A_74, %dma_wait3A_79] : memref<20x512xi32, #tpu.memory_space<vmem>> -> memref<1x512xi32, #tpu.memory_space<vmem>>
    %dma_wait3A_81 = tpu.memref_squeeze %dma_wait3A_80 : memref<1x512xi32, #tpu.memory_space<vmem>> -> memref<512xi32, #tpu.memory_space<vmem>>
    %dma_wait3A_82 = arith.constant 0 : i32
    %dma_wait3A_83 = arith.constant 0 : i32
    %dma_wait3A_84 = tpu.memref_slice %arg10[%dma_wait3A_82, %dma_wait3A_83] : memref<10240x16xf32, #tpu.memory_space<vmem_shared>> -> memref<10240x16xf32, #tpu.memory_space<vmem_shared>>
    tpu.wait_indirect_dma semaphore(%arg14 : memref<!tpu.dma_semaphore, #tpu.memory_space<semaphore_mem>>) src(%dma_wait3A_78 : memref<512x16xf32, #tpu.memory_space<vmem>>) dst(%dma_wait3A_84 : memref<10240x16xf32, #tpu.memory_space<vmem_shared>>)
    %dma_wait3A_85 = arith.constant 6 : i32
    %dma_wait3A_86 = arith.constant 16 : i32
    %dma_wait3A_87 = arith.constant 0 : i32
    %dma_wait3A_88 = arith.constant 0 : i32
    %dma_wait3A_89 = tpu.memref_slice %arg8[%dma_wait3A_85, %dma_wait3A_87, %dma_wait3A_88] : memref<10x512x16xf32, #tpu.memory_space<vmem>> -> memref<1x512x16xf32, #tpu.memory_space<vmem>>
    %dma_wait3A_90 = tpu.memref_squeeze %dma_wait3A_89 : memref<1x512x16xf32, #tpu.memory_space<vmem>> -> memref<512x16xf32, #tpu.memory_space<vmem>>
    %dma_wait3A_91 = arith.constant 0 : i32
    %dma_wait3A_92 = tpu.memref_slice %arg7[%dma_wait3A_86, %dma_wait3A_91] : memref<20x512xi32, #tpu.memory_space<vmem>> -> memref<1x512xi32, #tpu.memory_space<vmem>>
    %dma_wait3A_93 = tpu.memref_squeeze %dma_wait3A_92 : memref<1x512xi32, #tpu.memory_space<vmem>> -> memref<512xi32, #tpu.memory_space<vmem>>
    %dma_wait3A_94 = arith.constant 0 : i32
    %dma_wait3A_95 = arith.constant 0 : i32
    %dma_wait3A_96 = tpu.memref_slice %arg10[%dma_wait3A_94, %dma_wait3A_95] : memref<10240x16xf32, #tpu.memory_space<vmem_shared>> -> memref<10240x16xf32, #tpu.memory_space<vmem_shared>>
    tpu.wait_indirect_dma semaphore(%arg14 : memref<!tpu.dma_semaphore, #tpu.memory_space<semaphore_mem>>) src(%dma_wait3A_90 : memref<512x16xf32, #tpu.memory_space<vmem>>) dst(%dma_wait3A_96 : memref<10240x16xf32, #tpu.memory_space<vmem_shared>>)
    %dma_wait3A_97 = arith.constant 7 : i32
    %dma_wait3A_98 = arith.constant 17 : i32
    %dma_wait3A_99 = arith.constant 0 : i32
    %dma_wait3A_100 = arith.constant 0 : i32
    %dma_wait3A_101 = tpu.memref_slice %arg8[%dma_wait3A_97, %dma_wait3A_99, %dma_wait3A_100] : memref<10x512x16xf32, #tpu.memory_space<vmem>> -> memref<1x512x16xf32, #tpu.memory_space<vmem>>
    %dma_wait3A_102 = tpu.memref_squeeze %dma_wait3A_101 : memref<1x512x16xf32, #tpu.memory_space<vmem>> -> memref<512x16xf32, #tpu.memory_space<vmem>>
    %dma_wait3A_103 = arith.constant 0 : i32
    %dma_wait3A_104 = tpu.memref_slice %arg7[%dma_wait3A_98, %dma_wait3A_103] : memref<20x512xi32, #tpu.memory_space<vmem>> -> memref<1x512xi32, #tpu.memory_space<vmem>>
    %dma_wait3A_105 = tpu.memref_squeeze %dma_wait3A_104 : memref<1x512xi32, #tpu.memory_space<vmem>> -> memref<512xi32, #tpu.memory_space<vmem>>
    %dma_wait3A_106 = arith.constant 0 : i32
    %dma_wait3A_107 = arith.constant 0 : i32
    %dma_wait3A_108 = tpu.memref_slice %arg10[%dma_wait3A_106, %dma_wait3A_107] : memref<10240x16xf32, #tpu.memory_space<vmem_shared>> -> memref<10240x16xf32, #tpu.memory_space<vmem_shared>>
    tpu.wait_indirect_dma semaphore(%arg14 : memref<!tpu.dma_semaphore, #tpu.memory_space<semaphore_mem>>) src(%dma_wait3A_102 : memref<512x16xf32, #tpu.memory_space<vmem>>) dst(%dma_wait3A_108 : memref<10240x16xf32, #tpu.memory_space<vmem_shared>>)
    %dma_wait3A_109 = arith.constant 8 : i32
    %dma_wait3A_110 = arith.constant 18 : i32
    %dma_wait3A_111 = arith.constant 0 : i32
    %dma_wait3A_112 = arith.constant 0 : i32
    %dma_wait3A_113 = tpu.memref_slice %arg8[%dma_wait3A_109, %dma_wait3A_111, %dma_wait3A_112] : memref<10x512x16xf32, #tpu.memory_space<vmem>> -> memref<1x512x16xf32, #tpu.memory_space<vmem>>
    %dma_wait3A_114 = tpu.memref_squeeze %dma_wait3A_113 : memref<1x512x16xf32, #tpu.memory_space<vmem>> -> memref<512x16xf32, #tpu.memory_space<vmem>>
    %dma_wait3A_115 = arith.constant 0 : i32
    %dma_wait3A_116 = tpu.memref_slice %arg7[%dma_wait3A_110, %dma_wait3A_115] : memref<20x512xi32, #tpu.memory_space<vmem>> -> memref<1x512xi32, #tpu.memory_space<vmem>>
    %dma_wait3A_117 = tpu.memref_squeeze %dma_wait3A_116 : memref<1x512xi32, #tpu.memory_space<vmem>> -> memref<512xi32, #tpu.memory_space<vmem>>
    %dma_wait3A_118 = arith.constant 0 : i32
    %dma_wait3A_119 = arith.constant 0 : i32
    %dma_wait3A_120 = tpu.memref_slice %arg10[%dma_wait3A_118, %dma_wait3A_119] : memref<10240x16xf32, #tpu.memory_space<vmem_shared>> -> memref<10240x16xf32, #tpu.memory_space<vmem_shared>>
    tpu.wait_indirect_dma semaphore(%arg14 : memref<!tpu.dma_semaphore, #tpu.memory_space<semaphore_mem>>) src(%dma_wait3A_114 : memref<512x16xf32, #tpu.memory_space<vmem>>) dst(%dma_wait3A_120 : memref<10240x16xf32, #tpu.memory_space<vmem_shared>>)
    %dma_wait3A_121 = arith.constant 9 : i32
    %dma_wait3A_122 = arith.constant 19 : i32
    %dma_wait3A_123 = arith.constant 0 : i32
    %dma_wait3A_124 = arith.constant 0 : i32
    %dma_wait3A_125 = tpu.memref_slice %arg8[%dma_wait3A_121, %dma_wait3A_123, %dma_wait3A_124] : memref<10x512x16xf32, #tpu.memory_space<vmem>> -> memref<1x512x16xf32, #tpu.memory_space<vmem>>
    %dma_wait3A_126 = tpu.memref_squeeze %dma_wait3A_125 : memref<1x512x16xf32, #tpu.memory_space<vmem>> -> memref<512x16xf32, #tpu.memory_space<vmem>>
    %dma_wait3A_127 = arith.constant 0 : i32
    %dma_wait3A_128 = tpu.memref_slice %arg7[%dma_wait3A_122, %dma_wait3A_127] : memref<20x512xi32, #tpu.memory_space<vmem>> -> memref<1x512xi32, #tpu.memory_space<vmem>>
    %dma_wait3A_129 = tpu.memref_squeeze %dma_wait3A_128 : memref<1x512xi32, #tpu.memory_space<vmem>> -> memref<512xi32, #tpu.memory_space<vmem>>
    %dma_wait3A_130 = arith.constant 0 : i32
    %dma_wait3A_131 = arith.constant 0 : i32
    %dma_wait3A_132 = tpu.memref_slice %arg10[%dma_wait3A_130, %dma_wait3A_131] : memref<10240x16xf32, #tpu.memory_space<vmem_shared>> -> memref<10240x16xf32, #tpu.memory_space<vmem_shared>>
    tpu.wait_indirect_dma semaphore(%arg14 : memref<!tpu.dma_semaphore, #tpu.memory_space<semaphore_mem>>) src(%dma_wait3A_126 : memref<512x16xf32, #tpu.memory_space<vmem>>) dst(%dma_wait3A_132 : memref<10240x16xf32, #tpu.memory_space<vmem_shared>>)
    %barrier3A_133 = arith.constant 0 : index
    tpu.barrier barrier_id(%barrier3A_133)
    %mul3A_134 = arith.constant 640 : i32
    %mul3A_135 = arith.muli %arg1, %mul3A_134 : i32
    %mul3A_136 = arith.constant 10240 : i32
    %mul3A_137 = arith.muli %arg0, %mul3A_136 : i32
    %mul3A_138 = arith.constant 640 : i32
    %mul3A_139 = arith.muli %arg1, %mul3A_138 : i32
    %add3A_140 = arith.addi %mul3A_137, %mul3A_139 : i32
    "tpu.region"() ({
      %run_scoped3A = tpu.sem_alloc : memref<!tpu.dma_semaphore, #tpu.memory_space<semaphore_mem>>
      %dma_start3A = arith.constant 0 : i32
      %dma_start3A_141 = tpu.memref_slice %arg5[%add3A_140, %dma_start3A] : memref<20480x16xf32, #tpu.memory_space<hbm>> -> memref<640x16xf32, #tpu.memory_space<hbm>>
      %dma_start3A_142 = arith.constant 0 : i32
      %dma_start3A_143 = tpu.memref_slice %arg10[%mul3A_135, %dma_start3A_142] : memref<10240x16xf32, #tpu.memory_space<vmem_shared>> -> memref<640x16xf32, #tpu.memory_space<vmem_shared>>
      tpu.enqueue_dma source(%dma_start3A_143 : memref<640x16xf32, #tpu.memory_space<vmem_shared>>) target(%dma_start3A_141 : memref<640x16xf32, #tpu.memory_space<hbm>>) target_semaphore(%run_scoped3A : memref<!tpu.dma_semaphore, #tpu.memory_space<semaphore_mem>>)
      %dma_wait3A_144 = arith.constant 0 : i32
      %dma_wait3A_145 = tpu.memref_slice %arg5[%add3A_140, %dma_wait3A_144] : memref<20480x16xf32, #tpu.memory_space<hbm>> -> memref<640x16xf32, #tpu.memory_space<hbm>>
      %dma_wait3A_146 = arith.constant 0 : i32
      %dma_wait3A_147 = tpu.memref_slice %arg10[%mul3A_135, %dma_wait3A_146] : memref<10240x16xf32, #tpu.memory_space<vmem_shared>> -> memref<640x16xf32, #tpu.memory_space<vmem_shared>>
      tpu.wait_dma2 semaphore(%run_scoped3A : memref<!tpu.dma_semaphore, #tpu.memory_space<semaphore_mem>>) src(%dma_wait3A_147 : memref<640x16xf32, #tpu.memory_space<vmem_shared>>) dst(%dma_wait3A_145 : memref<640x16xf32, #tpu.memory_space<hbm>>)
      tpu.yield
    }) : () -> ()
    return
  }
}

#map = affine_map<(d0, d1) -> (0, 0)>
#map1 = affine_map<(d0, d1) -> (0, 0, 0)>
module attributes {stable_mosaic.version = 14 : i64} {
  func.func @k(%arg0: i32, %arg1: i32, %arg2: memref<20480x16xf32, #tpu.memory_space<hbm>>, %arg3: memref<10240x16xf32, #tpu.memory_space<hbm>>, %arg4: memref<10240x16xf32, #tpu.memory_space<hbm>>, %arg5: memref<32x20x512xi32, #tpu.memory_space<hbm>>, %arg6: memref<32x20x512xi32, #tpu.memory_space<hbm>>, %arg7: memref<20480x16xf32, #tpu.memory_space<hbm>>, %arg8: memref<20x512xi32, #tpu.memory_space<vmem>>, %arg9: memref<20x512xi32, #tpu.memory_space<vmem>>, %arg10: memref<4x512x16xf32, #tpu.memory_space<vmem>>, %arg11: memref<640x16xf32, #tpu.memory_space<vmem>>, %arg12: memref<640x16xf32, #tpu.memory_space<vmem>>, %arg13: memref<640x16xf32, #tpu.memory_space<vmem>>, %arg14: memref<640x16xf32, #tpu.memory_space<vmem>>, %arg15: memref<10240x16xf32, #tpu.memory_space<vmem_shared>>, %arg16: memref<10240x16xf32, #tpu.memory_space<vmem_shared>>, %arg17: memref<!tpu.dma_semaphore, #tpu.memory_space<semaphore_mem>>, %arg18: memref<!tpu.dma_semaphore, #tpu.memory_space<semaphore_mem>>, %arg19: memref<!tpu.dma_semaphore, #tpu.memory_space<semaphore_mem>>, %arg20: memref<!tpu.dma_semaphore, #tpu.memory_space<semaphore_mem>>) attributes {dimension_semantics = [#tpu.dimension_semantics<core_parallel>, #tpu.dimension_semantics<subcore_parallel>], iteration_bounds = array<i64: 2, 16>, scalar_prefetch = 0 : i64, scratch_operands = 13 : i64, tpu.core_type = #tpu.core_type<sc_vector_subcore>, window_params = [{transform_indices = #map}, {transform_indices = #map}, {transform_indices = #map}, {transform_indices = #map1}, {transform_indices = #map1}, {transform_indices = #map}]} {
    %mul3A = arith.constant 16 : i32
    %mul3A_0 = arith.muli %arg0, %mul3A : i32
    %add3A = arith.addi %mul3A_0, %arg1 : i32
    %mul3A_1 = arith.constant 640 : i32
    %mul3A_2 = arith.muli %arg1, %mul3A_1 : i32
    %scan3A = arith.constant 0 : i32
    %scan3A_3 = arith.constant 0 : i32
    %scan3A_4 = arith.constant 640 : i32
    %scan3A_5 = arith.addi %scan3A_3, %scan3A_4 : i32
    %scan3A_6 = arith.constant 1 : i32
    scf.for %scan3A_106 = %scan3A_3 to %scan3A_5 step %scan3A_6  : i32 {
      %broadcast_in_dim3A = arith.constant 0.000000e+00 : f32
      %broadcast_in_dim3A_107 = vector.broadcast %broadcast_in_dim3A : f32 to vector<16xf32>
      %swap3A = arith.index_cast %scan3A_106 : i32 to index
      %swap3A_108 = arith.constant 0 : index
      %swap3A_109 = tpu.vector_load %arg12[%swap3A, %swap3A_108] {strides = array<i32>} : memref<640x16xf32, #tpu.memory_space<vmem>>, vector<1x16xf32>,
      %swap3A_110 = vector.shape_cast %swap3A_109 : vector<1x16xf32> to vector<16xf32>
      %swap3A_111 = vector.shape_cast %broadcast_in_dim3A_107 : vector<16xf32> to vector<1x16xf32>
      tpu.vector_store %arg12[%swap3A, %swap3A_108], %swap3A_111 {strides = array<i32>} : memref<640x16xf32, #tpu.memory_space<vmem>>, vector<1x16xf32>,
    }
    %scan3A_7 = arith.constant 640 : i32
    "tpu.region"() ({
      %run_scoped3A = tpu.sem_alloc : memref<!tpu.dma_semaphore, #tpu.memory_space<semaphore_mem>>
      %dma_start3A_106 = arith.constant 0 : i32
      %dma_start3A_107 = tpu.memref_slice %arg16[%mul3A_2, %dma_start3A_106] : memref<10240x16xf32, #tpu.memory_space<vmem_shared>> -> memref<640x16xf32, #tpu.memory_space<vmem_shared>>
      %dma_start3A_108 = arith.constant 0 : i32
      %dma_start3A_109 = tpu.memref_slice %arg16[%mul3A_2, %dma_start3A_108] : memref<10240x16xf32, #tpu.memory_space<vmem_shared>> -> memref<640x16xf32, #tpu.memory_space<vmem_shared>>
      tpu.enqueue_dma source(%arg12 : memref<640x16xf32, #tpu.memory_space<vmem>>) target(%dma_start3A_109 : memref<640x16xf32, #tpu.memory_space<vmem_shared>>) target_semaphore(%run_scoped3A : memref<!tpu.dma_semaphore, #tpu.memory_space<semaphore_mem>>)
      %dma_wait3A_110 = arith.constant 0 : i32
      %dma_wait3A_111 = tpu.memref_slice %arg16[%mul3A_2, %dma_wait3A_110] : memref<10240x16xf32, #tpu.memory_space<vmem_shared>> -> memref<640x16xf32, #tpu.memory_space<vmem_shared>>
      %dma_wait3A_112 = arith.constant 0 : i32
      %dma_wait3A_113 = tpu.memref_slice %arg16[%mul3A_2, %dma_wait3A_112] : memref<10240x16xf32, #tpu.memory_space<vmem_shared>> -> memref<640x16xf32, #tpu.memory_space<vmem_shared>>
      tpu.wait_dma2 semaphore(%run_scoped3A : memref<!tpu.dma_semaphore, #tpu.memory_space<semaphore_mem>>) src(%arg12 : memref<640x16xf32, #tpu.memory_space<vmem>>) dst(%dma_wait3A_113 : memref<640x16xf32, #tpu.memory_space<vmem_shared>>)
      tpu.yield
    }) : () -> ()
    "tpu.region"() ({
      %run_scoped3A = tpu.sem_alloc : memref<!tpu.dma_semaphore, #tpu.memory_space<semaphore_mem>>
      %dma_start3A_106 = arith.constant 0 : i32
      %dma_start3A_107 = arith.constant 0 : i32
      %dma_start3A_108 = tpu.memref_slice %arg5[%add3A, %dma_start3A_106, %dma_start3A_107] : memref<32x20x512xi32, #tpu.memory_space<hbm>> -> memref<1x20x512xi32, #tpu.memory_space<hbm>>
      %dma_start3A_109 = tpu.memref_squeeze %dma_start3A_108 : memref<1x20x512xi32, #tpu.memory_space<hbm>> -> memref<20x512xi32, #tpu.memory_space<hbm>>
      %dma_start3A_110 = arith.constant 0 : i32
      %dma_start3A_111 = arith.constant 0 : i32
      %dma_start3A_112 = tpu.memref_slice %arg5[%add3A, %dma_start3A_110, %dma_start3A_111] : memref<32x20x512xi32, #tpu.memory_space<hbm>> -> memref<1x20x512xi32, #tpu.memory_space<hbm>>
      %dma_start3A_113 = tpu.memref_squeeze %dma_start3A_112 : memref<1x20x512xi32, #tpu.memory_space<hbm>> -> memref<20x512xi32, #tpu.memory_space<hbm>>
      tpu.enqueue_dma source(%dma_start3A_113 : memref<20x512xi32, #tpu.memory_space<hbm>>) target(%arg8 : memref<20x512xi32, #tpu.memory_space<vmem>>) target_semaphore(%run_scoped3A : memref<!tpu.dma_semaphore, #tpu.memory_space<semaphore_mem>>)
      %dma_wait3A_114 = arith.constant 0 : i32
      %dma_wait3A_115 = arith.constant 0 : i32
      %dma_wait3A_116 = tpu.memref_slice %arg5[%add3A, %dma_wait3A_114, %dma_wait3A_115] : memref<32x20x512xi32, #tpu.memory_space<hbm>> -> memref<1x20x512xi32, #tpu.memory_space<hbm>>
      %dma_wait3A_117 = tpu.memref_squeeze %dma_wait3A_116 : memref<1x20x512xi32, #tpu.memory_space<hbm>> -> memref<20x512xi32, #tpu.memory_space<hbm>>
      %dma_wait3A_118 = arith.constant 0 : i32
      %dma_wait3A_119 = arith.constant 0 : i32
      %dma_wait3A_120 = tpu.memref_slice %arg5[%add3A, %dma_wait3A_118, %dma_wait3A_119] : memref<32x20x512xi32, #tpu.memory_space<hbm>> -> memref<1x20x512xi32, #tpu.memory_space<hbm>>
      %dma_wait3A_121 = tpu.memref_squeeze %dma_wait3A_120 : memref<1x20x512xi32, #tpu.memory_space<hbm>> -> memref<20x512xi32, #tpu.memory_space<hbm>>
      tpu.wait_dma2 semaphore(%run_scoped3A : memref<!tpu.dma_semaphore, #tpu.memory_space<semaphore_mem>>) src(%dma_wait3A_121 : memref<20x512xi32, #tpu.memory_space<hbm>>) dst(%arg8 : memref<20x512xi32, #tpu.memory_space<vmem>>)
      tpu.yield
    }) : () -> ()
    "tpu.region"() ({
      %run_scoped3A = tpu.sem_alloc : memref<!tpu.dma_semaphore, #tpu.memory_space<semaphore_mem>>
      %dma_start3A_106 = arith.constant 0 : i32
      %dma_start3A_107 = arith.constant 0 : i32
      %dma_start3A_108 = tpu.memref_slice %arg6[%add3A, %dma_start3A_106, %dma_start3A_107] : memref<32x20x512xi32, #tpu.memory_space<hbm>> -> memref<1x20x512xi32, #tpu.memory_space<hbm>>
      %dma_start3A_109 = tpu.memref_squeeze %dma_start3A_108 : memref<1x20x512xi32, #tpu.memory_space<hbm>> -> memref<20x512xi32, #tpu.memory_space<hbm>>
      %dma_start3A_110 = arith.constant 0 : i32
      %dma_start3A_111 = arith.constant 0 : i32
      %dma_start3A_112 = tpu.memref_slice %arg6[%add3A, %dma_start3A_110, %dma_start3A_111] : memref<32x20x512xi32, #tpu.memory_space<hbm>> -> memref<1x20x512xi32, #tpu.memory_space<hbm>>
      %dma_start3A_113 = tpu.memref_squeeze %dma_start3A_112 : memref<1x20x512xi32, #tpu.memory_space<hbm>> -> memref<20x512xi32, #tpu.memory_space<hbm>>
      tpu.enqueue_dma source(%dma_start3A_113 : memref<20x512xi32, #tpu.memory_space<hbm>>) target(%arg9 : memref<20x512xi32, #tpu.memory_space<vmem>>) target_semaphore(%run_scoped3A : memref<!tpu.dma_semaphore, #tpu.memory_space<semaphore_mem>>)
      %dma_wait3A_114 = arith.constant 0 : i32
      %dma_wait3A_115 = arith.constant 0 : i32
      %dma_wait3A_116 = tpu.memref_slice %arg6[%add3A, %dma_wait3A_114, %dma_wait3A_115] : memref<32x20x512xi32, #tpu.memory_space<hbm>> -> memref<1x20x512xi32, #tpu.memory_space<hbm>>
      %dma_wait3A_117 = tpu.memref_squeeze %dma_wait3A_116 : memref<1x20x512xi32, #tpu.memory_space<hbm>> -> memref<20x512xi32, #tpu.memory_space<hbm>>
      %dma_wait3A_118 = arith.constant 0 : i32
      %dma_wait3A_119 = arith.constant 0 : i32
      %dma_wait3A_120 = tpu.memref_slice %arg6[%add3A, %dma_wait3A_118, %dma_wait3A_119] : memref<32x20x512xi32, #tpu.memory_space<hbm>> -> memref<1x20x512xi32, #tpu.memory_space<hbm>>
      %dma_wait3A_121 = tpu.memref_squeeze %dma_wait3A_120 : memref<1x20x512xi32, #tpu.memory_space<hbm>> -> memref<20x512xi32, #tpu.memory_space<hbm>>
      tpu.wait_dma2 semaphore(%run_scoped3A : memref<!tpu.dma_semaphore, #tpu.memory_space<semaphore_mem>>) src(%dma_wait3A_121 : memref<20x512xi32, #tpu.memory_space<hbm>>) dst(%arg9 : memref<20x512xi32, #tpu.memory_space<vmem>>)
      tpu.yield
    }) : () -> ()
    %dma_start3A = arith.constant 0 : i32
    %dma_start3A_8 = tpu.memref_slice %arg2[%mul3A_2, %dma_start3A] : memref<20480x16xf32, #tpu.memory_space<hbm>> -> memref<640x16xf32, #tpu.memory_space<hbm>>
    %dma_start3A_9 = arith.constant 0 : i32
    %dma_start3A_10 = tpu.memref_slice %arg2[%mul3A_2, %dma_start3A_9] : memref<20480x16xf32, #tpu.memory_space<hbm>> -> memref<640x16xf32, #tpu.memory_space<hbm>>
    tpu.enqueue_dma source(%dma_start3A_10 : memref<640x16xf32, #tpu.memory_space<hbm>>) target(%arg11 : memref<640x16xf32, #tpu.memory_space<vmem>>) target_semaphore(%arg17 : memref<!tpu.dma_semaphore, #tpu.memory_space<semaphore_mem>>)
    %add3A_11 = arith.constant 10240 : i32
    %add3A_12 = arith.addi %add3A_11, %mul3A_2 : i32
    %dma_start3A_13 = arith.constant 0 : i32
    %dma_start3A_14 = tpu.memref_slice %arg2[%add3A_12, %dma_start3A_13] : memref<20480x16xf32, #tpu.memory_space<hbm>> -> memref<640x16xf32, #tpu.memory_space<hbm>>
    %dma_start3A_15 = arith.constant 0 : i32
    %dma_start3A_16 = tpu.memref_slice %arg2[%add3A_12, %dma_start3A_15] : memref<20480x16xf32, #tpu.memory_space<hbm>> -> memref<640x16xf32, #tpu.memory_space<hbm>>
    tpu.enqueue_dma source(%dma_start3A_16 : memref<640x16xf32, #tpu.memory_space<hbm>>) target(%arg12 : memref<640x16xf32, #tpu.memory_space<vmem>>) target_semaphore(%arg17 : memref<!tpu.dma_semaphore, #tpu.memory_space<semaphore_mem>>)
    %dma_start3A_17 = arith.constant 0 : i32
    %dma_start3A_18 = tpu.memref_slice %arg3[%mul3A_2, %dma_start3A_17] : memref<10240x16xf32, #tpu.memory_space<hbm>> -> memref<640x16xf32, #tpu.memory_space<hbm>>
    %dma_start3A_19 = arith.constant 0 : i32
    %dma_start3A_20 = tpu.memref_slice %arg3[%mul3A_2, %dma_start3A_19] : memref<10240x16xf32, #tpu.memory_space<hbm>> -> memref<640x16xf32, #tpu.memory_space<hbm>>
    tpu.enqueue_dma source(%dma_start3A_20 : memref<640x16xf32, #tpu.memory_space<hbm>>) target(%arg13 : memref<640x16xf32, #tpu.memory_space<vmem>>) target_semaphore(%arg17 : memref<!tpu.dma_semaphore, #tpu.memory_space<semaphore_mem>>)
    %dma_start3A_21 = arith.constant 0 : i32
    %dma_start3A_22 = tpu.memref_slice %arg4[%mul3A_2, %dma_start3A_21] : memref<10240x16xf32, #tpu.memory_space<hbm>> -> memref<640x16xf32, #tpu.memory_space<hbm>>
    %dma_start3A_23 = arith.constant 0 : i32
    %dma_start3A_24 = tpu.memref_slice %arg4[%mul3A_2, %dma_start3A_23] : memref<10240x16xf32, #tpu.memory_space<hbm>> -> memref<640x16xf32, #tpu.memory_space<hbm>>
    tpu.enqueue_dma source(%dma_start3A_24 : memref<640x16xf32, #tpu.memory_space<hbm>>) target(%arg14 : memref<640x16xf32, #tpu.memory_space<vmem>>) target_semaphore(%arg17 : memref<!tpu.dma_semaphore, #tpu.memory_space<semaphore_mem>>)
    %dma_wait3A = arith.constant 0 : i32
    %dma_wait3A_25 = tpu.memref_slice %arg2[%mul3A_2, %dma_wait3A] : memref<20480x16xf32, #tpu.memory_space<hbm>> -> memref<640x16xf32, #tpu.memory_space<hbm>>
    %dma_wait3A_26 = arith.constant 0 : i32
    %dma_wait3A_27 = tpu.memref_slice %arg2[%mul3A_2, %dma_wait3A_26] : memref<20480x16xf32, #tpu.memory_space<hbm>> -> memref<640x16xf32, #tpu.memory_space<hbm>>
    tpu.wait_dma2 semaphore(%arg17 : memref<!tpu.dma_semaphore, #tpu.memory_space<semaphore_mem>>) src(%dma_wait3A_27 : memref<640x16xf32, #tpu.memory_space<hbm>>) dst(%arg11 : memref<640x16xf32, #tpu.memory_space<vmem>>)
    %add3A_28 = arith.constant 10240 : i32
    %add3A_29 = arith.addi %add3A_28, %mul3A_2 : i32
    %dma_wait3A_30 = arith.constant 0 : i32
    %dma_wait3A_31 = tpu.memref_slice %arg2[%add3A_29, %dma_wait3A_30] : memref<20480x16xf32, #tpu.memory_space<hbm>> -> memref<640x16xf32, #tpu.memory_space<hbm>>
    %dma_wait3A_32 = arith.constant 0 : i32
    %dma_wait3A_33 = tpu.memref_slice %arg2[%add3A_29, %dma_wait3A_32] : memref<20480x16xf32, #tpu.memory_space<hbm>> -> memref<640x16xf32, #tpu.memory_space<hbm>>
    tpu.wait_dma2 semaphore(%arg17 : memref<!tpu.dma_semaphore, #tpu.memory_space<semaphore_mem>>) src(%dma_wait3A_33 : memref<640x16xf32, #tpu.memory_space<hbm>>) dst(%arg12 : memref<640x16xf32, #tpu.memory_space<vmem>>)
    %dma_wait3A_34 = arith.constant 0 : i32
    %dma_wait3A_35 = tpu.memref_slice %arg3[%mul3A_2, %dma_wait3A_34] : memref<10240x16xf32, #tpu.memory_space<hbm>> -> memref<640x16xf32, #tpu.memory_space<hbm>>
    %dma_wait3A_36 = arith.constant 0 : i32
    %dma_wait3A_37 = tpu.memref_slice %arg3[%mul3A_2, %dma_wait3A_36] : memref<10240x16xf32, #tpu.memory_space<hbm>> -> memref<640x16xf32, #tpu.memory_space<hbm>>
    tpu.wait_dma2 semaphore(%arg17 : memref<!tpu.dma_semaphore, #tpu.memory_space<semaphore_mem>>) src(%dma_wait3A_37 : memref<640x16xf32, #tpu.memory_space<hbm>>) dst(%arg13 : memref<640x16xf32, #tpu.memory_space<vmem>>)
    %dma_wait3A_38 = arith.constant 0 : i32
    %dma_wait3A_39 = tpu.memref_slice %arg4[%mul3A_2, %dma_wait3A_38] : memref<10240x16xf32, #tpu.memory_space<hbm>> -> memref<640x16xf32, #tpu.memory_space<hbm>>
    %dma_wait3A_40 = arith.constant 0 : i32
    %dma_wait3A_41 = tpu.memref_slice %arg4[%mul3A_2, %dma_wait3A_40] : memref<10240x16xf32, #tpu.memory_space<hbm>> -> memref<640x16xf32, #tpu.memory_space<hbm>>
    tpu.wait_dma2 semaphore(%arg17 : memref<!tpu.dma_semaphore, #tpu.memory_space<semaphore_mem>>) src(%dma_wait3A_41 : memref<640x16xf32, #tpu.memory_space<hbm>>) dst(%arg14 : memref<640x16xf32, #tpu.memory_space<vmem>>)
    %scan3A_42 = arith.constant 0 : i32
    %scan3A_43 = arith.constant 0 : i32
    %scan3A_44 = arith.constant 640 : i32
    %scan3A_45 = arith.addi %scan3A_43, %scan3A_44 : i32
    %scan3A_46 = arith.constant 1 : i32
    scf.for %scan3A_106 = %scan3A_43 to %scan3A_45 step %scan3A_46  : i32 {
      %get3A = arith.index_cast %scan3A_106 : i32 to index
      %get3A_107 = arith.constant 0 : index
      %get3A_108 = tpu.vector_load %arg11[%get3A, %get3A_107] {strides = array<i32>} : memref<640x16xf32, #tpu.memory_space<vmem>>, vector<1x16xf32>,
      %get3A_109 = vector.shape_cast %get3A_108 : vector<1x16xf32> to vector<16xf32>
      %get3A_110 = arith.index_cast %scan3A_106 : i32 to index
      %get3A_111 = arith.constant 0 : index
      %get3A_112 = tpu.vector_load %arg12[%get3A_110, %get3A_111] {strides = array<i32>} : memref<640x16xf32, #tpu.memory_space<vmem>>, vector<1x16xf32>,
      %get3A_113 = vector.shape_cast %get3A_112 : vector<1x16xf32> to vector<16xf32>
      %add3A_114 = arith.addf %get3A_109, %get3A_113 : vector<16xf32>
      %get3A_115 = arith.index_cast %scan3A_106 : i32 to index
      %get3A_116 = arith.constant 0 : index
      %get3A_117 = tpu.vector_load %arg13[%get3A_115, %get3A_116] {strides = array<i32>} : memref<640x16xf32, #tpu.memory_space<vmem>>, vector<1x16xf32>,
      %get3A_118 = vector.shape_cast %get3A_117 : vector<1x16xf32> to vector<16xf32>
      %add3A_119 = arith.addf %add3A_114, %get3A_118 : vector<16xf32>
      %get3A_120 = arith.index_cast %scan3A_106 : i32 to index
      %get3A_121 = arith.constant 0 : index
      %get3A_122 = tpu.vector_load %arg14[%get3A_120, %get3A_121] {strides = array<i32>} : memref<640x16xf32, #tpu.memory_space<vmem>>, vector<1x16xf32>,
      %get3A_123 = vector.shape_cast %get3A_122 : vector<1x16xf32> to vector<16xf32>
      %mul3A_124 = arith.mulf %add3A_119, %get3A_123 : vector<16xf32>
      %swap3A = arith.index_cast %scan3A_106 : i32 to index
      %swap3A_125 = arith.constant 0 : index
      %swap3A_126 = tpu.vector_load %arg11[%swap3A, %swap3A_125] {strides = array<i32>} : memref<640x16xf32, #tpu.memory_space<vmem>>, vector<1x16xf32>,
      %swap3A_127 = vector.shape_cast %swap3A_126 : vector<1x16xf32> to vector<16xf32>
      %swap3A_128 = vector.shape_cast %mul3A_124 : vector<16xf32> to vector<1x16xf32>
      tpu.vector_store %arg11[%swap3A, %swap3A_125], %swap3A_128 {strides = array<i32>} : memref<640x16xf32, #tpu.memory_space<vmem>>, vector<1x16xf32>,
    }
    %scan3A_47 = arith.constant 640 : i32
    "tpu.region"() ({
      %run_scoped3A = tpu.sem_alloc : memref<!tpu.dma_semaphore, #tpu.memory_space<semaphore_mem>>
      %dma_start3A_106 = arith.constant 0 : i32
      %dma_start3A_107 = tpu.memref_slice %arg15[%mul3A_2, %dma_start3A_106] : memref<10240x16xf32, #tpu.memory_space<vmem_shared>> -> memref<640x16xf32, #tpu.memory_space<vmem_shared>>
      %dma_start3A_108 = arith.constant 0 : i32
      %dma_start3A_109 = tpu.memref_slice %arg15[%mul3A_2, %dma_start3A_108] : memref<10240x16xf32, #tpu.memory_space<vmem_shared>> -> memref<640x16xf32, #tpu.memory_space<vmem_shared>>
      tpu.enqueue_dma source(%arg11 : memref<640x16xf32, #tpu.memory_space<vmem>>) target(%dma_start3A_109 : memref<640x16xf32, #tpu.memory_space<vmem_shared>>) target_semaphore(%run_scoped3A : memref<!tpu.dma_semaphore, #tpu.memory_space<semaphore_mem>>)
      %dma_wait3A_110 = arith.constant 0 : i32
      %dma_wait3A_111 = tpu.memref_slice %arg15[%mul3A_2, %dma_wait3A_110] : memref<10240x16xf32, #tpu.memory_space<vmem_shared>> -> memref<640x16xf32, #tpu.memory_space<vmem_shared>>
      %dma_wait3A_112 = arith.constant 0 : i32
      %dma_wait3A_113 = tpu.memref_slice %arg15[%mul3A_2, %dma_wait3A_112] : memref<10240x16xf32, #tpu.memory_space<vmem_shared>> -> memref<640x16xf32, #tpu.memory_space<vmem_shared>>
      tpu.wait_dma2 semaphore(%run_scoped3A : memref<!tpu.dma_semaphore, #tpu.memory_space<semaphore_mem>>) src(%arg11 : memref<640x16xf32, #tpu.memory_space<vmem>>) dst(%dma_wait3A_113 : memref<640x16xf32, #tpu.memory_space<vmem_shared>>)
      tpu.yield
    }) : () -> ()
    %barrier3A = arith.constant 0 : index
    tpu.barrier barrier_id(%barrier3A)
    %scan3A_48 = arith.constant 0 : i32
    %scan3A_49 = arith.constant 0 : i32
    %scan3A_50 = arith.constant 5 : i32
    %scan3A_51 = arith.addi %scan3A_49, %scan3A_50 : i32
    %scan3A_52 = arith.constant 1 : i32
    scf.for %scan3A_106 = %scan3A_49 to %scan3A_51 step %scan3A_52  : i32 {
      %mul3A_107 = arith.constant 2 : i32
      %mul3A_108 = arith.muli %mul3A_107, %scan3A_106 : i32
      %add3A_109 = arith.constant 0 : i32
      %add3A_110 = arith.addi %mul3A_108, %add3A_109 : i32
      %ge3A = arith.constant 1 : i32
      %ge3A_111 = arith.cmpi sge, %scan3A_106, %ge3A : i32
      %convert_element_type3A = arith.extui %ge3A_111 : i1 to i32
      %cond3A = arith.constant 0 : i32
      %cond3A_112 = arith.cmpi ne, %convert_element_type3A, %cond3A : i32
      scf.if %cond3A_112 {
        %sub3A = arith.constant 2 : i32
        %sub3A_302 = arith.subi %add3A_110, %sub3A : i32
        %mul3A_303 = arith.constant 2 : i32
        %mul3A_304 = arith.muli %sub3A_302, %mul3A_303 : i32
        %add3A_305 = arith.constant 0 : i32
        %add3A_306 = arith.addi %mul3A_304, %add3A_305 : i32
        %dma_wait3A_307 = arith.constant 0 : i32
        %dma_wait3A_308 = arith.constant 0 : i32
        %dma_wait3A_309 = arith.constant 0 : i32
        %dma_wait3A_310 = tpu.memref_slice %arg10[%dma_wait3A_307, %dma_wait3A_308, %dma_wait3A_309] : memref<4x512x16xf32, #tpu.memory_space<vmem>> -> memref<1x512x16xf32, #tpu.memory_space<vmem>>
        %dma_wait3A_311 = tpu.memref_squeeze %dma_wait3A_310 : memref<1x512x16xf32, #tpu.memory_space<vmem>> -> memref<512x16xf32, #tpu.memory_space<vmem>>
        %dma_wait3A_312 = arith.constant 0 : i32
        %dma_wait3A_313 = tpu.memref_slice %arg9[%add3A_306, %dma_wait3A_312] : memref<20x512xi32, #tpu.memory_space<vmem>> -> memref<1x512xi32, #tpu.memory_space<vmem>>
        %dma_wait3A_314 = tpu.memref_squeeze %dma_wait3A_313 : memref<1x512xi32, #tpu.memory_space<vmem>> -> memref<512xi32, #tpu.memory_space<vmem>>
        %dma_wait3A_315 = arith.constant 0 : i32
        %dma_wait3A_316 = arith.constant 0 : i32
        %dma_wait3A_317 = tpu.memref_slice %arg16[%dma_wait3A_315, %dma_wait3A_316] : memref<10240x16xf32, #tpu.memory_space<vmem_shared>> -> memref<10240x16xf32, #tpu.memory_space<vmem_shared>>
        tpu.wait_indirect_dma semaphore(%arg19 : memref<!tpu.dma_semaphore, #tpu.memory_space<semaphore_mem>>) src(%dma_wait3A_311 : memref<512x16xf32, #tpu.memory_space<vmem>>) dst(%dma_wait3A_317 : memref<10240x16xf32, #tpu.memory_space<vmem_shared>>)
        %sub3A_318 = arith.constant 2 : i32
        %sub3A_319 = arith.subi %add3A_110, %sub3A_318 : i32
        %mul3A_320 = arith.constant 2 : i32
        %mul3A_321 = arith.muli %sub3A_319, %mul3A_320 : i32
        %add3A_322 = arith.constant 1 : i32
        %add3A_323 = arith.addi %mul3A_321, %add3A_322 : i32
        %dma_wait3A_324 = arith.constant 1 : i32
        %dma_wait3A_325 = arith.constant 0 : i32
        %dma_wait3A_326 = arith.constant 0 : i32
        %dma_wait3A_327 = tpu.memref_slice %arg10[%dma_wait3A_324, %dma_wait3A_325, %dma_wait3A_326] : memref<4x512x16xf32, #tpu.memory_space<vmem>> -> memref<1x512x16xf32, #tpu.memory_space<vmem>>
        %dma_wait3A_328 = tpu.memref_squeeze %dma_wait3A_327 : memref<1x512x16xf32, #tpu.memory_space<vmem>> -> memref<512x16xf32, #tpu.memory_space<vmem>>
        %dma_wait3A_329 = arith.constant 0 : i32
        %dma_wait3A_330 = tpu.memref_slice %arg9[%add3A_323, %dma_wait3A_329] : memref<20x512xi32, #tpu.memory_space<vmem>> -> memref<1x512xi32, #tpu.memory_space<vmem>>
        %dma_wait3A_331 = tpu.memref_squeeze %dma_wait3A_330 : memref<1x512xi32, #tpu.memory_space<vmem>> -> memref<512xi32, #tpu.memory_space<vmem>>
        %dma_wait3A_332 = arith.constant 0 : i32
        %dma_wait3A_333 = arith.constant 0 : i32
        %dma_wait3A_334 = tpu.memref_slice %arg16[%dma_wait3A_332, %dma_wait3A_333] : memref<10240x16xf32, #tpu.memory_space<vmem_shared>> -> memref<10240x16xf32, #tpu.memory_space<vmem_shared>>
        tpu.wait_indirect_dma semaphore(%arg19 : memref<!tpu.dma_semaphore, #tpu.memory_space<semaphore_mem>>) src(%dma_wait3A_328 : memref<512x16xf32, #tpu.memory_space<vmem>>) dst(%dma_wait3A_334 : memref<10240x16xf32, #tpu.memory_space<vmem_shared>>)
      } else {
      }
      %mul3A_113 = arith.constant 2 : i32
      %mul3A_114 = arith.muli %add3A_110, %mul3A_113 : i32
      %add3A_115 = arith.constant 0 : i32
      %add3A_116 = arith.addi %mul3A_114, %add3A_115 : i32
      %dma_start3A_117 = arith.constant 0 : i32
      %dma_start3A_118 = arith.constant 0 : i32
      %dma_start3A_119 = arith.constant 0 : i32
      %dma_start3A_120 = tpu.memref_slice %arg10[%dma_start3A_117, %dma_start3A_118, %dma_start3A_119] : memref<4x512x16xf32, #tpu.memory_space<vmem>> -> memref<1x512x16xf32, #tpu.memory_space<vmem>>
      %dma_start3A_121 = tpu.memref_squeeze %dma_start3A_120 : memref<1x512x16xf32, #tpu.memory_space<vmem>> -> memref<512x16xf32, #tpu.memory_space<vmem>>
      %dma_start3A_122 = arith.constant 0 : i32
      %dma_start3A_123 = tpu.memref_slice %arg8[%add3A_116, %dma_start3A_122] : memref<20x512xi32, #tpu.memory_space<vmem>> -> memref<1x512xi32, #tpu.memory_space<vmem>>
      %dma_start3A_124 = tpu.memref_squeeze %dma_start3A_123 : memref<1x512xi32, #tpu.memory_space<vmem>> -> memref<512xi32, #tpu.memory_space<vmem>>
      %dma_start3A_125 = arith.constant 0 : i32
      %dma_start3A_126 = arith.constant 0 : i32
      %dma_start3A_127 = tpu.memref_slice %arg15[%dma_start3A_125, %dma_start3A_126] : memref<10240x16xf32, #tpu.memory_space<vmem_shared>> -> memref<10240x16xf32, #tpu.memory_space<vmem_shared>>
      tpu.enqueue_indirect_dma source(%dma_start3A_127 : memref<10240x16xf32, #tpu.memory_space<vmem_shared>>) target(%dma_start3A_121 : memref<512x16xf32, #tpu.memory_space<vmem>>) offsets(%dma_start3A_124 : memref<512xi32, #tpu.memory_space<vmem>>) semaphore(%arg17 : memref<!tpu.dma_semaphore, #tpu.memory_space<semaphore_mem>>)
      %mul3A_128 = arith.constant 2 : i32
      %mul3A_129 = arith.muli %add3A_110, %mul3A_128 : i32
      %add3A_130 = arith.constant 1 : i32
      %add3A_131 = arith.addi %mul3A_129, %add3A_130 : i32
      %dma_start3A_132 = arith.constant 1 : i32
      %dma_start3A_133 = arith.constant 0 : i32
      %dma_start3A_134 = arith.constant 0 : i32
      %dma_start3A_135 = tpu.memref_slice %arg10[%dma_start3A_132, %dma_start3A_133, %dma_start3A_134] : memref<4x512x16xf32, #tpu.memory_space<vmem>> -> memref<1x512x16xf32, #tpu.memory_space<vmem>>
      %dma_start3A_136 = tpu.memref_squeeze %dma_start3A_135 : memref<1x512x16xf32, #tpu.memory_space<vmem>> -> memref<512x16xf32, #tpu.memory_space<vmem>>
      %dma_start3A_137 = arith.constant 0 : i32
      %dma_start3A_138 = tpu.memref_slice %arg8[%add3A_131, %dma_start3A_137] : memref<20x512xi32, #tpu.memory_space<vmem>> -> memref<1x512xi32, #tpu.memory_space<vmem>>
      %dma_start3A_139 = tpu.memref_squeeze %dma_start3A_138 : memref<1x512xi32, #tpu.memory_space<vmem>> -> memref<512xi32, #tpu.memory_space<vmem>>
      %dma_start3A_140 = arith.constant 0 : i32
      %dma_start3A_141 = arith.constant 0 : i32
      %dma_start3A_142 = tpu.memref_slice %arg15[%dma_start3A_140, %dma_start3A_141] : memref<10240x16xf32, #tpu.memory_space<vmem_shared>> -> memref<10240x16xf32, #tpu.memory_space<vmem_shared>>
      tpu.enqueue_indirect_dma source(%dma_start3A_142 : memref<10240x16xf32, #tpu.memory_space<vmem_shared>>) target(%dma_start3A_136 : memref<512x16xf32, #tpu.memory_space<vmem>>) offsets(%dma_start3A_139 : memref<512xi32, #tpu.memory_space<vmem>>) semaphore(%arg17 : memref<!tpu.dma_semaphore, #tpu.memory_space<semaphore_mem>>)
      %mul3A_143 = arith.constant 2 : i32
      %mul3A_144 = arith.muli %add3A_110, %mul3A_143 : i32
      %add3A_145 = arith.constant 0 : i32
      %add3A_146 = arith.addi %mul3A_144, %add3A_145 : i32
      %dma_wait3A_147 = arith.constant 0 : i32
      %dma_wait3A_148 = arith.constant 0 : i32
      %dma_wait3A_149 = arith.constant 0 : i32
      %dma_wait3A_150 = tpu.memref_slice %arg10[%dma_wait3A_147, %dma_wait3A_148, %dma_wait3A_149] : memref<4x512x16xf32, #tpu.memory_space<vmem>> -> memref<1x512x16xf32, #tpu.memory_space<vmem>>
      %dma_wait3A_151 = tpu.memref_squeeze %dma_wait3A_150 : memref<1x512x16xf32, #tpu.memory_space<vmem>> -> memref<512x16xf32, #tpu.memory_space<vmem>>
      %dma_wait3A_152 = arith.constant 0 : i32
      %dma_wait3A_153 = tpu.memref_slice %arg8[%add3A_146, %dma_wait3A_152] : memref<20x512xi32, #tpu.memory_space<vmem>> -> memref<1x512xi32, #tpu.memory_space<vmem>>
      %dma_wait3A_154 = tpu.memref_squeeze %dma_wait3A_153 : memref<1x512xi32, #tpu.memory_space<vmem>> -> memref<512xi32, #tpu.memory_space<vmem>>
      %dma_wait3A_155 = arith.constant 0 : i32
      %dma_wait3A_156 = arith.constant 0 : i32
      %dma_wait3A_157 = tpu.memref_slice %arg15[%dma_wait3A_155, %dma_wait3A_156] : memref<10240x16xf32, #tpu.memory_space<vmem_shared>> -> memref<10240x16xf32, #tpu.memory_space<vmem_shared>>
      tpu.wait_indirect_dma semaphore(%arg17 : memref<!tpu.dma_semaphore, #tpu.memory_space<semaphore_mem>>) src(%dma_wait3A_157 : memref<10240x16xf32, #tpu.memory_space<vmem_shared>>) dst(%dma_wait3A_151 : memref<512x16xf32, #tpu.memory_space<vmem>>)
      %mul3A_158 = arith.constant 2 : i32
      %mul3A_159 = arith.muli %add3A_110, %mul3A_158 : i32
      %add3A_160 = arith.constant 1 : i32
      %add3A_161 = arith.addi %mul3A_159, %add3A_160 : i32
      %dma_wait3A_162 = arith.constant 1 : i32
      %dma_wait3A_163 = arith.constant 0 : i32
      %dma_wait3A_164 = arith.constant 0 : i32
      %dma_wait3A_165 = tpu.memref_slice %arg10[%dma_wait3A_162, %dma_wait3A_163, %dma_wait3A_164] : memref<4x512x16xf32, #tpu.memory_space<vmem>> -> memref<1x512x16xf32, #tpu.memory_space<vmem>>
      %dma_wait3A_166 = tpu.memref_squeeze %dma_wait3A_165 : memref<1x512x16xf32, #tpu.memory_space<vmem>> -> memref<512x16xf32, #tpu.memory_space<vmem>>
      %dma_wait3A_167 = arith.constant 0 : i32
      %dma_wait3A_168 = tpu.memref_slice %arg8[%add3A_161, %dma_wait3A_167] : memref<20x512xi32, #tpu.memory_space<vmem>> -> memref<1x512xi32, #tpu.memory_space<vmem>>
      %dma_wait3A_169 = tpu.memref_squeeze %dma_wait3A_168 : memref<1x512xi32, #tpu.memory_space<vmem>> -> memref<512xi32, #tpu.memory_space<vmem>>
      %dma_wait3A_170 = arith.constant 0 : i32
      %dma_wait3A_171 = arith.constant 0 : i32
      %dma_wait3A_172 = tpu.memref_slice %arg15[%dma_wait3A_170, %dma_wait3A_171] : memref<10240x16xf32, #tpu.memory_space<vmem_shared>> -> memref<10240x16xf32, #tpu.memory_space<vmem_shared>>
      tpu.wait_indirect_dma semaphore(%arg17 : memref<!tpu.dma_semaphore, #tpu.memory_space<semaphore_mem>>) src(%dma_wait3A_172 : memref<10240x16xf32, #tpu.memory_space<vmem_shared>>) dst(%dma_wait3A_166 : memref<512x16xf32, #tpu.memory_space<vmem>>)
      %mul3A_173 = arith.constant 2 : i32
      %mul3A_174 = arith.muli %add3A_110, %mul3A_173 : i32
      %add3A_175 = arith.constant 0 : i32
      %add3A_176 = arith.addi %mul3A_174, %add3A_175 : i32
      %dma_start3A_177 = arith.constant 0 : i32
      %dma_start3A_178 = arith.constant 0 : i32
      %dma_start3A_179 = arith.constant 0 : i32
      %dma_start3A_180 = tpu.memref_slice %arg10[%dma_start3A_177, %dma_start3A_178, %dma_start3A_179] : memref<4x512x16xf32, #tpu.memory_space<vmem>> -> memref<1x512x16xf32, #tpu.memory_space<vmem>>
      %dma_start3A_181 = tpu.memref_squeeze %dma_start3A_180 : memref<1x512x16xf32, #tpu.memory_space<vmem>> -> memref<512x16xf32, #tpu.memory_space<vmem>>
      %dma_start3A_182 = arith.constant 0 : i32
      %dma_start3A_183 = tpu.memref_slice %arg9[%add3A_176, %dma_start3A_182] : memref<20x512xi32, #tpu.memory_space<vmem>> -> memref<1x512xi32, #tpu.memory_space<vmem>>
      %dma_start3A_184 = tpu.memref_squeeze %dma_start3A_183 : memref<1x512xi32, #tpu.memory_space<vmem>> -> memref<512xi32, #tpu.memory_space<vmem>>
      %dma_start3A_185 = arith.constant 0 : i32
      %dma_start3A_186 = arith.constant 0 : i32
      %dma_start3A_187 = tpu.memref_slice %arg16[%dma_start3A_185, %dma_start3A_186] : memref<10240x16xf32, #tpu.memory_space<vmem_shared>> -> memref<10240x16xf32, #tpu.memory_space<vmem_shared>>
      tpu.enqueue_indirect_dma source(%dma_start3A_181 : memref<512x16xf32, #tpu.memory_space<vmem>>) target(%dma_start3A_187 : memref<10240x16xf32, #tpu.memory_space<vmem_shared>>) offsets(%dma_start3A_184 : memref<512xi32, #tpu.memory_space<vmem>>) semaphore(%arg19 : memref<!tpu.dma_semaphore, #tpu.memory_space<semaphore_mem>>) {add = true}
      %mul3A_188 = arith.constant 2 : i32
      %mul3A_189 = arith.muli %add3A_110, %mul3A_188 : i32
      %add3A_190 = arith.constant 1 : i32
      %add3A_191 = arith.addi %mul3A_189, %add3A_190 : i32
      %dma_start3A_192 = arith.constant 1 : i32
      %dma_start3A_193 = arith.constant 0 : i32
      %dma_start3A_194 = arith.constant 0 : i32
      %dma_start3A_195 = tpu.memref_slice %arg10[%dma_start3A_192, %dma_start3A_193, %dma_start3A_194] : memref<4x512x16xf32, #tpu.memory_space<vmem>> -> memref<1x512x16xf32, #tpu.memory_space<vmem>>
      %dma_start3A_196 = tpu.memref_squeeze %dma_start3A_195 : memref<1x512x16xf32, #tpu.memory_space<vmem>> -> memref<512x16xf32, #tpu.memory_space<vmem>>
      %dma_start3A_197 = arith.constant 0 : i32
      %dma_start3A_198 = tpu.memref_slice %arg9[%add3A_191, %dma_start3A_197] : memref<20x512xi32, #tpu.memory_space<vmem>> -> memref<1x512xi32, #tpu.memory_space<vmem>>
      %dma_start3A_199 = tpu.memref_squeeze %dma_start3A_198 : memref<1x512xi32, #tpu.memory_space<vmem>> -> memref<512xi32, #tpu.memory_space<vmem>>
      %dma_start3A_200 = arith.constant 0 : i32
      %dma_start3A_201 = arith.constant 0 : i32
      %dma_start3A_202 = tpu.memref_slice %arg16[%dma_start3A_200, %dma_start3A_201] : memref<10240x16xf32, #tpu.memory_space<vmem_shared>> -> memref<10240x16xf32, #tpu.memory_space<vmem_shared>>
      tpu.enqueue_indirect_dma source(%dma_start3A_196 : memref<512x16xf32, #tpu.memory_space<vmem>>) target(%dma_start3A_202 : memref<10240x16xf32, #tpu.memory_space<vmem_shared>>) offsets(%dma_start3A_199 : memref<512xi32, #tpu.memory_space<vmem>>) semaphore(%arg19 : memref<!tpu.dma_semaphore, #tpu.memory_space<semaphore_mem>>) {add = true}
      %mul3A_203 = arith.constant 2 : i32
      %mul3A_204 = arith.muli %mul3A_203, %scan3A_106 : i32
      %add3A_205 = arith.constant 1 : i32
      %add3A_206 = arith.addi %mul3A_204, %add3A_205 : i32
      %ge3A_207 = arith.constant 1 : i32
      %ge3A_208 = arith.cmpi sge, %scan3A_106, %ge3A_207 : i32
      %convert_element_type3A_209 = arith.extui %ge3A_208 : i1 to i32
      %cond3A_210 = arith.constant 0 : i32
      %cond3A_211 = arith.cmpi ne, %convert_element_type3A_209, %cond3A_210 : i32
      scf.if %cond3A_211 {
        %sub3A = arith.constant 2 : i32
        %sub3A_302 = arith.subi %add3A_206, %sub3A : i32
        %mul3A_303 = arith.constant 2 : i32
        %mul3A_304 = arith.muli %sub3A_302, %mul3A_303 : i32
        %add3A_305 = arith.constant 0 : i32
        %add3A_306 = arith.addi %mul3A_304, %add3A_305 : i32
        %dma_wait3A_307 = arith.constant 2 : i32
        %dma_wait3A_308 = arith.constant 0 : i32
        %dma_wait3A_309 = arith.constant 0 : i32
        %dma_wait3A_310 = tpu.memref_slice %arg10[%dma_wait3A_307, %dma_wait3A_308, %dma_wait3A_309] : memref<4x512x16xf32, #tpu.memory_space<vmem>> -> memref<1x512x16xf32, #tpu.memory_space<vmem>>
        %dma_wait3A_311 = tpu.memref_squeeze %dma_wait3A_310 : memref<1x512x16xf32, #tpu.memory_space<vmem>> -> memref<512x16xf32, #tpu.memory_space<vmem>>
        %dma_wait3A_312 = arith.constant 0 : i32
        %dma_wait3A_313 = tpu.memref_slice %arg9[%add3A_306, %dma_wait3A_312] : memref<20x512xi32, #tpu.memory_space<vmem>> -> memref<1x512xi32, #tpu.memory_space<vmem>>
        %dma_wait3A_314 = tpu.memref_squeeze %dma_wait3A_313 : memref<1x512xi32, #tpu.memory_space<vmem>> -> memref<512xi32, #tpu.memory_space<vmem>>
        %dma_wait3A_315 = arith.constant 0 : i32
        %dma_wait3A_316 = arith.constant 0 : i32
        %dma_wait3A_317 = tpu.memref_slice %arg16[%dma_wait3A_315, %dma_wait3A_316] : memref<10240x16xf32, #tpu.memory_space<vmem_shared>> -> memref<10240x16xf32, #tpu.memory_space<vmem_shared>>
        tpu.wait_indirect_dma semaphore(%arg20 : memref<!tpu.dma_semaphore, #tpu.memory_space<semaphore_mem>>) src(%dma_wait3A_311 : memref<512x16xf32, #tpu.memory_space<vmem>>) dst(%dma_wait3A_317 : memref<10240x16xf32, #tpu.memory_space<vmem_shared>>)
        %sub3A_318 = arith.constant 2 : i32
        %sub3A_319 = arith.subi %add3A_206, %sub3A_318 : i32
        %mul3A_320 = arith.constant 2 : i32
        %mul3A_321 = arith.muli %sub3A_319, %mul3A_320 : i32
        %add3A_322 = arith.constant 1 : i32
        %add3A_323 = arith.addi %mul3A_321, %add3A_322 : i32
        %dma_wait3A_324 = arith.constant 3 : i32
        %dma_wait3A_325 = arith.constant 0 : i32
        %dma_wait3A_326 = arith.constant 0 : i32
        %dma_wait3A_327 = tpu.memref_slice %arg10[%dma_wait3A_324, %dma_wait3A_325, %dma_wait3A_326] : memref<4x512x16xf32, #tpu.memory_space<vmem>> -> memref<1x512x16xf32, #tpu.memory_space<vmem>>
        %dma_wait3A_328 = tpu.memref_squeeze %dma_wait3A_327 : memref<1x512x16xf32, #tpu.memory_space<vmem>> -> memref<512x16xf32, #tpu.memory_space<vmem>>
        %dma_wait3A_329 = arith.constant 0 : i32
        %dma_wait3A_330 = tpu.memref_slice %arg9[%add3A_323, %dma_wait3A_329] : memref<20x512xi32, #tpu.memory_space<vmem>> -> memref<1x512xi32, #tpu.memory_space<vmem>>
        %dma_wait3A_331 = tpu.memref_squeeze %dma_wait3A_330 : memref<1x512xi32, #tpu.memory_space<vmem>> -> memref<512xi32, #tpu.memory_space<vmem>>
        %dma_wait3A_332 = arith.constant 0 : i32
        %dma_wait3A_333 = arith.constant 0 : i32
        %dma_wait3A_334 = tpu.memref_slice %arg16[%dma_wait3A_332, %dma_wait3A_333] : memref<10240x16xf32, #tpu.memory_space<vmem_shared>> -> memref<10240x16xf32, #tpu.memory_space<vmem_shared>>
        tpu.wait_indirect_dma semaphore(%arg20 : memref<!tpu.dma_semaphore, #tpu.memory_space<semaphore_mem>>) src(%dma_wait3A_328 : memref<512x16xf32, #tpu.memory_space<vmem>>) dst(%dma_wait3A_334 : memref<10240x16xf32, #tpu.memory_space<vmem_shared>>)
      } else {
      }
      %mul3A_212 = arith.constant 2 : i32
      %mul3A_213 = arith.muli %add3A_206, %mul3A_212 : i32
      %add3A_214 = arith.constant 0 : i32
      %add3A_215 = arith.addi %mul3A_213, %add3A_214 : i32
      %dma_start3A_216 = arith.constant 2 : i32
      %dma_start3A_217 = arith.constant 0 : i32
      %dma_start3A_218 = arith.constant 0 : i32
      %dma_start3A_219 = tpu.memref_slice %arg10[%dma_start3A_216, %dma_start3A_217, %dma_start3A_218] : memref<4x512x16xf32, #tpu.memory_space<vmem>> -> memref<1x512x16xf32, #tpu.memory_space<vmem>>
      %dma_start3A_220 = tpu.memref_squeeze %dma_start3A_219 : memref<1x512x16xf32, #tpu.memory_space<vmem>> -> memref<512x16xf32, #tpu.memory_space<vmem>>
      %dma_start3A_221 = arith.constant 0 : i32
      %dma_start3A_222 = tpu.memref_slice %arg8[%add3A_215, %dma_start3A_221] : memref<20x512xi32, #tpu.memory_space<vmem>> -> memref<1x512xi32, #tpu.memory_space<vmem>>
      %dma_start3A_223 = tpu.memref_squeeze %dma_start3A_222 : memref<1x512xi32, #tpu.memory_space<vmem>> -> memref<512xi32, #tpu.memory_space<vmem>>
      %dma_start3A_224 = arith.constant 0 : i32
      %dma_start3A_225 = arith.constant 0 : i32
      %dma_start3A_226 = tpu.memref_slice %arg15[%dma_start3A_224, %dma_start3A_225] : memref<10240x16xf32, #tpu.memory_space<vmem_shared>> -> memref<10240x16xf32, #tpu.memory_space<vmem_shared>>
      tpu.enqueue_indirect_dma source(%dma_start3A_226 : memref<10240x16xf32, #tpu.memory_space<vmem_shared>>) target(%dma_start3A_220 : memref<512x16xf32, #tpu.memory_space<vmem>>) offsets(%dma_start3A_223 : memref<512xi32, #tpu.memory_space<vmem>>) semaphore(%arg18 : memref<!tpu.dma_semaphore, #tpu.memory_space<semaphore_mem>>)
      %mul3A_227 = arith.constant 2 : i32
      %mul3A_228 = arith.muli %add3A_206, %mul3A_227 : i32
      %add3A_229 = arith.constant 1 : i32
      %add3A_230 = arith.addi %mul3A_228, %add3A_229 : i32
      %dma_start3A_231 = arith.constant 3 : i32
      %dma_start3A_232 = arith.constant 0 : i32
      %dma_start3A_233 = arith.constant 0 : i32
      %dma_start3A_234 = tpu.memref_slice %arg10[%dma_start3A_231, %dma_start3A_232, %dma_start3A_233] : memref<4x512x16xf32, #tpu.memory_space<vmem>> -> memref<1x512x16xf32, #tpu.memory_space<vmem>>
      %dma_start3A_235 = tpu.memref_squeeze %dma_start3A_234 : memref<1x512x16xf32, #tpu.memory_space<vmem>> -> memref<512x16xf32, #tpu.memory_space<vmem>>
      %dma_start3A_236 = arith.constant 0 : i32
      %dma_start3A_237 = tpu.memref_slice %arg8[%add3A_230, %dma_start3A_236] : memref<20x512xi32, #tpu.memory_space<vmem>> -> memref<1x512xi32, #tpu.memory_space<vmem>>
      %dma_start3A_238 = tpu.memref_squeeze %dma_start3A_237 : memref<1x512xi32, #tpu.memory_space<vmem>> -> memref<512xi32, #tpu.memory_space<vmem>>
      %dma_start3A_239 = arith.constant 0 : i32
      %dma_start3A_240 = arith.constant 0 : i32
      %dma_start3A_241 = tpu.memref_slice %arg15[%dma_start3A_239, %dma_start3A_240] : memref<10240x16xf32, #tpu.memory_space<vmem_shared>> -> memref<10240x16xf32, #tpu.memory_space<vmem_shared>>
      tpu.enqueue_indirect_dma source(%dma_start3A_241 : memref<10240x16xf32, #tpu.memory_space<vmem_shared>>) target(%dma_start3A_235 : memref<512x16xf32, #tpu.memory_space<vmem>>) offsets(%dma_start3A_238 : memref<512xi32, #tpu.memory_space<vmem>>) semaphore(%arg18 : memref<!tpu.dma_semaphore, #tpu.memory_space<semaphore_mem>>)
      %mul3A_242 = arith.constant 2 : i32
      %mul3A_243 = arith.muli %add3A_206, %mul3A_242 : i32
      %add3A_244 = arith.constant 0 : i32
      %add3A_245 = arith.addi %mul3A_243, %add3A_244 : i32
      %dma_wait3A_246 = arith.constant 2 : i32
      %dma_wait3A_247 = arith.constant 0 : i32
      %dma_wait3A_248 = arith.constant 0 : i32
      %dma_wait3A_249 = tpu.memref_slice %arg10[%dma_wait3A_246, %dma_wait3A_247, %dma_wait3A_248] : memref<4x512x16xf32, #tpu.memory_space<vmem>> -> memref<1x512x16xf32, #tpu.memory_space<vmem>>
      %dma_wait3A_250 = tpu.memref_squeeze %dma_wait3A_249 : memref<1x512x16xf32, #tpu.memory_space<vmem>> -> memref<512x16xf32, #tpu.memory_space<vmem>>
      %dma_wait3A_251 = arith.constant 0 : i32
      %dma_wait3A_252 = tpu.memref_slice %arg8[%add3A_245, %dma_wait3A_251] : memref<20x512xi32, #tpu.memory_space<vmem>> -> memref<1x512xi32, #tpu.memory_space<vmem>>
      %dma_wait3A_253 = tpu.memref_squeeze %dma_wait3A_252 : memref<1x512xi32, #tpu.memory_space<vmem>> -> memref<512xi32, #tpu.memory_space<vmem>>
      %dma_wait3A_254 = arith.constant 0 : i32
      %dma_wait3A_255 = arith.constant 0 : i32
      %dma_wait3A_256 = tpu.memref_slice %arg15[%dma_wait3A_254, %dma_wait3A_255] : memref<10240x16xf32, #tpu.memory_space<vmem_shared>> -> memref<10240x16xf32, #tpu.memory_space<vmem_shared>>
      tpu.wait_indirect_dma semaphore(%arg18 : memref<!tpu.dma_semaphore, #tpu.memory_space<semaphore_mem>>) src(%dma_wait3A_256 : memref<10240x16xf32, #tpu.memory_space<vmem_shared>>) dst(%dma_wait3A_250 : memref<512x16xf32, #tpu.memory_space<vmem>>)
      %mul3A_257 = arith.constant 2 : i32
      %mul3A_258 = arith.muli %add3A_206, %mul3A_257 : i32
      %add3A_259 = arith.constant 1 : i32
      %add3A_260 = arith.addi %mul3A_258, %add3A_259 : i32
      %dma_wait3A_261 = arith.constant 3 : i32
      %dma_wait3A_262 = arith.constant 0 : i32
      %dma_wait3A_263 = arith.constant 0 : i32
      %dma_wait3A_264 = tpu.memref_slice %arg10[%dma_wait3A_261, %dma_wait3A_262, %dma_wait3A_263] : memref<4x512x16xf32, #tpu.memory_space<vmem>> -> memref<1x512x16xf32, #tpu.memory_space<vmem>>
      %dma_wait3A_265 = tpu.memref_squeeze %dma_wait3A_264 : memref<1x512x16xf32, #tpu.memory_space<vmem>> -> memref<512x16xf32, #tpu.memory_space<vmem>>
      %dma_wait3A_266 = arith.constant 0 : i32
      %dma_wait3A_267 = tpu.memref_slice %arg8[%add3A_260, %dma_wait3A_266] : memref<20x512xi32, #tpu.memory_space<vmem>> -> memref<1x512xi32, #tpu.memory_space<vmem>>
      %dma_wait3A_268 = tpu.memref_squeeze %dma_wait3A_267 : memref<1x512xi32, #tpu.memory_space<vmem>> -> memref<512xi32, #tpu.memory_space<vmem>>
      %dma_wait3A_269 = arith.constant 0 : i32
      %dma_wait3A_270 = arith.constant 0 : i32
      %dma_wait3A_271 = tpu.memref_slice %arg15[%dma_wait3A_269, %dma_wait3A_270] : memref<10240x16xf32, #tpu.memory_space<vmem_shared>> -> memref<10240x16xf32, #tpu.memory_space<vmem_shared>>
      tpu.wait_indirect_dma semaphore(%arg18 : memref<!tpu.dma_semaphore, #tpu.memory_space<semaphore_mem>>) src(%dma_wait3A_271 : memref<10240x16xf32, #tpu.memory_space<vmem_shared>>) dst(%dma_wait3A_265 : memref<512x16xf32, #tpu.memory_space<vmem>>)
      %mul3A_272 = arith.constant 2 : i32
      %mul3A_273 = arith.muli %add3A_206, %mul3A_272 : i32
      %add3A_274 = arith.constant 0 : i32
      %add3A_275 = arith.addi %mul3A_273, %add3A_274 : i32
      %dma_start3A_276 = arith.constant 2 : i32
      %dma_start3A_277 = arith.constant 0 : i32
      %dma_start3A_278 = arith.constant 0 : i32
      %dma_start3A_279 = tpu.memref_slice %arg10[%dma_start3A_276, %dma_start3A_277, %dma_start3A_278] : memref<4x512x16xf32, #tpu.memory_space<vmem>> -> memref<1x512x16xf32, #tpu.memory_space<vmem>>
      %dma_start3A_280 = tpu.memref_squeeze %dma_start3A_279 : memref<1x512x16xf32, #tpu.memory_space<vmem>> -> memref<512x16xf32, #tpu.memory_space<vmem>>
      %dma_start3A_281 = arith.constant 0 : i32
      %dma_start3A_282 = tpu.memref_slice %arg9[%add3A_275, %dma_start3A_281] : memref<20x512xi32, #tpu.memory_space<vmem>> -> memref<1x512xi32, #tpu.memory_space<vmem>>
      %dma_start3A_283 = tpu.memref_squeeze %dma_start3A_282 : memref<1x512xi32, #tpu.memory_space<vmem>> -> memref<512xi32, #tpu.memory_space<vmem>>
      %dma_start3A_284 = arith.constant 0 : i32
      %dma_start3A_285 = arith.constant 0 : i32
      %dma_start3A_286 = tpu.memref_slice %arg16[%dma_start3A_284, %dma_start3A_285] : memref<10240x16xf32, #tpu.memory_space<vmem_shared>> -> memref<10240x16xf32, #tpu.memory_space<vmem_shared>>
      tpu.enqueue_indirect_dma source(%dma_start3A_280 : memref<512x16xf32, #tpu.memory_space<vmem>>) target(%dma_start3A_286 : memref<10240x16xf32, #tpu.memory_space<vmem_shared>>) offsets(%dma_start3A_283 : memref<512xi32, #tpu.memory_space<vmem>>) semaphore(%arg20 : memref<!tpu.dma_semaphore, #tpu.memory_space<semaphore_mem>>) {add = true}
      %mul3A_287 = arith.constant 2 : i32
      %mul3A_288 = arith.muli %add3A_206, %mul3A_287 : i32
      %add3A_289 = arith.constant 1 : i32
      %add3A_290 = arith.addi %mul3A_288, %add3A_289 : i32
      %dma_start3A_291 = arith.constant 3 : i32
      %dma_start3A_292 = arith.constant 0 : i32
      %dma_start3A_293 = arith.constant 0 : i32
      %dma_start3A_294 = tpu.memref_slice %arg10[%dma_start3A_291, %dma_start3A_292, %dma_start3A_293] : memref<4x512x16xf32, #tpu.memory_space<vmem>> -> memref<1x512x16xf32, #tpu.memory_space<vmem>>
      %dma_start3A_295 = tpu.memref_squeeze %dma_start3A_294 : memref<1x512x16xf32, #tpu.memory_space<vmem>> -> memref<512x16xf32, #tpu.memory_space<vmem>>
      %dma_start3A_296 = arith.constant 0 : i32
      %dma_start3A_297 = tpu.memref_slice %arg9[%add3A_290, %dma_start3A_296] : memref<20x512xi32, #tpu.memory_space<vmem>> -> memref<1x512xi32, #tpu.memory_space<vmem>>
      %dma_start3A_298 = tpu.memref_squeeze %dma_start3A_297 : memref<1x512xi32, #tpu.memory_space<vmem>> -> memref<512xi32, #tpu.memory_space<vmem>>
      %dma_start3A_299 = arith.constant 0 : i32
      %dma_start3A_300 = arith.constant 0 : i32
      %dma_start3A_301 = tpu.memref_slice %arg16[%dma_start3A_299, %dma_start3A_300] : memref<10240x16xf32, #tpu.memory_space<vmem_shared>> -> memref<10240x16xf32, #tpu.memory_space<vmem_shared>>
      tpu.enqueue_indirect_dma source(%dma_start3A_295 : memref<512x16xf32, #tpu.memory_space<vmem>>) target(%dma_start3A_301 : memref<10240x16xf32, #tpu.memory_space<vmem_shared>>) offsets(%dma_start3A_298 : memref<512xi32, #tpu.memory_space<vmem>>) semaphore(%arg20 : memref<!tpu.dma_semaphore, #tpu.memory_space<semaphore_mem>>) {add = true}
    }
    %scan3A_53 = arith.constant 5 : i32
    %dma_wait3A_54 = arith.constant 0 : i32
    %dma_wait3A_55 = arith.constant 16 : i32
    %dma_wait3A_56 = arith.constant 0 : i32
    %dma_wait3A_57 = arith.constant 0 : i32
    %dma_wait3A_58 = tpu.memref_slice %arg10[%dma_wait3A_54, %dma_wait3A_56, %dma_wait3A_57] : memref<4x512x16xf32, #tpu.memory_space<vmem>> -> memref<1x512x16xf32, #tpu.memory_space<vmem>>
    %dma_wait3A_59 = tpu.memref_squeeze %dma_wait3A_58 : memref<1x512x16xf32, #tpu.memory_space<vmem>> -> memref<512x16xf32, #tpu.memory_space<vmem>>
    %dma_wait3A_60 = arith.constant 0 : i32
    %dma_wait3A_61 = tpu.memref_slice %arg9[%dma_wait3A_55, %dma_wait3A_60] : memref<20x512xi32, #tpu.memory_space<vmem>> -> memref<1x512xi32, #tpu.memory_space<vmem>>
    %dma_wait3A_62 = tpu.memref_squeeze %dma_wait3A_61 : memref<1x512xi32, #tpu.memory_space<vmem>> -> memref<512xi32, #tpu.memory_space<vmem>>
    %dma_wait3A_63 = arith.constant 0 : i32
    %dma_wait3A_64 = arith.constant 0 : i32
    %dma_wait3A_65 = tpu.memref_slice %arg16[%dma_wait3A_63, %dma_wait3A_64] : memref<10240x16xf32, #tpu.memory_space<vmem_shared>> -> memref<10240x16xf32, #tpu.memory_space<vmem_shared>>
    tpu.wait_indirect_dma semaphore(%arg19 : memref<!tpu.dma_semaphore, #tpu.memory_space<semaphore_mem>>) src(%dma_wait3A_59 : memref<512x16xf32, #tpu.memory_space<vmem>>) dst(%dma_wait3A_65 : memref<10240x16xf32, #tpu.memory_space<vmem_shared>>)
    %dma_wait3A_66 = arith.constant 1 : i32
    %dma_wait3A_67 = arith.constant 17 : i32
    %dma_wait3A_68 = arith.constant 0 : i32
    %dma_wait3A_69 = arith.constant 0 : i32
    %dma_wait3A_70 = tpu.memref_slice %arg10[%dma_wait3A_66, %dma_wait3A_68, %dma_wait3A_69] : memref<4x512x16xf32, #tpu.memory_space<vmem>> -> memref<1x512x16xf32, #tpu.memory_space<vmem>>
    %dma_wait3A_71 = tpu.memref_squeeze %dma_wait3A_70 : memref<1x512x16xf32, #tpu.memory_space<vmem>> -> memref<512x16xf32, #tpu.memory_space<vmem>>
    %dma_wait3A_72 = arith.constant 0 : i32
    %dma_wait3A_73 = tpu.memref_slice %arg9[%dma_wait3A_67, %dma_wait3A_72] : memref<20x512xi32, #tpu.memory_space<vmem>> -> memref<1x512xi32, #tpu.memory_space<vmem>>
    %dma_wait3A_74 = tpu.memref_squeeze %dma_wait3A_73 : memref<1x512xi32, #tpu.memory_space<vmem>> -> memref<512xi32, #tpu.memory_space<vmem>>
    %dma_wait3A_75 = arith.constant 0 : i32
    %dma_wait3A_76 = arith.constant 0 : i32
    %dma_wait3A_77 = tpu.memref_slice %arg16[%dma_wait3A_75, %dma_wait3A_76] : memref<10240x16xf32, #tpu.memory_space<vmem_shared>> -> memref<10240x16xf32, #tpu.memory_space<vmem_shared>>
    tpu.wait_indirect_dma semaphore(%arg19 : memref<!tpu.dma_semaphore, #tpu.memory_space<semaphore_mem>>) src(%dma_wait3A_71 : memref<512x16xf32, #tpu.memory_space<vmem>>) dst(%dma_wait3A_77 : memref<10240x16xf32, #tpu.memory_space<vmem_shared>>)
    %dma_wait3A_78 = arith.constant 2 : i32
    %dma_wait3A_79 = arith.constant 18 : i32
    %dma_wait3A_80 = arith.constant 0 : i32
    %dma_wait3A_81 = arith.constant 0 : i32
    %dma_wait3A_82 = tpu.memref_slice %arg10[%dma_wait3A_78, %dma_wait3A_80, %dma_wait3A_81] : memref<4x512x16xf32, #tpu.memory_space<vmem>> -> memref<1x512x16xf32, #tpu.memory_space<vmem>>
    %dma_wait3A_83 = tpu.memref_squeeze %dma_wait3A_82 : memref<1x512x16xf32, #tpu.memory_space<vmem>> -> memref<512x16xf32, #tpu.memory_space<vmem>>
    %dma_wait3A_84 = arith.constant 0 : i32
    %dma_wait3A_85 = tpu.memref_slice %arg9[%dma_wait3A_79, %dma_wait3A_84] : memref<20x512xi32, #tpu.memory_space<vmem>> -> memref<1x512xi32, #tpu.memory_space<vmem>>
    %dma_wait3A_86 = tpu.memref_squeeze %dma_wait3A_85 : memref<1x512xi32, #tpu.memory_space<vmem>> -> memref<512xi32, #tpu.memory_space<vmem>>
    %dma_wait3A_87 = arith.constant 0 : i32
    %dma_wait3A_88 = arith.constant 0 : i32
    %dma_wait3A_89 = tpu.memref_slice %arg16[%dma_wait3A_87, %dma_wait3A_88] : memref<10240x16xf32, #tpu.memory_space<vmem_shared>> -> memref<10240x16xf32, #tpu.memory_space<vmem_shared>>
    tpu.wait_indirect_dma semaphore(%arg20 : memref<!tpu.dma_semaphore, #tpu.memory_space<semaphore_mem>>) src(%dma_wait3A_83 : memref<512x16xf32, #tpu.memory_space<vmem>>) dst(%dma_wait3A_89 : memref<10240x16xf32, #tpu.memory_space<vmem_shared>>)
    %dma_wait3A_90 = arith.constant 3 : i32
    %dma_wait3A_91 = arith.constant 19 : i32
    %dma_wait3A_92 = arith.constant 0 : i32
    %dma_wait3A_93 = arith.constant 0 : i32
    %dma_wait3A_94 = tpu.memref_slice %arg10[%dma_wait3A_90, %dma_wait3A_92, %dma_wait3A_93] : memref<4x512x16xf32, #tpu.memory_space<vmem>> -> memref<1x512x16xf32, #tpu.memory_space<vmem>>
    %dma_wait3A_95 = tpu.memref_squeeze %dma_wait3A_94 : memref<1x512x16xf32, #tpu.memory_space<vmem>> -> memref<512x16xf32, #tpu.memory_space<vmem>>
    %dma_wait3A_96 = arith.constant 0 : i32
    %dma_wait3A_97 = tpu.memref_slice %arg9[%dma_wait3A_91, %dma_wait3A_96] : memref<20x512xi32, #tpu.memory_space<vmem>> -> memref<1x512xi32, #tpu.memory_space<vmem>>
    %dma_wait3A_98 = tpu.memref_squeeze %dma_wait3A_97 : memref<1x512xi32, #tpu.memory_space<vmem>> -> memref<512xi32, #tpu.memory_space<vmem>>
    %dma_wait3A_99 = arith.constant 0 : i32
    %dma_wait3A_100 = arith.constant 0 : i32
    %dma_wait3A_101 = tpu.memref_slice %arg16[%dma_wait3A_99, %dma_wait3A_100] : memref<10240x16xf32, #tpu.memory_space<vmem_shared>> -> memref<10240x16xf32, #tpu.memory_space<vmem_shared>>
    tpu.wait_indirect_dma semaphore(%arg20 : memref<!tpu.dma_semaphore, #tpu.memory_space<semaphore_mem>>) src(%dma_wait3A_95 : memref<512x16xf32, #tpu.memory_space<vmem>>) dst(%dma_wait3A_101 : memref<10240x16xf32, #tpu.memory_space<vmem_shared>>)
    %barrier3A_102 = arith.constant 0 : index
    tpu.barrier barrier_id(%barrier3A_102)
    %mul3A_103 = arith.constant 10240 : i32
    %mul3A_104 = arith.muli %arg0, %mul3A_103 : i32
    %add3A_105 = arith.addi %mul3A_104, %mul3A_2 : i32
    "tpu.region"() ({
      %run_scoped3A = tpu.sem_alloc : memref<!tpu.dma_semaphore, #tpu.memory_space<semaphore_mem>>
      %dma_start3A_106 = arith.constant 0 : i32
      %dma_start3A_107 = tpu.memref_slice %arg7[%add3A_105, %dma_start3A_106] : memref<20480x16xf32, #tpu.memory_space<hbm>> -> memref<640x16xf32, #tpu.memory_space<hbm>>
      %dma_start3A_108 = arith.constant 0 : i32
      %dma_start3A_109 = tpu.memref_slice %arg16[%mul3A_2, %dma_start3A_108] : memref<10240x16xf32, #tpu.memory_space<vmem_shared>> -> memref<640x16xf32, #tpu.memory_space<vmem_shared>>
      tpu.enqueue_dma source(%dma_start3A_109 : memref<640x16xf32, #tpu.memory_space<vmem_shared>>) target(%dma_start3A_107 : memref<640x16xf32, #tpu.memory_space<hbm>>) target_semaphore(%run_scoped3A : memref<!tpu.dma_semaphore, #tpu.memory_space<semaphore_mem>>)
      %dma_wait3A_110 = arith.constant 0 : i32
      %dma_wait3A_111 = tpu.memref_slice %arg7[%add3A_105, %dma_wait3A_110] : memref<20480x16xf32, #tpu.memory_space<hbm>> -> memref<640x16xf32, #tpu.memory_space<hbm>>
      %dma_wait3A_112 = arith.constant 0 : i32
      %dma_wait3A_113 = tpu.memref_slice %arg16[%mul3A_2, %dma_wait3A_112] : memref<10240x16xf32, #tpu.memory_space<vmem_shared>> -> memref<640x16xf32, #tpu.memory_space<vmem_shared>>
      tpu.wait_dma2 semaphore(%run_scoped3A : memref<!tpu.dma_semaphore, #tpu.memory_space<semaphore_mem>>) src(%dma_wait3A_113 : memref<640x16xf32, #tpu.memory_space<vmem_shared>>) dst(%dma_wait3A_111 : memref<640x16xf32, #tpu.memory_space<hbm>>)
      tpu.yield
    }) : () -> ()
    return
  }
}

module attributes {stable_mosaic.version = 14 : i64} {
  func.func @body(%arg0: memref<10000x128xf32, #tpu.memory_space<vmem>>, %arg1: memref<128x16xf32, #tpu.memory_space<vmem>>, %arg2: memref<2x10240xf32, #tpu.memory_space<vmem>>, %arg3: memref<2x10240xf32, #tpu.memory_space<vmem>>, %arg4: memref<10240x16xf32, #tpu.memory_space<vmem>>, %arg5: memref<10240x16xf32, #tpu.memory_space<vmem>>, %arg6: memref<10240x1xf32, #tpu.memory_space<vmem>>) attributes {dimension_semantics = [], scalar_prefetch = 0 : i64, scratch_operands = 0 : i64, tpu.core_type = #tpu.core_type<tc>} {
    %get3A = arith.constant 0 : index
    %get3A_0 = arith.constant 0 : index
    %get3A_1 = vector.load %arg2[%get3A, %get3A_0] : memref<2x10240xf32, #tpu.memory_space<vmem>>, vector<1x10240xf32>
    %get3A_2 = vector.shape_cast %get3A_1 : vector<1x10240xf32> to vector<10240xf32>
    %get3A_3 = arith.constant 1 : index
    %get3A_4 = arith.constant 0 : index
    %get3A_5 = vector.load %arg2[%get3A_3, %get3A_4] : memref<2x10240xf32, #tpu.memory_space<vmem>>, vector<1x10240xf32>
    %get3A_6 = vector.shape_cast %get3A_5 : vector<1x10240xf32> to vector<10240xf32>
    %add3A = arith.addf %get3A_2, %get3A_6 : vector<10240xf32>
    %add3A_7 = arith.constant 1.000000e+00 : f32
    %add3A_8 = vector.broadcast %add3A_7 : f32 to vector<10240xf32>
    %add3A_9 = arith.addf %add3A, %add3A_8 : vector<10240xf32>
    %rsqrt3A = math.rsqrt %add3A_9 : vector<10240xf32>
    %get3A_10 = arith.constant 0 : index
    %get3A_11 = arith.constant 0 : index
    %get3A_12 = vector.load %arg3[%get3A_10, %get3A_11] : memref<2x10240xf32, #tpu.memory_space<vmem>>, vector<1x10240xf32>
    %get3A_13 = vector.shape_cast %get3A_12 : vector<1x10240xf32> to vector<10240xf32>
    %get3A_14 = arith.constant 1 : index
    %get3A_15 = arith.constant 0 : index
    %get3A_16 = vector.load %arg3[%get3A_14, %get3A_15] : memref<2x10240xf32, #tpu.memory_space<vmem>>, vector<1x10240xf32>
    %get3A_17 = vector.shape_cast %get3A_16 : vector<1x10240xf32> to vector<10240xf32>
    %add3A_18 = arith.addf %get3A_13, %get3A_17 : vector<10240xf32>
    %add3A_19 = arith.constant 1.000000e+00 : f32
    %add3A_20 = vector.broadcast %add3A_19 : f32 to vector<10240xf32>
    %add3A_21 = arith.addf %add3A_18, %add3A_20 : vector<10240xf32>
    %rsqrt3A_22 = math.rsqrt %add3A_21 : vector<10240xf32>
    %mul3A = arith.mulf %rsqrt3A, %rsqrt3A_22 : vector<10240xf32>
    %broadcast_in_dim3A = vector.shape_cast %mul3A : vector<10240xf32> to vector<10240x1xf32>
    %broadcast_in_dim3A_23 = vector.shape_cast %broadcast_in_dim3A : vector<10240x1xf32> to vector<10240x1xf32>
    %broadcast_in_dim3A_24 = vector.broadcast %broadcast_in_dim3A_23 : vector<10240x1xf32> to vector<10240x16xf32>
    %swap3A = arith.constant 0 : index
    %swap3A_25 = arith.constant 0 : index
    %swap3A_26 = vector.load %arg5[%swap3A, %swap3A_25] : memref<10240x16xf32, #tpu.memory_space<vmem>>, vector<10240x16xf32>
    tpu.vector_store %arg5[%swap3A, %swap3A_25], %broadcast_in_dim3A_24 {strides = array<i32>} : memref<10240x16xf32, #tpu.memory_space<vmem>>, vector<10240x16xf32>,
    %broadcast_in_dim3A_27 = vector.shape_cast %rsqrt3A_22 : vector<10240xf32> to vector<10240x1xf32>
    %swap3A_28 = arith.constant 0 : index
    %swap3A_29 = arith.constant 0 : index
    %swap3A_30 = vector.load %arg6[%swap3A_28, %swap3A_29] : memref<10240x1xf32, #tpu.memory_space<vmem>>, vector<10240x1xf32>
    tpu.vector_store %arg6[%swap3A_28, %swap3A_29], %broadcast_in_dim3A_27 {strides = array<i32>} : memref<10240x1xf32, #tpu.memory_space<vmem>>, vector<10240x1xf32>,
    %get3A_31 = arith.constant 0 : index
    %get3A_32 = arith.constant 0 : index
    %get3A_33 = vector.load %arg0[%get3A_31, %get3A_32] : memref<10000x128xf32, #tpu.memory_space<vmem>>, vector<10000x128xf32>
    %slice3A = vector.extract_strided_slice %rsqrt3A {offsets = [0], sizes = [10000], strides = [1]} : vector<10240xf32> to vector<10000xf32>
    %broadcast_in_dim3A_34 = vector.shape_cast %slice3A : vector<10000xf32> to vector<10000x1xf32>
    %mul3A_35 = vector.broadcast %broadcast_in_dim3A_34 : vector<10000x1xf32> to vector<10000x128xf32>
    %mul3A_36 = arith.mulf %get3A_33, %mul3A_35 : vector<10000x128xf32>
    %get3A_37 = arith.constant 0 : index
    %get3A_38 = arith.constant 0 : index
    %get3A_39 = vector.load %arg1[%get3A_37, %get3A_38] : memref<128x16xf32, #tpu.memory_space<vmem>>, vector<128x16xf32>
    %dot_general3A = arith.constant dense<0.000000e+00> : vector<10000x16xf32>
    %dot_general3A_40 = tpu.matmul %mul3A_36, %get3A_39, %dot_general3A {dimension_numbers = #tpu.dot_dimension_numbers<[1], [0], [0], [1], [0, 0, 1, 1], [], []>, transpose_lhs_hint = false} : vector<10000x128xf32>, vector<128x16xf32>, vector<10000x16xf32> -> vector<10000x16xf32>
    %broadcast_in_dim3A_41 = arith.constant 0.000000e+00 : f32
    %broadcast_in_dim3A_42 = vector.broadcast %broadcast_in_dim3A_41 : f32 to vector<240x16xf32>
    %concatenate3A = tpu.concatenate %dot_general3A_40, %broadcast_in_dim3A_42 in 0 : vector<10000x16xf32>, vector<240x16xf32> -> vector<10240x16xf32>
    %swap3A_43 = arith.constant 0 : index
    %swap3A_44 = arith.constant 0 : index
    %swap3A_45 = vector.load %arg4[%swap3A_43, %swap3A_44] : memref<10240x16xf32, #tpu.memory_space<vmem>>, vector<10240x16xf32>
    tpu.vector_store %arg4[%swap3A_43, %swap3A_44], %concatenate3A {strides = array<i32>} : memref<10240x16xf32, #tpu.memory_space<vmem>>, vector<10240x16xf32>,
    return
  }
}

module attributes {stable_mosaic.version = 14 : i64} {
  func.func @body(%arg0: memref<2x10240x16xf32, #tpu.memory_space<vmem>>, %arg1: memref<2x10240x16xf32, #tpu.memory_space<vmem>>, %arg2: memref<10240x16xf32, #tpu.memory_space<vmem>>, %arg3: memref<10240x16xf32, #tpu.memory_space<vmem>>, %arg4: memref<10240x1xf32, #tpu.memory_space<vmem>>, %arg5: memref<16x8xf32, #tpu.memory_space<vmem>>, %arg6: memref<10240x8xf32, #tpu.memory_space<vmem>>) attributes {dimension_semantics = [], scalar_prefetch = 0 : i64, scratch_operands = 0 : i64, tpu.core_type = #tpu.core_type<tc>} {
    %get3A = arith.constant 0 : index
    %get3A_0 = arith.constant 0 : index
    %get3A_1 = arith.constant 0 : index
    %get3A_2 = vector.load %arg1[%get3A, %get3A_0, %get3A_1] : memref<2x10240x16xf32, #tpu.memory_space<vmem>>, vector<1x10240x16xf32>
    %get3A_3 = vector.shape_cast %get3A_2 : vector<1x10240x16xf32> to vector<10240x16xf32>
    %get3A_4 = arith.constant 1 : index
    %get3A_5 = arith.constant 0 : index
    %get3A_6 = arith.constant 0 : index
    %get3A_7 = vector.load %arg1[%get3A_4, %get3A_5, %get3A_6] : memref<2x10240x16xf32, #tpu.memory_space<vmem>>, vector<1x10240x16xf32>
    %get3A_8 = vector.shape_cast %get3A_7 : vector<1x10240x16xf32> to vector<10240x16xf32>
    %add3A = arith.addf %get3A_3, %get3A_8 : vector<10240x16xf32>
    %get3A_9 = arith.constant 0 : index
    %get3A_10 = arith.constant 0 : index
    %get3A_11 = vector.load %arg2[%get3A_9, %get3A_10] : memref<10240x16xf32, #tpu.memory_space<vmem>>, vector<10240x16xf32>
    %add3A_12 = arith.addf %add3A, %get3A_11 : vector<10240x16xf32>
    %get3A_13 = arith.constant 0 : index
    %get3A_14 = arith.constant 0 : index
    %get3A_15 = vector.load %arg3[%get3A_13, %get3A_14] : memref<10240x16xf32, #tpu.memory_space<vmem>>, vector<10240x16xf32>
    %mul3A = arith.mulf %add3A_12, %get3A_15 : vector<10240x16xf32>
    %get3A_16 = arith.constant 0 : index
    %get3A_17 = arith.constant 0 : index
    %get3A_18 = arith.constant 0 : index
    %get3A_19 = vector.load %arg0[%get3A_16, %get3A_17, %get3A_18] : memref<2x10240x16xf32, #tpu.memory_space<vmem>>, vector<1x10240x16xf32>
    %get3A_20 = vector.shape_cast %get3A_19 : vector<1x10240x16xf32> to vector<10240x16xf32>
    %get3A_21 = arith.constant 1 : index
    %get3A_22 = arith.constant 0 : index
    %get3A_23 = arith.constant 0 : index
    %get3A_24 = vector.load %arg0[%get3A_21, %get3A_22, %get3A_23] : memref<2x10240x16xf32, #tpu.memory_space<vmem>>, vector<1x10240x16xf32>
    %get3A_25 = vector.shape_cast %get3A_24 : vector<1x10240x16xf32> to vector<10240x16xf32>
    %add3A_26 = arith.addf %get3A_20, %get3A_25 : vector<10240x16xf32>
    %add3A_27 = arith.addf %add3A_26, %mul3A : vector<10240x16xf32>
    %get3A_28 = arith.constant 0 : index
    %get3A_29 = arith.constant 0 : index
    %get3A_30 = vector.load %arg4[%get3A_28, %get3A_29] : memref<10240x1xf32, #tpu.memory_space<vmem>>, vector<10240x1xf32>
    %mul3A_31 = vector.broadcast %get3A_30 : vector<10240x1xf32> to vector<10240x16xf32>
    %mul3A_32 = arith.mulf %add3A_27, %mul3A_31 : vector<10240x16xf32>
    %get3A_33 = arith.constant 0 : index
    %get3A_34 = arith.constant 0 : index
    %get3A_35 = vector.load %arg5[%get3A_33, %get3A_34] : memref<16x8xf32, #tpu.memory_space<vmem>>, vector<16x8xf32>
    %dot_general3A = arith.constant dense<0.000000e+00> : vector<10240x8xf32>
    %dot_general3A_36 = tpu.matmul %mul3A_32, %get3A_35, %dot_general3A {dimension_numbers = #tpu.dot_dimension_numbers<[1], [0], [0], [1], [0, 0, 1, 1], [], []>, transpose_lhs_hint = false} : vector<10240x16xf32>, vector<16x8xf32>, vector<10240x8xf32> -> vector<10240x8xf32>
    %swap3A = arith.constant 0 : index
    %swap3A_37 = arith.constant 0 : index
    %swap3A_38 = vector.load %arg6[%swap3A, %swap3A_37] : memref<10240x8xf32, #tpu.memory_space<vmem>>, vector<10240x8xf32>
    tpu.vector_store %arg6[%swap3A, %swap3A_37], %dot_general3A_36 {strides = array<i32>} : memref<10240x8xf32, #tpu.memory_space<vmem>>, vector<10240x8xf32>,
    return
  }
}

</mosaic_0001>

<sc_bundles>
// kernel: kernel.10.cloned.1.call-start
scs
__scs_entry_jumppad:
0x0: {  	(pc) =	sbr.rel $0x88, $3  }
0x1: {  	(tag) =	ssettag $0x0;
	lr =	simm.s32 $0x1  }
0x2: {  	[smem:$0x3F9D] =	sst lr;
	_ =	strace $0xD0000000  }
0x3: {  	_ = 	snop  }
0x4: {  	_ = 	snop  }
0x5: {  	_ = 	snop  }
0x6: {  	_ = 	snop  }
0x7: {  	_ = 	snop  }
__scs_overlays_trampoline_lowered:
0x8: {  	[smem:$0x3FAC] =	sst s0  }
0x9: {  	[smem:$0x3FAD] =	sst s1  }
0xa: {  	[smem:$0x3FAE] =	sst s2  }
0xb: {  	[smem:$0x3FAF] =	sst s3  }
0xc: {  	[smem:$0x3FB0] =	sst s4  }
0xd: {  	[smem:$0x3FB1] =	sst s5  }
0xe: {  	[smem:$0x3FB2] =	sst s6  }
0xf: {  	[smem:$0x3FB3] =	sst s7  }
0x10: {  	[smem:$0x3FB4] =	sst s8  }
0x11: {  	[smem:$0x3FB5] =	sst s9;
	s0 =	simm.s32 @!p0 $0x0  }
0x12: {  	s1 =	sld [smem:$0x3F9B];
	s0 =	simm.s32 @p0 $0x1  }
0x13: {  	[smem:$0x3FB6] =	sst s0;
	s0 =	simm.s32 @!p1 $0x0  }
0x14: {  	s2 =	sld [smem:$0x3F9A];
	s0 =	simm.s32 @p1 $0x1  }
0x15: {  	[smem:$0x3FB7] =	sst s0;
	s0 =	simm.s32 @!p2 $0x0  }
0x16: {  	s3 =	sld [smem:$0x3FDB];
	s0 =	simm.s32 @p2 $0x1  }
0x17: {  	s4 =	simm.s32 $0x1BF5;
	[smem:$0x3FB9] =	sst s0  }
0x18: {  	s0 =	sld [smem:$0x3F9C];
	_ =	swait.ge [sflag:s4], $0x0  }
0x19: {  	s7 =	sld [smem:$0x3F9D]  }
0x1a: {  	s8 =	sadd.s32 $0xFFFFE003, lr  }
0x1b: {  	s9 =	sadd.s32 $0xFFFFFEF7, lr;
	s5 =	simm.s32 $0xFFFFFFFF;
	p2 =	slt.u32 s8, $0xFFFFF086  }
0x1c: {  	p1 =	slt.u32 s9, $0xF7A;
	s5 =	simm.s32 @!p2 $0x0  }
0x1d: {  	s5 =	simm.s32 @p1 $0x1;
	p0 =	seq.s32 s7, s2  }
0x1e: {  	s7 =	smul.u32 @!p0 $0xF7A, s2;
	p2 =	seq.s32 @!p0 s5, $0x0  }
0x1f: {  	s9 =	smul.u32 $0xF7A, s1;
	s8 =	simm.s32 @!p0 $0x1BF5;
	p2 =	por !p2, p0  }
0x20: {  	[sflag:s8] =	ssyncset.s32 @!p0 $0xFFFFF086;
	s6 =	sadd.s32 @!p0 s3, s7;
	s7 =	simm.s32 @!p0 $0x108  }
0x21: {  	s3 =	sadd.s32 s3, s9;
	s6 =	sadd.s32 @!p0 $0x88, s6;
	s7 =	simm.s32 @p2 $0x1082  }
0x22: {  	[simem:s7], [sflag:s8] =	dma.local @!p0 [hbm:s6], $0xF7A  }
0x23: {  	s9 =	sor.u32 $0xD0000000, s2;
	s6 =	simm.s32 $0x108;
	_ =	swait.ge @!p0 [sflag:s8], $0x0  }
0x24: {  	s3 =	sadd.s32 $0x88, s3;
	s6 =	simm.s32 @!p1 $0x1082;
	[sflag:s4] =	ssyncset.s32 $0xFFFFF086  }
0x25: {  	[simem:s6], [sflag:s4] =	dma.local [hbm:s3], $0xF7A  }
0x26: {  	[smem:$0x3F9D] =	sst s1;
	(tag) =	ssettag s2;
	_ =	strace s9  }
0x27: {  	s1 =	sld [smem:$0x3FAD]  }
0x28: {  	s2 =	sld [smem:$0x3FAE]  }
0x29: {  	s4 =	sld [smem:$0x3FB0]  }
0x2a: {  	p0 =	seq.s32 s5, $0x0;
	s5 =	sld [smem:$0x3FB1]  }
0x2b: {  	s6 =	sld [smem:$0x3FB2]  }
0x2c: {  	s7 =	sld [smem:$0x3FB3]  }
0x2d: {  	s3 =	simm.s32 $0x108;
	s8 =	sld [smem:$0x3FB4]  }
0x2e: {  	s3 =	simm.s32 @!p0 $0x1082;
	s9 =	sld [smem:$0x3FB5]  }
0x2f: {  	lr =	sadd.s32 s0, s3;
	s0 =	sld [smem:$0x3FAC]  }
0x30: {  	s3 =	sld [smem:$0x3FAF]  }
0x31: {  	[smem:$0x3FB8] =	sst s10  }
0x32: {  	s10 =	sld [smem:$0x3FB6];
	_ =	sdelay $0x3  }
0x33: {  	p0 =	seq.s32 s10, $0x1;
	s10 =	sld [smem:$0x3FB8];
	_ =	sdelay $0x3  }
0x34: {  	[smem:$0x3FB8] =	sst s10  }
0x35: {  	s10 =	sld [smem:$0x3FB7];
	_ =	sdelay $0x3  }
0x36: {  	p1 =	seq.s32 s10, $0x1;
	s10 =	sld [smem:$0x3FB8];
	_ =	sdelay $0x3  }
0x37: {  	[smem:$0x3FB8] =	sst s10  }
0x38: {  	s10 =	sld [smem:$0x3FB9]  }
0x39: {  	_ = 	snop;
	(pc) =	sbr.ind lr, $3  }
0x3a: {  	_ = 	snop  }
0x3b: {  	_ = 	snop  }
0x3c: {  	p2 =	seq.s32 s10, $0x1;
	s10 =	sld [smem:$0x3FB8]  }
0x3d: {  	_ =	shalt  }
0x3e: {  	_ =	shalt  }
0x3f: {  	_ =	shalt  }
0x40: {  	_ =	shalt  }
0x41: {  	_ =	shalt  }
0x42: {  	_ =	shalt  }
0x43: {  	_ =	shalt  }
0x44: {  	_ =	shalt  }
0x45: {  	_ =	shalt  }
0x46: {  	_ =	shalt  }
0x47: {  	_ =	shalt  }
0x48: {  	_ =	shalt  }
0x49: {  	_ =	shalt  }
0x4a: {  	_ =	shalt  }
0x4b: {  	_ =	shalt  }
0x4c: {  	_ =	shalt  }
0x4d: {  	_ =	shalt  }
0x4e: {  	_ =	shalt  }
0x4f: {  	_ =	shalt  }
0x50: {  	_ =	shalt  }
0x51: {  	_ =	shalt  }
0x52: {  	_ =	shalt  }
0x53: {  	_ =	shalt  }
0x54: {  	_ =	shalt  }
0x55: {  	_ =	shalt  }
0x56: {  	_ =	shalt  }
0x57: {  	_ =	shalt  }
0x58: {  	_ =	shalt  }
0x59: {  	_ =	shalt  }
0x5a: {  	_ =	shalt  }
0x5b: {  	_ =	shalt  }
0x5c: {  	_ =	shalt  }
0x5d: {  	_ =	shalt  }
0x5e: {  	_ =	shalt  }
0x5f: {  	_ =	shalt  }
0x60: {  	_ =	shalt  }
0x61: {  	_ =	shalt  }
0x62: {  	_ =	shalt  }
0x63: {  	_ =	shalt  }
0x64: {  	_ =	shalt  }
0x65: {  	_ =	shalt  }
0x66: {  	_ =	shalt  }
0x67: {  	_ =	shalt  }
0x68: {  	_ =	shalt  }
0x69: {  	_ =	shalt  }
0x6a: {  	_ =	shalt  }
0x6b: {  	_ =	shalt  }
0x6c: {  	_ =	shalt  }
0x6d: {  	_ =	shalt  }
0x6e: {  	_ =	shalt  }
0x6f: {  	_ =	shalt  }
0x70: {  	_ =	shalt  }
0x71: {  	_ =	shalt  }
0x72: {  	_ =	shalt  }
0x73: {  	_ =	shalt  }
0x74: {  	_ =	shalt  }
0x75: {  	_ =	shalt  }
0x76: {  	_ =	shalt  }
0x77: {  	_ =	shalt  }
0x78: {  	_ =	shalt  }
0x79: {  	_ =	shalt  }
0x7a: {  	_ =	shalt  }
0x7b: {  	_ =	shalt  }
0x7c: {  	_ =	shalt  }
0x7d: {  	_ =	shalt  }
0x7e: {  	_ =	shalt  }
0x7f: {  	_ =	shalt  }
0x80: {  	_ =	shalt  }
0x81: {  	_ =	shalt  }
0x82: {  	_ =	shalt  }
0x83: {  	_ =	shalt  }
0x84: {  	_ =	shalt  }
0x85: {  	_ =	shalt  }
0x86: {  	_ =	shalt  }
0x87: {  	_ =	shalt  }
.Lfunc_end0:
.L_simem_size_0:
called_computation.1_lowered:
.L_overlay_start_0:
0x88: {  	s2 =	sld [smem:$0x3FD9]  }
0x89: {  	s3 =	sld [smem:$0x3FFE];
	_ =	sdelay $0x1  }
0x8a: {  	s1 =	srdreg.scid  }
0x8b: {  	s0 =	sand.u32 $0x1, s1  }
0x8c: {  	s16 =	sshll.u32 s0, $0xA;
	s2 =	sadd.s32 s3, s2  }
0x8d: {  	s2 =	sadd.s32 s2, s16  }
0x8e: {  	[smem:$0x3FC4] =	sst s2  }
0x8f: {  	_ = 	snop  }
0x90: {  	(tm) =	ssettm $0x1  }
0x91: {  	s17 =	sld [smem:$0x3FFB];
	_ =	sdelay $0x3  }
0x92: {  	_ =	strace s17  }
0x93: {  	s2 =	sld [smem:$0x3FFC];
	_ =	sdelay $0x3  }
0x94: {  	_ =	strace s2  }
0x95: {  	s2 =	sld [smem:$0x3FFD];
	_ =	sdelay $0x3  }
0x96: {  	_ =	strace s2  }
0x97: {  	_ =	strace $0x8FFFFFFF  }
0x98: {  	s18 =	sld [smem:$0x3FDB];
	_ =	sdelay $0x1  }
0x99: {  	s19 =	simm.s32 $_scs_section_size  }
0x9a: {  	s4 =	simm.s32 $_size__tile_overlayer_lowered;
	s5 =	simm.s32 $_tile_overlayer_lowered  }
0x9b: {  	s22 =	simm.s32 $0x1BFF;
	s21 =	sshll.u32 s5, $0x1;
	s2 =	sadd.s32 s19, s18  }
0x9c: {  	s6 =	simm.s32 $0x0;
	s20 =	sshll.u32 s4, $0x1;
	s4 =	sadd.s32 s21, s2  }
0x9d: {  	[timem:s6], [sflag:s22] =	dma.local [hbm:s4], s20  }
0x9e: {  	_ =	swait.ge [sflag:s22], s20  }
0x9f: {  	s3 =	ssub.s32 $0x0, s20;
	[sflag:s22] =	ssyncset.done $0x0  }
0xa0: {  	[sflag:s22] =	ssyncadd.s32 s3;
	_ =	sdelay $0x1  }
0xa1: {  	s23 =	simm.s32 $0x1B8B  }
0xa2: {  	_ =	swait.ge [sflag:s23], $0x1  }
0xa3: {  	[sflag:s23] =	ssyncset.done $0x0  }
0xa4: {  	s25 =	simm.s32 $0x1B8E;
	s24 =	sld [smem:$0x3FFE];
	[sflag:s23] =	ssyncadd.s32 $0xFFFFFFFF  }
0xa5: {  	s26 =	simm.s32 $execute0_lowered;
	[smem:$0x3FD2] =	sst s25  }
0xa6: {  	s4 =	sshll.u32 s26, $0x1;
	_ =	strace $0x80000049;
	[dreg:$0x1] =	wrdreg $0xFFFFFFFF  }
0xa7: {  	s28 =	simm.s32 $_size_execute0_lowered;
	s2 =	sadd.s32 s2, s4;
	[dreg:$0x0] =	wrdreg $0x0  }
0xa8: {  	s4 =	sshll.u32 s28, $0x1;
	[dreg:$0x2] =	wrdreg s2  }
0xa9: {  	[dreg:$0x3] =	wrdreg s4  }
0xaa: {  	[dreg:$0x4] =	wrdreg $0xC0  }
0xab: {  	_ =	task [dreg:s6], $0x5FFFF  }
0xac: {  	[dreg:$0x1] =	wrdreg $0xFFFFFFFF  }
0xad: {  	[dreg:$0x0] =	wrdreg $0x60  }
0xae: {  	[dreg:$0x2] =	wrdreg s24  }
0xaf: {  	[dreg:$0x3] =	wrdreg $0x1B8000  }
0xb0: {  	[dreg:$0x4] =	wrdreg $0x9  }
0xb1: {  	_ =	task.clear_ibuf [dreg:s6], $0x5FFFF;
	_ =	strace $0x90000049  }
0xb2: {  	s29 =	simm.s32 $0x9;
	_ =	strace $0x8000004B  }
0xb3: {  	_ =	swait.ge [sflag:s29], $0x1  }
0xb4: {  	[sflag:s29] =	ssyncadd.s32 $0xFFFFFFFF  }
0xb5: {  	_ =	strace $0x9000004B  }
0xb6: {  	_ =	sfence  }
0xb7: {  	s30 =	sld [smem:$0x0];
	_ =	sdelay $0x2  }
0xb8: {  	s31 =	sshll.u32 s1, $0xD;
	s1 =	sshrl.u32 s1, $0x2  }
0xb9: {  	s3 =	sand.u32 $0x4000, s31;
	s1 =	sadd.s32 s1, s30  }
0xba: {  	s0 =	sor.u32 s3, s0;
	s1 =	sshll.u32 s1, $0x11  }
0xbb: {  	s0 =	sor.u32 s1, s0  }
0xbc: {  	s0 =	sadd.s32 $0x8F2B, s0  }
0xbd: {  	[sflag:s0] =	ssyncadd.remote.s32 $0x1  }
0xbe: {  	_ =	sfence.sel $0xFFFF  }
0xbf: {  	[dreg:$0x0] =	wrdreg $0xFFFFFFFF;
	(pc) =	sbr.abs _section_cstart, $3  }
0xc0: {  	[dreg:$0x1] =	wrdreg $0xFFFFFFFF  }
0xc1: {  	_ =	task.clear_ibuf [dreg:s6], $0x2FFFF;
	_ =	strace $0x9FFFFFFF  }
0xc2: {  	(tm) =	ssettm $0x7FFFFFFF  }
0xc3: {  	_ =	shalt  }
tec
execute0_lowered:
.L_overlay_start_1:
0x0: {  	(tag) =	ssettag $0x1  }
0x1: {  	s0 =	srdreg.scid  }
0x2: {  	s4 =	stileid.u32;
	s5 =	rddreg [dreg:$0x0]  }
0x3: {  	s2 =	rddreg [dreg:$0x1];
	s3 =	simm.s32 $0x0;
	s11 =	simm.s32 $0x5  }
0x4: {  	s12 =	simm.s32 $0x2800;
	s13 =	simm.s32 $0x200;
	s14 =	simm.s32 $0x5000  }
0x5: {  	s15 =	simm.s32 $0x7000;
	s17 =	simm.s32 $0x9000;
	s19 =	simm.s32 $0xB000  }
0x6: {  	s21 =	simm.s32 $0xD000;
	s22 =	simm.s32 $0x1;
	s29 =	simm.s32 $0xF000  }
0x7: {  	s31 =	simm.s32 $0x11000;
	s10 =	simm.s32 $0x13000;
	s16 =	simm.s32 $0x15000  }
0x8: {  	s20 =	simm.s32 $0x17000;
	s23 =	simm.s32 $0x2;
	s25 =	simm.s32 $0x4  }
0x9: {  	s28 =	simm.s32 $0x4A00;
	s30 =	simm.s32 $0x4C00;
	s6 =	smul.u32 $0x500, s4  }
0xa: {  	s18 =	simm.s32 $0x0;
	s0 =	sand.u32 $0x1, s0;
	s8 =	smul.u32 $0xA000, s4  }
0xb: {  	[smem:$0x7FF] =	sst s3;
	s1 =	sshll.u32 s0, $0x4;
	s7 =	smul.u32 $0x5000, s0  }
0xc: {  	_ =	strace $0x8000004A;
	s0 =	ssub.s32 $0x2, s0;
	s1 =	sor.u32 s4, s1  }
0xd: {  	s4 =	sadd.s32 $0x15A00, s5;
	s26 =	sshrl.u32 s0, $0x1;
	s1 =	smul.u32 $0x500, s1  }
0xe: {  	s8 =	sshrl.u32 s8, $0x2;
	s6 =	sadd.s32 s6, s7;
	s0 =	ssub.s32 s0, s26  }
0xf: {  	s9 =	sadd.s32 s6, s5;
	s1 =	sadd.s32 s1, s5;
	s5 =	sadd.s32 s8, s2  }
0x10: {  	s8 =	sadd.s32 $0x1AA00, s9;
	s9 =	smax.u32 s0, $0x1;
	s0 =	simm.s32 $0x4E00  }
0x11: {  	v0 =	vimm.f32 $0.0e+00;
	s6 =	sadd.s32 $0xBA00, s1;
	s7 =	sadd.s32 $0x1A00, s1;
	s1 =	simm.s32 $0x3  }
.LBB2_1:
0x12: {  	s24 =	simm.s32 $0x40;
	s26 =	simm.s32 $0x0  }
.LBB2_2:
0x13: {  	p0 =	sne.s32 s24, $0x9FC0;
	[tilespmem:s26+$0x19000] =	vst v0;
	s26 =	smov.u32 s24;
	s24 =	sadd.s32 $0x40, s24  }
.Ltmp0:
0x14: {  	(pc) =	sbr.rel @p0 .LBB2_2-.Ltmp0, $2  }
0x15: {  	_ =	sdelay $0x2  }
0x16: {  	s26 =	sshra.s32 s26, $0x2  }
0x17: {  	[tilespmem:s26+$0x19000] =	vst v0;
	s24 =	simm.s32 $0x19000  }
0x18: {  	[spmem:s5] =	stream.linear.scatter [tilespmem:s24], [sflag:$0x5], $0x2800, $0x38;
	[tilespmem:$0x1E000] =	vst v63  }
0x19: {  	_ =	swait.ge [sflag:s11], $0x2800  }
0x1a: {  	[sflag:s11] =	ssyncset.done $0x0  }
0x1b: {  	[sflag:s11] =	ssyncadd.s32 $0xFFFFD800  }
0x1c: {  	[tilespmem:s3], [sflag:$0x5] =	stream.linear.gather [hbm4b:s6+s3], $0x2800, $0x38;
	[tilespmem:$0x1E000] =	vst v63  }
0x1d: {  	_ =	swait.ge [sflag:s11], $0x2800  }
0x1e: {  	[sflag:s11] =	ssyncset.done $0x0  }
0x1f: {  	[sflag:s11] =	ssyncadd.s32 $0xFFFFD800  }
0x20: {  	[tilespmem:s12], [sflag:$0x5] =	stream.linear.gather [hbm4b:s7+s3], $0x2800, $0x38;
	[tilespmem:$0x1E000] =	vst v63  }
0x21: {  	_ =	swait.ge [sflag:s11], $0x2800  }
0x22: {  	[sflag:s11] =	ssyncset.done $0x0  }
0x23: {  	[sflag:s11] =	ssyncadd.s32 $0xFFFFD800  }
0x24: {  	[bflag:$0x0] =	sbarrier.arrive $0xFFFF  }
0x25: {  	[tilespmem:s14], [sflag:$0x1] =	stream.indirect.gather [hbm4b:s4+s13], $0x10, s3, s13, $0xb8;
	[tilespmem:$0x1E000] =	vst v63  }
0x26: {  	_ = 	snop  }
0x27: {  	[tilespmem:s15], [sflag:$0x1] =	stream.indirect.gather [hbm4b:s4+s13], $0x10, s13, s13, $0xb8;
	[tilespmem:$0x1E000] =	vst v63  }
0x28: {  	s26 =	simm.s32 $0x400  }
0x29: {  	[tilespmem:s17], [sflag:$0x1] =	stream.indirect.gather [hbm4b:s4+s13], $0x10, s26, s13, $0xb8;
	[tilespmem:$0x1E000] =	vst v63  }
0x2a: {  	s26 =	simm.s32 $0x600  }
0x2b: {  	[tilespmem:s19], [sflag:$0x1] =	stream.indirect.gather [hbm4b:s4+s13], $0x10, s26, s13, $0xb8;
	[tilespmem:$0x1E000] =	vst v63  }
0x2c: {  	s26 =	simm.s32 $0x800  }
0x2d: {  	[tilespmem:s21], [sflag:$0x1] =	stream.indirect.gather [hbm4b:s4+s13], $0x10, s26, s13, $0xb8;
	[tilespmem:$0x1E000] =	vst v63  }
0x2e: {  	_ =	swait.ge [sflag:s22], $0x2000  }
0x2f: {  	[sflag:s22] =	ssyncset.done $0x0  }
0x30: {  	[sflag:s22] =	ssyncadd.s32 $0xFFFFE000  }
0x31: {  	_ =	swait.ge [sflag:s22], $0x2000  }
0x32: {  	[sflag:s22] =	ssyncset.done $0x0  }
0x33: {  	[sflag:s22] =	ssyncadd.s32 $0xFFFFE000  }
0x34: {  	_ =	swait.ge [sflag:s22], $0x2000  }
0x35: {  	[sflag:s22] =	ssyncset.done $0x0  }
0x36: {  	[sflag:s22] =	ssyncadd.s32 $0xFFFFE000  }
0x37: {  	_ =	swait.ge [sflag:s22], $0x2000  }
0x38: {  	[sflag:s22] =	ssyncset.done $0x0  }
0x39: {  	[sflag:s22] =	ssyncadd.s32 $0xFFFFE000  }
0x3a: {  	_ =	swait.ge [sflag:s22], $0x2000  }
0x3b: {  	[sflag:s22] =	ssyncset.done $0x0  }
0x3c: {  	[sflag:s22] =	ssyncadd.s32 $0xFFFFE000  }
0x3d: {  	[spmem:s2] =	stream.indirect.scatter.add.f32 [tilespmem:s14], [sflag:$0x3], $0x10, s12, s13, $0xb8;
	[tilespmem:$0x1E000] =	vst v63  }
0x3e: {  	s26 =	simm.s32 $0x2A00  }
0x3f: {  	[spmem:s2] =	stream.indirect.scatter.add.f32 [tilespmem:s15], [sflag:$0x3], $0x10, s26, s13, $0xb8;
	[tilespmem:$0x1E000] =	vst v63  }
0x40: {  	s26 =	simm.s32 $0x2C00  }
0x41: {  	[spmem:s2] =	stream.indirect.scatter.add.f32 [tilespmem:s17], [sflag:$0x3], $0x10, s26, s13, $0xb8;
	[tilespmem:$0x1E000] =	vst v63  }
0x42: {  	s26 =	simm.s32 $0x2E00  }
0x43: {  	[spmem:s2] =	stream.indirect.scatter.add.f32 [tilespmem:s19], [sflag:$0x3], $0x10, s26, s13, $0xb8;
	[tilespmem:$0x1E000] =	vst v63  }
0x44: {  	s26 =	simm.s32 $0x3000  }
0x45: {  	[spmem:s2] =	stream.indirect.scatter.add.f32 [tilespmem:s21], [sflag:$0x3], $0x10, s26, s13, $0xb8;
	[tilespmem:$0x1E000] =	vst v63  }
0x46: {  	s26 =	simm.s32 $0xA00  }
0x47: {  	[tilespmem:s29], [sflag:$0x2] =	stream.indirect.gather [hbm4b:s4+s13], $0x10, s26, s13, $0xb8;
	[tilespmem:$0x1E000] =	vst v63  }
0x48: {  	s26 =	simm.s32 $0xC00  }
0x49: {  	[tilespmem:s31], [sflag:$0x2] =	stream.indirect.gather [hbm4b:s4+s13], $0x10, s26, s13, $0xb8;
	[tilespmem:$0x1E000] =	vst v63  }
0x4a: {  	s26 =	simm.s32 $0xE00  }
0x4b: {  	[tilespmem:s10], [sflag:$0x2] =	stream.indirect.gather [hbm4b:s4+s13], $0x10, s26, s13, $0xb8;
	[tilespmem:$0x1E000] =	vst v63  }
0x4c: {  	s26 =	simm.s32 $0x1000  }
0x4d: {  	[tilespmem:s16], [sflag:$0x2] =	stream.indirect.gather [hbm4b:s4+s13], $0x10, s26, s13, $0xb8;
	[tilespmem:$0x1E000] =	vst v63  }
0x4e: {  	s26 =	simm.s32 $0x1200  }
0x4f: {  	[tilespmem:s20], [sflag:$0x2] =	stream.indirect.gather [hbm4b:s4+s13], $0x10, s26, s13, $0xb8;
	[tilespmem:$0x1E000] =	vst v63  }
0x50: {  	_ =	swait.ge [sflag:s23], $0x2000  }
0x51: {  	[sflag:s23] =	ssyncset.done $0x0  }
0x52: {  	[sflag:s23] =	ssyncadd.s32 $0xFFFFE000  }
0x53: {  	_ =	swait.ge [sflag:s23], $0x2000  }
0x54: {  	[sflag:s23] =	ssyncset.done $0x0  }
0x55: {  	[sflag:s23] =	ssyncadd.s32 $0xFFFFE000  }
0x56: {  	_ =	swait.ge [sflag:s23], $0x2000  }
0x57: {  	[sflag:s23] =	ssyncset.done $0x0  }
0x58: {  	[sflag:s23] =	ssyncadd.s32 $0xFFFFE000  }
0x59: {  	_ =	swait.ge [sflag:s23], $0x2000  }
0x5a: {  	[sflag:s23] =	ssyncset.done $0x0  }
0x5b: {  	[sflag:s23] =	ssyncadd.s32 $0xFFFFE000  }
0x5c: {  	_ =	swait.ge [sflag:s23], $0x2000  }
0x5d: {  	[sflag:s23] =	ssyncset.done $0x0  }
0x5e: {  	s26 =	simm.s32 $0x3200;
	[sflag:s23] =	ssyncadd.s32 $0xFFFFE000  }
0x5f: {  	[spmem:s2] =	stream.indirect.scatter.add.f32 [tilespmem:s29], [sflag:$0x4], $0x10, s26, s13, $0xb8;
	[tilespmem:$0x1E000] =	vst v63  }
0x60: {  	s26 =	simm.s32 $0x3400  }
0x61: {  	[spmem:s2] =	stream.indirect.scatter.add.f32 [tilespmem:s31], [sflag:$0x4], $0x10, s26, s13, $0xb8;
	[tilespmem:$0x1E000] =	vst v63  }
0x62: {  	s26 =	simm.s32 $0x3600  }
0x63: {  	[spmem:s2] =	stream.indirect.scatter.add.f32 [tilespmem:s10], [sflag:$0x4], $0x10, s26, s13, $0xb8;
	[tilespmem:$0x1E000] =	vst v63  }
0x64: {  	s26 =	simm.s32 $0x3800  }
0x65: {  	[spmem:s2] =	stream.indirect.scatter.add.f32 [tilespmem:s16], [sflag:$0x4], $0x10, s26, s13, $0xb8;
	[tilespmem:$0x1E000] =	vst v63  }
0x66: {  	s26 =	simm.s32 $0x3A00  }
0x67: {  	[spmem:s2] =	stream.indirect.scatter.add.f32 [tilespmem:s20], [sflag:$0x4], $0x10, s26, s13, $0xb8;
	[tilespmem:$0x1E000] =	vst v63  }
0x68: {  	_ =	swait.ge [sflag:s1], $0x2000  }
0x69: {  	[sflag:s1] =	ssyncset.done $0x0  }
0x6a: {  	[sflag:s1] =	ssyncadd.s32 $0xFFFFE000  }
0x6b: {  	_ =	swait.ge [sflag:s1], $0x2000  }
0x6c: {  	[sflag:s1] =	ssyncset.done $0x0  }
0x6d: {  	[sflag:s1] =	ssyncadd.s32 $0xFFFFE000  }
0x6e: {  	_ =	swait.ge [sflag:s1], $0x2000  }
0x6f: {  	[sflag:s1] =	ssyncset.done $0x0  }
0x70: {  	[sflag:s1] =	ssyncadd.s32 $0xFFFFE000  }
0x71: {  	_ =	swait.ge [sflag:s1], $0x2000  }
0x72: {  	[sflag:s1] =	ssyncset.done $0x0  }
0x73: {  	[sflag:s1] =	ssyncadd.s32 $0xFFFFE000  }
0x74: {  	_ =	swait.ge [sflag:s1], $0x2000  }
0x75: {  	[sflag:s1] =	ssyncset.done $0x0  }
0x76: {  	s26 =	simm.s32 $0x1400;
	[sflag:s1] =	ssyncadd.s32 $0xFFFFE000  }
0x77: {  	[tilespmem:s14], [sflag:$0x1] =	stream.indirect.gather [hbm4b:s4+s13], $0x10, s26, s13, $0xb8;
	[tilespmem:$0x1E000] =	vst v63  }
0x78: {  	s26 =	simm.s32 $0x1600  }
0x79: {  	[tilespmem:s15], [sflag:$0x1] =	stream.indirect.gather [hbm4b:s4+s13], $0x10, s26, s13, $0xb8;
	[tilespmem:$0x1E000] =	vst v63  }
0x7a: {  	s26 =	simm.s32 $0x1800  }
0x7b: {  	[tilespmem:s17], [sflag:$0x1] =	stream.indirect.gather [hbm4b:s4+s13], $0x10, s26, s13, $0xb8;
	[tilespmem:$0x1E000] =	vst v63  }
0x7c: {  	s26 =	simm.s32 $0x1A00  }
0x7d: {  	[tilespmem:s19], [sflag:$0x1] =	stream.indirect.gather [hbm4b:s4+s13], $0x10, s26, s13, $0xb8;
	[tilespmem:$0x1E000] =	vst v63  }
0x7e: {  	s26 =	simm.s32 $0x1C00  }
0x7f: {  	[tilespmem:s21], [sflag:$0x1] =	stream.indirect.gather [hbm4b:s4+s13], $0x10, s26, s13, $0xb8;
	[tilespmem:$0x1E000] =	vst v63  }
0x80: {  	_ =	swait.ge [sflag:s22], $0x2000  }
0x81: {  	[sflag:s22] =	ssyncset.done $0x0  }
0x82: {  	[sflag:s22] =	ssyncadd.s32 $0xFFFFE000  }
0x83: {  	_ =	swait.ge [sflag:s22], $0x2000  }
0x84: {  	[sflag:s22] =	ssyncset.done $0x0  }
0x85: {  	[sflag:s22] =	ssyncadd.s32 $0xFFFFE000  }
0x86: {  	_ =	swait.ge [sflag:s22], $0x2000  }
0x87: {  	[sflag:s22] =	ssyncset.done $0x0  }
0x88: {  	[sflag:s22] =	ssyncadd.s32 $0xFFFFE000  }
0x89: {  	_ =	swait.ge [sflag:s22], $0x2000  }
0x8a: {  	[sflag:s22] =	ssyncset.done $0x0  }
0x8b: {  	[sflag:s22] =	ssyncadd.s32 $0xFFFFE000  }
0x8c: {  	_ =	swait.ge [sflag:s22], $0x2000  }
0x8d: {  	[sflag:s22] =	ssyncset.done $0x0  }
0x8e: {  	s26 =	simm.s32 $0x3C00;
	[sflag:s22] =	ssyncadd.s32 $0xFFFFE000  }
0x8f: {  	[spmem:s2] =	stream.indirect.scatter.add.f32 [tilespmem:s14], [sflag:$0x3], $0x10, s26, s13, $0xb8;
	[tilespmem:$0x1E000] =	vst v63  }
0x90: {  	s26 =	simm.s32 $0x3E00  }
0x91: {  	[spmem:s2] =	stream.indirect.scatter.add.f32 [tilespmem:s15], [sflag:$0x3], $0x10, s26, s13, $0xb8;
	[tilespmem:$0x1E000] =	vst v63  }
0x92: {  	s26 =	simm.s32 $0x4000  }
0x93: {  	[spmem:s2] =	stream.indirect.scatter.add.f32 [tilespmem:s17], [sflag:$0x3], $0x10, s26, s13, $0xb8;
	[tilespmem:$0x1E000] =	vst v63  }
0x94: {  	s26 =	simm.s32 $0x4200  }
0x95: {  	[spmem:s2] =	stream.indirect.scatter.add.f32 [tilespmem:s19], [sflag:$0x3], $0x10, s26, s13, $0xb8;
	[tilespmem:$0x1E000] =	vst v63  }
0x96: {  	s26 =	simm.s32 $0x4400  }
0x97: {  	[spmem:s2] =	stream.indirect.scatter.add.f32 [tilespmem:s21], [sflag:$0x3], $0x10, s26, s13, $0xb8;
	[tilespmem:$0x1E000] =	vst v63  }
0x98: {  	_ =	swait.ge [sflag:s25], $0x2000  }
0x99: {  	[sflag:s25] =	ssyncset.done $0x0  }
0x9a: {  	[sflag:s25] =	ssyncadd.s32 $0xFFFFE000  }
0x9b: {  	_ =	swait.ge [sflag:s25], $0x2000  }
0x9c: {  	[sflag:s25] =	ssyncset.done $0x0  }
0x9d: {  	[sflag:s25] =	ssyncadd.s32 $0xFFFFE000  }
0x9e: {  	_ =	swait.ge [sflag:s25], $0x2000  }
0x9f: {  	[sflag:s25] =	ssyncset.done $0x0  }
0xa0: {  	[sflag:s25] =	ssyncadd.s32 $0xFFFFE000  }
0xa1: {  	_ =	swait.ge [sflag:s25], $0x2000  }
0xa2: {  	[sflag:s25] =	ssyncset.done $0x0  }
0xa3: {  	[sflag:s25] =	ssyncadd.s32 $0xFFFFE000  }
0xa4: {  	_ =	swait.ge [sflag:s25], $0x2000  }
0xa5: {  	[sflag:s25] =	ssyncset.done $0x0  }
0xa6: {  	s26 =	simm.s32 $0x1E00;
	[sflag:s25] =	ssyncadd.s32 $0xFFFFE000  }
0xa7: {  	[tilespmem:s29], [sflag:$0x2] =	stream.indirect.gather [hbm4b:s4+s13], $0x10, s26, s13, $0xb8;
	[tilespmem:$0x1E000] =	vst v63  }
0xa8: {  	s26 =	simm.s32 $0x2000  }
0xa9: {  	[tilespmem:s31], [sflag:$0x2] =	stream.indirect.gather [hbm4b:s4+s13], $0x10, s26, s13, $0xb8;
	[tilespmem:$0x1E000] =	vst v63  }
0xaa: {  	s26 =	simm.s32 $0x2200  }
0xab: {  	[tilespmem:s10], [sflag:$0x2] =	stream.indirect.gather [hbm4b:s4+s13], $0x10, s26, s13, $0xb8;
	[tilespmem:$0x1E000] =	vst v63  }
0xac: {  	s26 =	simm.s32 $0x2400  }
0xad: {  	[tilespmem:s16], [sflag:$0x2] =	stream.indirect.gather [hbm4b:s4+s13], $0x10, s26, s13, $0xb8;
	[tilespmem:$0x1E000] =	vst v63  }
0xae: {  	s26 =	simm.s32 $0x2600  }
0xaf: {  	[tilespmem:s20], [sflag:$0x2] =	stream.indirect.gather [hbm4b:s4+s13], $0x10, s26, s13, $0xb8;
	[tilespmem:$0x1E000] =	vst v63  }
0xb0: {  	_ =	swait.ge [sflag:s23], $0x2000  }
0xb1: {  	[sflag:s23] =	ssyncset.done $0x0  }
0xb2: {  	[sflag:s23] =	ssyncadd.s32 $0xFFFFE000  }
0xb3: {  	_ =	swait.ge [sflag:s23], $0x2000  }
0xb4: {  	[sflag:s23] =	ssyncset.done $0x0  }
0xb5: {  	[sflag:s23] =	ssyncadd.s32 $0xFFFFE000  }
0xb6: {  	_ =	swait.ge [sflag:s23], $0x2000  }
0xb7: {  	[sflag:s23] =	ssyncset.done $0x0  }
0xb8: {  	[sflag:s23] =	ssyncadd.s32 $0xFFFFE000  }
0xb9: {  	_ =	swait.ge [sflag:s23], $0x2000  }
0xba: {  	[sflag:s23] =	ssyncset.done $0x0  }
0xbb: {  	[sflag:s23] =	ssyncadd.s32 $0xFFFFE000  }
0xbc: {  	_ =	swait.ge [sflag:s23], $0x2000  }
0xbd: {  	[sflag:s23] =	ssyncset.done $0x0  }
0xbe: {  	s26 =	simm.s32 $0x4600;
	[sflag:s23] =	ssyncadd.s32 $0xFFFFE000  }
0xbf: {  	[spmem:s2] =	stream.indirect.scatter.add.f32 [tilespmem:s29], [sflag:$0x4], $0x10, s26, s13, $0xb8;
	[tilespmem:$0x1E000] =	vst v63  }
0xc0: {  	s26 =	simm.s32 $0x4800  }
0xc1: {  	[spmem:s2] =	stream.indirect.scatter.add.f32 [tilespmem:s31], [sflag:$0x4], $0x10, s26, s13, $0xb8;
	[tilespmem:$0x1E000] =	vst v63  }
0xc2: {  	_ = 	snop  }
0xc3: {  	[spmem:s2] =	stream.indirect.scatter.add.f32 [tilespmem:s10], [sflag:$0x4], $0x10, s28, s13, $0xb8;
	[tilespmem:$0x1E000] =	vst v63  }
0xc4: {  	_ = 	snop  }
0xc5: {  	[spmem:s2] =	stream.indirect.scatter.add.f32 [tilespmem:s16], [sflag:$0x4], $0x10, s30, s13, $0xb8;
	[tilespmem:$0x1E000] =	vst v63  }
0xc6: {  	_ = 	snop  }
0xc7: {  	[spmem:s2] =	stream.indirect.scatter.add.f32 [tilespmem:s20], [sflag:$0x4], $0x10, s0, s13, $0xb8;
	[tilespmem:$0x1E000] =	vst v63  }
0xc8: {  	_ =	swait.ge [sflag:s1], $0x2000  }
0xc9: {  	[sflag:s1] =	ssyncset.done $0x0  }
0xca: {  	[sflag:s1] =	ssyncadd.s32 $0xFFFFE000  }
0xcb: {  	_ =	swait.ge [sflag:s1], $0x2000  }
0xcc: {  	[sflag:s1] =	ssyncset.done $0x0  }
0xcd: {  	[sflag:s1] =	ssyncadd.s32 $0xFFFFE000  }
0xce: {  	_ =	swait.ge [sflag:s1], $0x2000  }
0xcf: {  	[sflag:s1] =	ssyncset.done $0x0  }
0xd0: {  	[sflag:s1] =	ssyncadd.s32 $0xFFFFE000  }
0xd1: {  	_ =	swait.ge [sflag:s1], $0x2000  }
0xd2: {  	[sflag:s1] =	ssyncset.done $0x0  }
0xd3: {  	[sflag:s1] =	ssyncadd.s32 $0xFFFFE000  }
0xd4: {  	_ =	swait.ge [sflag:s1], $0x2000  }
0xd5: {  	[sflag:s1] =	ssyncset.done $0x0  }
0xd6: {  	[sflag:s1] =	ssyncadd.s32 $0xFFFFE000  }
0xd7: {  	_ =	swait.ge [sflag:s25], $0x2000  }
0xd8: {  	[sflag:s25] =	ssyncset.done $0x0  }
0xd9: {  	[sflag:s25] =	ssyncadd.s32 $0xFFFFE000  }
0xda: {  	_ =	swait.ge [sflag:s25], $0x2000  }
0xdb: {  	[sflag:s25] =	ssyncset.done $0x0  }
0xdc: {  	[sflag:s25] =	ssyncadd.s32 $0xFFFFE000  }
0xdd: {  	_ =	swait.ge [sflag:s25], $0x2000  }
0xde: {  	[sflag:s25] =	ssyncset.done $0x0  }
0xdf: {  	[sflag:s25] =	ssyncadd.s32 $0xFFFFE000  }
0xe0: {  	_ =	swait.ge [sflag:s25], $0x2000  }
0xe1: {  	[sflag:s25] =	ssyncset.done $0x0  }
0xe2: {  	[sflag:s25] =	ssyncadd.s32 $0xFFFFE000  }
0xe3: {  	s18 =	sadd.s32 $0x1, s18;
	_ =	swait.ge [sflag:s25], $0x2000  }
0xe4: {  	p0 =	sne.s32 s18, s9;
	s26 =	stileid.u32;
	[sflag:s25] =	ssyncset.done $0x0  }
0xe5: {  	s24 =	sshll.u32 s26, $0x6;
	s26 =	sshrl.u32 s5, $0x3;
	[sflag:s25] =	ssyncadd.s32 $0xFFFFE000  }
.Ltmp1:
0xe6: {  	s24 =	sor.u32 $0x1C05, s24;
	[bflag:$0x0] =	sbarrier.arrive $0xFFFF;
	(pc) =	sbr.rel @p0 .LBB2_1-.Ltmp1, $4  }
0xe7: {  	[hbm:s8], [sflag:s24] =	dma.local [spmem:s26], $0x500  }
0xe8: {  	_ =	swait.ge [sflag:s11], $0x500  }
0xe9: {  	[sflag:s11] =	ssyncset.done $0x0  }
0xea: {  	[sflag:s11] =	ssyncadd.s32 $0xFFFFFB00  }
0xeb: {  	_ =	sfence.sel $0x180000  }
0xec: {  	[bflag:$0x0] =	sbarrier.arrive $0xFFFF  }
0xed: {  	_ =	strace $0x9000004A  }
0xee: {  	s0 =	stileid.u32;
	[bflag:$0x2] =	sbarrier.arrive $0xFFFF  }
0xef: {  	p0 =	sne.s32 s0, $0x0;
	s0 =	rddreg [dreg:$0x2]  }
0xf0: {  	s0 =	sadd.s32 @!p0 $0x100000, s0  }
0xf1: {  	[sflag:s0] =	ssyncadd.tile.s32 @!p0 $0x1;
	_ =	shalt  }
.Lfunc_end2:
_tile_overlayer_lowered:
.L_overlay_start_2:
0xf2: {  	(tag) =	ssettag $0x2  }
0xf3: {  	s0 =	rddreg [dreg:$0x0];
	s2 =	stileid.u32  }
0xf4: {  	s1 =	rddreg [dreg:$0x1];
	p0 =	sne.s32 s2, $0x0  }
0xf5: {  	s3 =	rddreg [dreg:$0x2];
	[bflag:$0x3] =	sbarrier.arrive $0xFFFF;
	s2 =	simm.s32 @!p0 $0x1C05  }
0xf6: {  	[timem:s3], [sflag:s2] =	dma.local @!p0 [hbm:s0], s1  }
0xf7: {  	s0 =	simm.s32 @!p0 $0x5  }
0xf8: {  	_ =	swait.ge @!p0 [sflag:s0], s1  }
0xf9: {  	s1 =	ssub.s32 @!p0 $0x0, s1;
	[sflag:s0] =	ssyncset.done @!p0 $0x0  }
0xfa: {  	[sflag:s0] =	ssyncadd.s32 @!p0 s1  }
0xfb: {  	[bflag:$0x3] =	sbarrier.arrive $0xFFFF  }
0xfc: {  	_ =	shalt  }

// kernel: kernel.13.cloned.1.call-start
scs
__scs_entry_jumppad:
0x0: {  	(pc) =	sbr.rel $0x88, $3  }
0x1: {  	(tag) =	ssettag $0x0;
	lr =	simm.s32 $0x1  }
0x2: {  	[smem:$0x3F9D] =	sst lr;
	_ =	strace $0xD0000000  }
0x3: {  	_ = 	snop  }
0x4: {  	_ = 	snop  }
0x5: {  	_ = 	snop  }
0x6: {  	_ = 	snop  }
0x7: {  	_ = 	snop  }
__scs_overlays_trampoline_lowered:
0x8: {  	[smem:$0x3FAC] =	sst s0  }
0x9: {  	[smem:$0x3FAD] =	sst s1  }
0xa: {  	[smem:$0x3FAE] =	sst s2  }
0xb: {  	[smem:$0x3FAF] =	sst s3  }
0xc: {  	[smem:$0x3FB0] =	sst s4  }
0xd: {  	[smem:$0x3FB1] =	sst s5  }
0xe: {  	[smem:$0x3FB2] =	sst s6  }
0xf: {  	[smem:$0x3FB3] =	sst s7  }
0x10: {  	[smem:$0x3FB4] =	sst s8  }
0x11: {  	[smem:$0x3FB5] =	sst s9;
	s0 =	simm.s32 @!p0 $0x0  }
0x12: {  	s1 =	sld [smem:$0x3F9B];
	s0 =	simm.s32 @p0 $0x1  }
0x13: {  	[smem:$0x3FB6] =	sst s0;
	s0 =	simm.s32 @!p1 $0x0  }
0x14: {  	s2 =	sld [smem:$0x3F9A];
	s0 =	simm.s32 @p1 $0x1  }
0x15: {  	[smem:$0x3FB7] =	sst s0;
	s0 =	simm.s32 @!p2 $0x0  }
0x16: {  	s3 =	sld [smem:$0x3FDB];
	s0 =	simm.s32 @p2 $0x1  }
0x17: {  	s4 =	simm.s32 $0x1BF5;
	[smem:$0x3FB9] =	sst s0  }
0x18: {  	s0 =	sld [smem:$0x3F9C];
	_ =	swait.ge [sflag:s4], $0x0  }
0x19: {  	s7 =	sld [smem:$0x3F9D]  }
0x1a: {  	s8 =	sadd.s32 $0xFFFFE003, lr  }
0x1b: {  	s9 =	sadd.s32 $0xFFFFFEF7, lr;
	s5 =	simm.s32 $0xFFFFFFFF;
	p2 =	slt.u32 s8, $0xFFFFF086  }
0x1c: {  	p1 =	slt.u32 s9, $0xF7A;
	s5 =	simm.s32 @!p2 $0x0  }
0x1d: {  	s5 =	simm.s32 @p1 $0x1;
	p0 =	seq.s32 s7, s2  }
0x1e: {  	s7 =	smul.u32 @!p0 $0xF7A, s2;
	p2 =	seq.s32 @!p0 s5, $0x0  }
0x1f: {  	s9 =	smul.u32 $0xF7A, s1;
	s8 =	simm.s32 @!p0 $0x1BF5;
	p2 =	por !p2, p0  }
0x20: {  	[sflag:s8] =	ssyncset.s32 @!p0 $0xFFFFF086;
	s6 =	sadd.s32 @!p0 s3, s7;
	s7 =	simm.s32 @!p0 $0x108  }
0x21: {  	s3 =	sadd.s32 s3, s9;
	s6 =	sadd.s32 @!p0 $0x88, s6;
	s7 =	simm.s32 @p2 $0x1082  }
0x22: {  	[simem:s7], [sflag:s8] =	dma.local @!p0 [hbm:s6], $0xF7A  }
0x23: {  	s9 =	sor.u32 $0xD0000000, s2;
	s6 =	simm.s32 $0x108;
	_ =	swait.ge @!p0 [sflag:s8], $0x0  }
0x24: {  	s3 =	sadd.s32 $0x88, s3;
	s6 =	simm.s32 @!p1 $0x1082;
	[sflag:s4] =	ssyncset.s32 $0xFFFFF086  }
0x25: {  	[simem:s6], [sflag:s4] =	dma.local [hbm:s3], $0xF7A  }
0x26: {  	[smem:$0x3F9D] =	sst s1;
	(tag) =	ssettag s2;
	_ =	strace s9  }
0x27: {  	s1 =	sld [smem:$0x3FAD]  }
0x28: {  	s2 =	sld [smem:$0x3FAE]  }
0x29: {  	s4 =	sld [smem:$0x3FB0]  }
0x2a: {  	p0 =	seq.s32 s5, $0x0;
	s5 =	sld [smem:$0x3FB1]  }
0x2b: {  	s6 =	sld [smem:$0x3FB2]  }
0x2c: {  	s7 =	sld [smem:$0x3FB3]  }
0x2d: {  	s3 =	simm.s32 $0x108;
	s8 =	sld [smem:$0x3FB4]  }
0x2e: {  	s3 =	simm.s32 @!p0 $0x1082;
	s9 =	sld [smem:$0x3FB5]  }
0x2f: {  	lr =	sadd.s32 s0, s3;
	s0 =	sld [smem:$0x3FAC]  }
0x30: {  	s3 =	sld [smem:$0x3FAF]  }
0x31: {  	[smem:$0x3FB8] =	sst s10  }
0x32: {  	s10 =	sld [smem:$0x3FB6];
	_ =	sdelay $0x3  }
0x33: {  	p0 =	seq.s32 s10, $0x1;
	s10 =	sld [smem:$0x3FB8];
	_ =	sdelay $0x3  }
0x34: {  	[smem:$0x3FB8] =	sst s10  }
0x35: {  	s10 =	sld [smem:$0x3FB7];
	_ =	sdelay $0x3  }
0x36: {  	p1 =	seq.s32 s10, $0x1;
	s10 =	sld [smem:$0x3FB8];
	_ =	sdelay $0x3  }
0x37: {  	[smem:$0x3FB8] =	sst s10  }
0x38: {  	s10 =	sld [smem:$0x3FB9]  }
0x39: {  	_ = 	snop;
	(pc) =	sbr.ind lr, $3  }
0x3a: {  	_ = 	snop  }
0x3b: {  	_ = 	snop  }
0x3c: {  	p2 =	seq.s32 s10, $0x1;
	s10 =	sld [smem:$0x3FB8]  }
0x3d: {  	_ =	shalt  }
0x3e: {  	_ =	shalt  }
0x3f: {  	_ =	shalt  }
0x40: {  	_ =	shalt  }
0x41: {  	_ =	shalt  }
0x42: {  	_ =	shalt  }
0x43: {  	_ =	shalt  }
0x44: {  	_ =	shalt  }
0x45: {  	_ =	shalt  }
0x46: {  	_ =	shalt  }
0x47: {  	_ =	shalt  }
0x48: {  	_ =	shalt  }
0x49: {  	_ =	shalt  }
0x4a: {  	_ =	shalt  }
0x4b: {  	_ =	shalt  }
0x4c: {  	_ =	shalt  }
0x4d: {  	_ =	shalt  }
0x4e: {  	_ =	shalt  }
0x4f: {  	_ =	shalt  }
0x50: {  	_ =	shalt  }
0x51: {  	_ =	shalt  }
0x52: {  	_ =	shalt  }
0x53: {  	_ =	shalt  }
0x54: {  	_ =	shalt  }
0x55: {  	_ =	shalt  }
0x56: {  	_ =	shalt  }
0x57: {  	_ =	shalt  }
0x58: {  	_ =	shalt  }
0x59: {  	_ =	shalt  }
0x5a: {  	_ =	shalt  }
0x5b: {  	_ =	shalt  }
0x5c: {  	_ =	shalt  }
0x5d: {  	_ =	shalt  }
0x5e: {  	_ =	shalt  }
0x5f: {  	_ =	shalt  }
0x60: {  	_ =	shalt  }
0x61: {  	_ =	shalt  }
0x62: {  	_ =	shalt  }
0x63: {  	_ =	shalt  }
0x64: {  	_ =	shalt  }
0x65: {  	_ =	shalt  }
0x66: {  	_ =	shalt  }
0x67: {  	_ =	shalt  }
0x68: {  	_ =	shalt  }
0x69: {  	_ =	shalt  }
0x6a: {  	_ =	shalt  }
0x6b: {  	_ =	shalt  }
0x6c: {  	_ =	shalt  }
0x6d: {  	_ =	shalt  }
0x6e: {  	_ =	shalt  }
0x6f: {  	_ =	shalt  }
0x70: {  	_ =	shalt  }
0x71: {  	_ =	shalt  }
0x72: {  	_ =	shalt  }
0x73: {  	_ =	shalt  }
0x74: {  	_ =	shalt  }
0x75: {  	_ =	shalt  }
0x76: {  	_ =	shalt  }
0x77: {  	_ =	shalt  }
0x78: {  	_ =	shalt  }
0x79: {  	_ =	shalt  }
0x7a: {  	_ =	shalt  }
0x7b: {  	_ =	shalt  }
0x7c: {  	_ =	shalt  }
0x7d: {  	_ =	shalt  }
0x7e: {  	_ =	shalt  }
0x7f: {  	_ =	shalt  }
0x80: {  	_ =	shalt  }
0x81: {  	_ =	shalt  }
0x82: {  	_ =	shalt  }
0x83: {  	_ =	shalt  }
0x84: {  	_ =	shalt  }
0x85: {  	_ =	shalt  }
0x86: {  	_ =	shalt  }
0x87: {  	_ =	shalt  }
.Lfunc_end0:
.L_simem_size_0:
called_computation.2_lowered:
.L_overlay_start_0:
0x88: {  	s2 =	sld [smem:$0x3FD9]  }
0x89: {  	s3 =	sld [smem:$0x3FFE];
	_ =	sdelay $0x1  }
0x8a: {  	s1 =	srdreg.scid  }
0x8b: {  	s0 =	sand.u32 $0x1, s1  }
0x8c: {  	s16 =	sshll.u32 s0, $0xA;
	s2 =	sadd.s32 s3, s2  }
0x8d: {  	s2 =	sadd.s32 s2, s16  }
0x8e: {  	[smem:$0x3FC4] =	sst s2  }
0x8f: {  	_ = 	snop  }
0x90: {  	(tm) =	ssettm $0x1  }
0x91: {  	s17 =	sld [smem:$0x3FFB];
	_ =	sdelay $0x3  }
0x92: {  	_ =	strace s17  }
0x93: {  	s2 =	sld [smem:$0x3FFC];
	_ =	sdelay $0x3  }
0x94: {  	_ =	strace s2  }
0x95: {  	s2 =	sld [smem:$0x3FFD];
	_ =	sdelay $0x3  }
0x96: {  	_ =	strace s2  }
0x97: {  	_ =	strace $0x8FFFFFFF  }
0x98: {  	s18 =	sld [smem:$0x3FDB];
	_ =	sdelay $0x1  }
0x99: {  	s19 =	simm.s32 $_scs_section_size  }
0x9a: {  	s4 =	simm.s32 $_size__tile_overlayer_lowered;
	s5 =	simm.s32 $_tile_overlayer_lowered  }
0x9b: {  	s22 =	simm.s32 $0x1BFF;
	s21 =	sshll.u32 s5, $0x1;
	s2 =	sadd.s32 s19, s18  }
0x9c: {  	s6 =	simm.s32 $0x0;
	s20 =	sshll.u32 s4, $0x1;
	s4 =	sadd.s32 s21, s2  }
0x9d: {  	[timem:s6], [sflag:s22] =	dma.local [hbm:s4], s20  }
0x9e: {  	_ =	swait.ge [sflag:s22], s20  }
0x9f: {  	s3 =	ssub.s32 $0x0, s20;
	[sflag:s22] =	ssyncset.done $0x0  }
0xa0: {  	[sflag:s22] =	ssyncadd.s32 s3;
	_ =	sdelay $0x1  }
0xa1: {  	s23 =	simm.s32 $0x1B8B  }
0xa2: {  	_ =	swait.ge [sflag:s23], $0x1  }
0xa3: {  	[sflag:s23] =	ssyncset.done $0x0  }
0xa4: {  	s25 =	simm.s32 $0x1B8E;
	s24 =	sld [smem:$0x3FFE];
	[sflag:s23] =	ssyncadd.s32 $0xFFFFFFFF  }
0xa5: {  	s26 =	simm.s32 $execute0_lowered;
	[smem:$0x3FD2] =	sst s25  }
0xa6: {  	s4 =	sshll.u32 s26, $0x1;
	_ =	strace $0x8000004C;
	[dreg:$0x1] =	wrdreg $0xFFFFFFFF  }
0xa7: {  	s28 =	simm.s32 $_size_execute0_lowered;
	s2 =	sadd.s32 s2, s4;
	[dreg:$0x0] =	wrdreg $0x0  }
0xa8: {  	s4 =	sshll.u32 s28, $0x1;
	[dreg:$0x2] =	wrdreg s2  }
0xa9: {  	[dreg:$0x3] =	wrdreg s4  }
0xaa: {  	[dreg:$0x4] =	wrdreg $0xC0  }
0xab: {  	_ =	task [dreg:s6], $0x5FFFF  }
0xac: {  	[dreg:$0x1] =	wrdreg $0xFFFFFFFF  }
0xad: {  	[dreg:$0x0] =	wrdreg $0x60  }
0xae: {  	[dreg:$0x2] =	wrdreg s24  }
0xaf: {  	[dreg:$0x3] =	wrdreg $0x198000  }
0xb0: {  	[dreg:$0x4] =	wrdreg $0x170000  }
0xb1: {  	[dreg:$0x5] =	wrdreg $0x9  }
0xb2: {  	_ =	task.clear_ibuf [dreg:s6], $0x6FFFF;
	_ =	strace $0x9000004C  }
0xb3: {  	s29 =	simm.s32 $0x9;
	_ =	strace $0x8000004E  }
0xb4: {  	_ =	swait.ge [sflag:s29], $0x1  }
0xb5: {  	[sflag:s29] =	ssyncadd.s32 $0xFFFFFFFF  }
0xb6: {  	_ =	strace $0x9000004E  }
0xb7: {  	_ =	sfence  }
0xb8: {  	s30 =	sld [smem:$0x0];
	_ =	sdelay $0x2  }
0xb9: {  	s31 =	sshll.u32 s1, $0xD;
	s1 =	sshrl.u32 s1, $0x2  }
0xba: {  	s3 =	sand.u32 $0x4000, s31;
	s1 =	sadd.s32 s1, s30  }
0xbb: {  	s0 =	sor.u32 s3, s0;
	s1 =	sshll.u32 s1, $0x11  }
0xbc: {  	s0 =	sor.u32 s1, s0  }
0xbd: {  	s0 =	sadd.s32 $0x8F2B, s0  }
0xbe: {  	[sflag:s0] =	ssyncadd.remote.s32 $0x1  }
0xbf: {  	_ =	sfence.sel $0xFFFF  }
0xc0: {  	[dreg:$0x0] =	wrdreg $0xFFFFFFFF;
	(pc) =	sbr.abs _section_cstart, $3  }
0xc1: {  	[dreg:$0x1] =	wrdreg $0xFFFFFFFF  }
0xc2: {  	_ =	task.clear_ibuf [dreg:s6], $0x2FFFF;
	_ =	strace $0x9FFFFFFF  }
0xc3: {  	(tm) =	ssettm $0x7FFFFFFF  }
tec
execute0_lowered:
.L_overlay_start_1:
0x0: {  	(tag) =	ssettag $0x1  }
0x1: {  	s0 =	rddreg [dreg:$0x0]  }
0x2: {  	s2 =	rddreg [dreg:$0x1]  }
0x3: {  	s3 =	rddreg [dreg:$0x2];
	s7 =	stileid.u32  }
0x4: {  	s1 =	srdreg.scid;
	s5 =	simm.s32 $0x0;
	s15 =	simm.s32 $0xF800  }
0x5: {  	s16 =	simm.s32 $0x5;
	s17 =	simm.s32 $0x2800;
	s18 =	simm.s32 $0xD000  }
0x6: {  	s21 =	simm.s32 $0x1;
	s22 =	simm.s32 $0x200;
	s28 =	simm.s32 $0x9000  }
0x7: {  	s30 =	simm.s32 $0xB000;
	s31 =	simm.s32 $0x2;
	s19 =	simm.s32 $0x3  }
0x8: {  	s29 =	simm.s32 $0x4;
	s20 =	simm.s32 $0x4C00;
	s4 =	smul.u32 $0x2800, s7  }
0x9: {  	s1 =	sand.u32 $0x1, s1;
	[smem:$0x7FF] =	sst s5;
	s6 =	smul.u32 $0x500, s7  }
0xa: {  	s23 =	sshll.u32 s1, $0x4;
	_ =	strace $0x8000004D;
	s24 =	smul.u32 $0x5000, s1  }
0xb: {  	s1 =	ssub.s32 $0x2, s1;
	s5 =	sor.u32 s7, s23;
	s8 =	sshrl.u32 s4, $0x3  }
0xc: {  	s25 =	sshrl.u32 s1, $0x1;
	s12 =	sadd.s32 s4, s3;
	s23 =	simm.s32 $0x5000  }
0xd: {  	s5 =	smul.u32 $0x500, s5;
	s11 =	sadd.s32 s8, s0;
	s6 =	sadd.s32 s6, s24  }
0xe: {  	s1 =	ssub.s32 s1, s25;
	s24 =	simm.s32 $0x7000;
	s25 =	simm.s32 $0x0  }
0xf: {  	s8 =	sadd.s32 $0x1AA00, s11;
	s9 =	sadd.s32 $0x1FA00, s11;
	s10 =	sadd.s32 $0x15A00, s11  }
0x10: {  	s11 =	sadd.s32 $0x24A00, s11;
	s14 =	smax.u32 s1, $0x1;
	s1 =	simm.s32 $0x4E00  }
0x11: {  	s26 =	sadd.s32 s5, s0;
	s0 =	sadd.s32 s6, s0;
	s5 =	sadd.s32 s4, s2  }
0x12: {  	v0 =	vimm.f32 $0.0e+00;
	s6 =	sadd.s32 $0xBA00, s26;
	s7 =	sadd.s32 $0x1A00, s26;
	s13 =	sadd.s32 $0x29A00, s0  }
.LBB2_1:
0x13: {  	s0 =	simm.s32 $0x40;
	s26 =	simm.s32 $0x0  }
.LBB2_2:
0x14: {  	p0 =	sne.s32 s0, $0x9FC0;
	[tilespmem:s26+$0xF800] =	vst v0;
	s26 =	smov.u32 s0;
	s0 =	sadd.s32 $0x40, s0  }
.Ltmp0:
0x15: {  	(pc) =	sbr.rel @p0 .LBB2_2-.Ltmp0, $2  }
0x16: {  	_ =	sdelay $0x2  }
0x17: {  	s26 =	sshra.s32 s26, $0x2  }
0x18: {  	[tilespmem:s26+$0xF800] =	vst v0  }
0x19: {  	[spmem:s5] =	stream.linear.scatter [tilespmem:s15], [sflag:$0x5], $0x2800, $0x38;
	[tilespmem:$0x1C000] =	vst v63  }
0x1a: {  	_ =	swait.ge [sflag:s16], $0x2800  }
0x1b: {  	[sflag:s16] =	ssyncset.done $0x0  }
0x1c: {  	s0 =	simm.s32 $0x0;
	[sflag:s16] =	ssyncadd.s32 $0xFFFFD800  }
0x1d: {  	[tilespmem:s0], [sflag:$0x5] =	stream.linear.gather [hbm4b:s6+s0], $0x2800, $0x38;
	[tilespmem:$0x1C000] =	vst v63  }
0x1e: {  	_ =	swait.ge [sflag:s16], $0x2800  }
0x1f: {  	[sflag:s16] =	ssyncset.done $0x0  }
0x20: {  	[sflag:s16] =	ssyncadd.s32 $0xFFFFD800  }
0x21: {  	[tilespmem:s17], [sflag:$0x5] =	stream.linear.gather [hbm4b:s7+s0], $0x2800, $0x38;
	[tilespmem:$0x1C000] =	vst v63  }
0x22: {  	_ =	swait.ge [sflag:s16], $0x2800  }
0x23: {  	[sflag:s16] =	ssyncset.done $0x0  }
0x24: {  	[sflag:s16] =	ssyncadd.s32 $0xFFFFD800  }
0x25: {  	[tilespmem:s18], [sflag:$0x1] =	stream.linear.gather [hbm4b:s8+s0], $0x2800, $0x38;
	[tilespmem:$0x1C000] =	vst v63  }
0x26: {  	_ = 	snop  }
0x27: {  	[tilespmem:s15], [sflag:$0x1] =	stream.linear.gather [hbm4b:s9+s0], $0x2800, $0x38;
	[tilespmem:$0x1C000] =	vst v63  }
0x28: {  	s4 =	simm.s32 $0x12000  }
0x29: {  	[tilespmem:s4], [sflag:$0x1] =	stream.linear.gather [hbm4b:s10+s0], $0x2800, $0x38;
	[tilespmem:$0x1C000] =	vst v63  }
0x2a: {  	s26 =	simm.s32 $0x14800  }
0x2b: {  	[tilespmem:s26], [sflag:$0x1] =	stream.linear.gather [hbm4b:s11+s0], $0x2800, $0x38;
	[tilespmem:$0x1C000] =	vst v63  }
0x2c: {  	_ =	swait.ge [sflag:s21], $0x2800  }
0x2d: {  	[sflag:s21] =	ssyncset.done $0x0  }
0x2e: {  	[sflag:s21] =	ssyncadd.s32 $0xFFFFD800  }
0x2f: {  	_ =	swait.ge [sflag:s21], $0x2800  }
0x30: {  	[sflag:s21] =	ssyncset.done $0x0  }
0x31: {  	[sflag:s21] =	ssyncadd.s32 $0xFFFFD800  }
0x32: {  	_ =	swait.ge [sflag:s21], $0x2800  }
0x33: {  	[sflag:s21] =	ssyncset.done $0x0  }
0x34: {  	[sflag:s21] =	ssyncadd.s32 $0xFFFFD800  }
0x35: {  	_ =	swait.ge [sflag:s21], $0x2800  }
0x36: {  	[sflag:s21] =	ssyncset.done $0x0  }
0x37: {  	s26 =	simm.s32 $0x0;
	[sflag:s21] =	ssyncadd.s32 $0xFFFFD800  }
0x38: {  	s0 =	simm.s32 $0x40;
	v1 =	vld [tilespmem:s26+$0xF800]  }
.LBB2_4:
0x39: {  	p0 =	sne.s32 s0, $0x9FC0;
	v2 =	vld [tilespmem:s26+$0xD000];
	_ =	sdelay $0x1  }
0x3a: {  	v3 =	vld [tilespmem:s26+$0x12000];
	_ =	sdelay $0x1  }
0x3b: {  	v4 =	vld [tilespmem:s26+$0x14800]  }
0x3c: {  	v1 =	vadd.f32 v1, v2;
	_ =	sdelay $0x1  }
.Ltmp1:
0x3d: {  	v1 =	vadd.f32 v3, v1;
	(pc) =	sbr.rel @p0 .LBB2_4-.Ltmp1, $4  }
0x3e: {  	_ = 	snop  }
0x3f: {  	v2 =	vmul.f32 v4, v1  }
0x40: {  	s4 =	sshra.s32 s0, $0x2  }
0x41: {  	s0 =	sadd.s32 $0x40, s0;
	v1 =	vld [tilespmem:s4+$0xF800];
	[tilespmem:s26+$0xD000] =	vst v2;
	s26 =	smov.u32 s4  }
0x42: {  	v2 =	vld [tilespmem:s26+$0xD000];
	_ =	sdelay $0x1  }
0x43: {  	v3 =	vld [tilespmem:s26+$0x12000];
	_ =	sdelay $0x1  }
0x44: {  	v4 =	vld [tilespmem:s26+$0x14800]  }
0x45: {  	v1 =	vadd.f32 v1, v2;
	_ =	sdelay $0x1  }
0x46: {  	v1 =	vadd.f32 v3, v1;
	_ =	sdelay $0x1  }
0x47: {  	v1 =	vmul.f32 v4, v1;
	_ =	sdelay $0x1  }
0x48: {  	[tilespmem:s26+$0xD000] =	vst v1  }
0x49: {  	[spmem:s12] =	stream.linear.scatter [tilespmem:s18], [sflag:$0x5], $0x2800, $0x38;
	[tilespmem:$0x1C000] =	vst v63  }
0x4a: {  	_ =	swait.ge [sflag:s16], $0x2800  }
0x4b: {  	[sflag:s16] =	ssyncset.done $0x0  }
0x4c: {  	[sflag:s16] =	ssyncadd.s32 $0xFFFFD800  }
0x4d: {  	s0 =	simm.s32 $0x0;
	[bflag:$0x0] =	sbarrier.arrive $0xFFFF  }
0x4e: {  	[tilespmem:s23], [sflag:$0x1] =	stream.indirect.gather [spmem:s3], $0x10, s0, s22, $0xb8;
	[tilespmem:$0x1C000] =	vst v63  }
0x4f: {  	_ = 	snop  }
0x50: {  	[tilespmem:s24], [sflag:$0x1] =	stream.indirect.gather [spmem:s3], $0x10, s22, s22, $0xb8;
	[tilespmem:$0x1C000] =	vst v63  }
0x51: {  	_ =	swait.ge [sflag:s21], $0x2000  }
0x52: {  	[sflag:s21] =	ssyncset.done $0x0  }
0x53: {  	[sflag:s21] =	ssyncadd.s32 $0xFFFFE000  }
0x54: {  	_ =	swait.ge [sflag:s21], $0x2000  }
0x55: {  	[sflag:s21] =	ssyncset.done $0x0  }
0x56: {  	[sflag:s21] =	ssyncadd.s32 $0xFFFFE000  }
0x57: {  	[spmem:s2] =	stream.indirect.scatter.add.f32 [tilespmem:s23], [sflag:$0x3], $0x10, s17, s22, $0xb8;
	[tilespmem:$0x1C000] =	vst v63  }
0x58: {  	s4 =	simm.s32 $0x2A00  }
0x59: {  	[spmem:s2] =	stream.indirect.scatter.add.f32 [tilespmem:s24], [sflag:$0x3], $0x10, s4, s22, $0xb8;
	[tilespmem:$0x1C000] =	vst v63  }
0x5a: {  	s26 =	simm.s32 $0x400  }
0x5b: {  	[tilespmem:s28], [sflag:$0x2] =	stream.indirect.gather [spmem:s3], $0x10, s26, s22, $0xb8;
	[tilespmem:$0x1C000] =	vst v63  }
0x5c: {  	s4 =	simm.s32 $0x600  }
0x5d: {  	[tilespmem:s30], [sflag:$0x2] =	stream.indirect.gather [spmem:s3], $0x10, s4, s22, $0xb8;
	[tilespmem:$0x1C000] =	vst v63  }
0x5e: {  	_ =	swait.ge [sflag:s31], $0x2000  }
0x5f: {  	[sflag:s31] =	ssyncset.done $0x0  }
0x60: {  	[sflag:s31] =	ssyncadd.s32 $0xFFFFE000  }
0x61: {  	_ =	swait.ge [sflag:s31], $0x2000  }
0x62: {  	[sflag:s31] =	ssyncset.done $0x0  }
0x63: {  	s26 =	simm.s32 $0x2C00;
	[sflag:s31] =	ssyncadd.s32 $0xFFFFE000  }
0x64: {  	[spmem:s2] =	stream.indirect.scatter.add.f32 [tilespmem:s28], [sflag:$0x4], $0x10, s26, s22, $0xb8;
	[tilespmem:$0x1C000] =	vst v63  }
0x65: {  	s4 =	simm.s32 $0x2E00  }
0x66: {  	[spmem:s2] =	stream.indirect.scatter.add.f32 [tilespmem:s30], [sflag:$0x4], $0x10, s4, s22, $0xb8;
	[tilespmem:$0x1C000] =	vst v63  }
0x67: {  	_ =	swait.ge [sflag:s19], $0x2000  }
0x68: {  	[sflag:s19] =	ssyncset.done $0x0  }
0x69: {  	[sflag:s19] =	ssyncadd.s32 $0xFFFFE000  }
0x6a: {  	_ =	swait.ge [sflag:s19], $0x2000  }
0x6b: {  	[sflag:s19] =	ssyncset.done $0x0  }
0x6c: {  	s26 =	simm.s32 $0x800;
	[sflag:s19] =	ssyncadd.s32 $0xFFFFE000  }
0x6d: {  	[tilespmem:s23], [sflag:$0x1] =	stream.indirect.gather [spmem:s3], $0x10, s26, s22, $0xb8;
	[tilespmem:$0x1C000] =	vst v63  }
0x6e: {  	s4 =	simm.s32 $0xA00  }
0x6f: {  	[tilespmem:s24], [sflag:$0x1] =	stream.indirect.gather [spmem:s3], $0x10, s4, s22, $0xb8;
	[tilespmem:$0x1C000] =	vst v63  }
0x70: {  	_ =	swait.ge [sflag:s21], $0x2000  }
0x71: {  	[sflag:s21] =	ssyncset.done $0x0  }
0x72: {  	[sflag:s21] =	ssyncadd.s32 $0xFFFFE000  }
0x73: {  	_ =	swait.ge [sflag:s21], $0x2000  }
0x74: {  	[sflag:s21] =	ssyncset.done $0x0  }
0x75: {  	s26 =	simm.s32 $0x3000;
	[sflag:s21] =	ssyncadd.s32 $0xFFFFE000  }
0x76: {  	[spmem:s2] =	stream.indirect.scatter.add.f32 [tilespmem:s23], [sflag:$0x3], $0x10, s26, s22, $0xb8;
	[tilespmem:$0x1C000] =	vst v63  }
0x77: {  	s4 =	simm.s32 $0x3200  }
0x78: {  	[spmem:s2] =	stream.indirect.scatter.add.f32 [tilespmem:s24], [sflag:$0x3], $0x10, s4, s22, $0xb8;
	[tilespmem:$0x1C000] =	vst v63  }
0x79: {  	_ =	swait.ge [sflag:s29], $0x2000  }
0x7a: {  	[sflag:s29] =	ssyncset.done $0x0  }
0x7b: {  	[sflag:s29] =	ssyncadd.s32 $0xFFFFE000  }
0x7c: {  	_ =	swait.ge [sflag:s29], $0x2000  }
0x7d: {  	[sflag:s29] =	ssyncset.done $0x0  }
0x7e: {  	s26 =	simm.s32 $0xC00;
	[sflag:s29] =	ssyncadd.s32 $0xFFFFE000  }
0x7f: {  	[tilespmem:s28], [sflag:$0x2] =	stream.indirect.gather [spmem:s3], $0x10, s26, s22, $0xb8;
	[tilespmem:$0x1C000] =	vst v63  }
0x80: {  	s4 =	simm.s32 $0xE00  }
0x81: {  	[tilespmem:s30], [sflag:$0x2] =	stream.indirect.gather [spmem:s3], $0x10, s4, s22, $0xb8;
	[tilespmem:$0x1C000] =	vst v63  }
0x82: {  	_ =	swait.ge [sflag:s31], $0x2000  }
0x83: {  	[sflag:s31] =	ssyncset.done $0x0  }
0x84: {  	[sflag:s31] =	ssyncadd.s32 $0xFFFFE000  }
0x85: {  	_ =	swait.ge [sflag:s31], $0x2000  }
0x86: {  	[sflag:s31] =	ssyncset.done $0x0  }
0x87: {  	s26 =	simm.s32 $0x3400;
	[sflag:s31] =	ssyncadd.s32 $0xFFFFE000  }
0x88: {  	[spmem:s2] =	stream.indirect.scatter.add.f32 [tilespmem:s28], [sflag:$0x4], $0x10, s26, s22, $0xb8;
	[tilespmem:$0x1C000] =	vst v63  }
0x89: {  	s4 =	simm.s32 $0x3600  }
0x8a: {  	[spmem:s2] =	stream.indirect.scatter.add.f32 [tilespmem:s30], [sflag:$0x4], $0x10, s4, s22, $0xb8;
	[tilespmem:$0x1C000] =	vst v63  }
0x8b: {  	_ =	swait.ge [sflag:s19], $0x2000  }
0x8c: {  	[sflag:s19] =	ssyncset.done $0x0  }
0x8d: {  	[sflag:s19] =	ssyncadd.s32 $0xFFFFE000  }
0x8e: {  	_ =	swait.ge [sflag:s19], $0x2000  }
0x8f: {  	[sflag:s19] =	ssyncset.done $0x0  }
0x90: {  	s26 =	simm.s32 $0x1000;
	[sflag:s19] =	ssyncadd.s32 $0xFFFFE000  }
0x91: {  	[tilespmem:s23], [sflag:$0x1] =	stream.indirect.gather [spmem:s3], $0x10, s26, s22, $0xb8;
	[tilespmem:$0x1C000] =	vst v63  }
0x92: {  	s4 =	simm.s32 $0x1200  }
0x93: {  	[tilespmem:s24], [sflag:$0x1] =	stream.indirect.gather [spmem:s3], $0x10, s4, s22, $0xb8;
	[tilespmem:$0x1C000] =	vst v63  }
0x94: {  	_ =	swait.ge [sflag:s21], $0x2000  }
0x95: {  	[sflag:s21] =	ssyncset.done $0x0  }
0x96: {  	[sflag:s21] =	ssyncadd.s32 $0xFFFFE000  }
0x97: {  	_ =	swait.ge [sflag:s21], $0x2000  }
0x98: {  	[sflag:s21] =	ssyncset.done $0x0  }
0x99: {  	s26 =	simm.s32 $0x3800;
	[sflag:s21] =	ssyncadd.s32 $0xFFFFE000  }
0x9a: {  	[spmem:s2] =	stream.indirect.scatter.add.f32 [tilespmem:s23], [sflag:$0x3], $0x10, s26, s22, $0xb8;
	[tilespmem:$0x1C000] =	vst v63  }
0x9b: {  	s4 =	simm.s32 $0x3A00  }
0x9c: {  	[spmem:s2] =	stream.indirect.scatter.add.f32 [tilespmem:s24], [sflag:$0x3], $0x10, s4, s22, $0xb8;
	[tilespmem:$0x1C000] =	vst v63  }
0x9d: {  	_ =	swait.ge [sflag:s29], $0x2000  }
0x9e: {  	[sflag:s29] =	ssyncset.done $0x0  }
0x9f: {  	[sflag:s29] =	ssyncadd.s32 $0xFFFFE000  }
0xa0: {  	_ =	swait.ge [sflag:s29], $0x2000  }
0xa1: {  	[sflag:s29] =	ssyncset.done $0x0  }
0xa2: {  	s26 =	simm.s32 $0x1400;
	[sflag:s29] =	ssyncadd.s32 $0xFFFFE000  }
0xa3: {  	[tilespmem:s28], [sflag:$0x2] =	stream.indirect.gather [spmem:s3], $0x10, s26, s22, $0xb8;
	[tilespmem:$0x1C000] =	vst v63  }
0xa4: {  	s4 =	simm.s32 $0x1600  }
0xa5: {  	[tilespmem:s30], [sflag:$0x2] =	stream.indirect.gather [spmem:s3], $0x10, s4, s22, $0xb8;
	[tilespmem:$0x1C000] =	vst v63  }
0xa6: {  	_ =	swait.ge [sflag:s31], $0x2000  }
0xa7: {  	[sflag:s31] =	ssyncset.done $0x0  }
0xa8: {  	[sflag:s31] =	ssyncadd.s32 $0xFFFFE000  }
0xa9: {  	_ =	swait.ge [sflag:s31], $0x2000  }
0xaa: {  	[sflag:s31] =	ssyncset.done $0x0  }
0xab: {  	s26 =	simm.s32 $0x3C00;
	[sflag:s31] =	ssyncadd.s32 $0xFFFFE000  }
0xac: {  	[spmem:s2] =	stream.indirect.scatter.add.f32 [tilespmem:s28], [sflag:$0x4], $0x10, s26, s22, $0xb8;
	[tilespmem:$0x1C000] =	vst v63  }
0xad: {  	s4 =	simm.s32 $0x3E00  }
0xae: {  	[spmem:s2] =	stream.indirect.scatter.add.f32 [tilespmem:s30], [sflag:$0x4], $0x10, s4, s22, $0xb8;
	[tilespmem:$0x1C000] =	vst v63  }
0xaf: {  	_ =	swait.ge [sflag:s19], $0x2000  }
0xb0: {  	[sflag:s19] =	ssyncset.done $0x0  }
0xb1: {  	[sflag:s19] =	ssyncadd.s32 $0xFFFFE000  }
0xb2: {  	_ =	swait.ge [sflag:s19], $0x2000  }
0xb3: {  	[sflag:s19] =	ssyncset.done $0x0  }
0xb4: {  	s26 =	simm.s32 $0x1800;
	[sflag:s19] =	ssyncadd.s32 $0xFFFFE000  }
0xb5: {  	[tilespmem:s23], [sflag:$0x1] =	stream.indirect.gather [spmem:s3], $0x10, s26, s22, $0xb8;
	[tilespmem:$0x1C000] =	vst v63  }
0xb6: {  	s4 =	simm.s32 $0x1A00  }
0xb7: {  	[tilespmem:s24], [sflag:$0x1] =	stream.indirect.gather [spmem:s3], $0x10, s4, s22, $0xb8;
	[tilespmem:$0x1C000] =	vst v63  }
0xb8: {  	_ =	swait.ge [sflag:s21], $0x2000  }
0xb9: {  	[sflag:s21] =	ssyncset.done $0x0  }
0xba: {  	[sflag:s21] =	ssyncadd.s32 $0xFFFFE000  }
0xbb: {  	_ =	swait.ge [sflag:s21], $0x2000  }
0xbc: {  	[sflag:s21] =	ssyncset.done $0x0  }
0xbd: {  	s26 =	simm.s32 $0x4000;
	[sflag:s21] =	ssyncadd.s32 $0xFFFFE000  }
0xbe: {  	[spmem:s2] =	stream.indirect.scatter.add.f32 [tilespmem:s23], [sflag:$0x3], $0x10, s26, s22, $0xb8;
	[tilespmem:$0x1C000] =	vst v63  }
0xbf: {  	s4 =	simm.s32 $0x4200  }
0xc0: {  	[spmem:s2] =	stream.indirect.scatter.add.f32 [tilespmem:s24], [sflag:$0x3], $0x10, s4, s22, $0xb8;
	[tilespmem:$0x1C000] =	vst v63  }
0xc1: {  	_ =	swait.ge [sflag:s29], $0x2000  }
0xc2: {  	[sflag:s29] =	ssyncset.done $0x0  }
0xc3: {  	[sflag:s29] =	ssyncadd.s32 $0xFFFFE000  }
0xc4: {  	_ =	swait.ge [sflag:s29], $0x2000  }
0xc5: {  	[sflag:s29] =	ssyncset.done $0x0  }
0xc6: {  	s26 =	simm.s32 $0x1C00;
	[sflag:s29] =	ssyncadd.s32 $0xFFFFE000  }
0xc7: {  	[tilespmem:s28], [sflag:$0x2] =	stream.indirect.gather [spmem:s3], $0x10, s26, s22, $0xb8;
	[tilespmem:$0x1C000] =	vst v63  }
0xc8: {  	s4 =	simm.s32 $0x1E00  }
0xc9: {  	[tilespmem:s30], [sflag:$0x2] =	stream.indirect.gather [spmem:s3], $0x10, s4, s22, $0xb8;
	[tilespmem:$0x1C000] =	vst v63  }
0xca: {  	_ =	swait.ge [sflag:s31], $0x2000  }
0xcb: {  	[sflag:s31] =	ssyncset.done $0x0  }
0xcc: {  	[sflag:s31] =	ssyncadd.s32 $0xFFFFE000  }
0xcd: {  	_ =	swait.ge [sflag:s31], $0x2000  }
0xce: {  	[sflag:s31] =	ssyncset.done $0x0  }
0xcf: {  	s26 =	simm.s32 $0x4400;
	[sflag:s31] =	ssyncadd.s32 $0xFFFFE000  }
0xd0: {  	[spmem:s2] =	stream.indirect.scatter.add.f32 [tilespmem:s28], [sflag:$0x4], $0x10, s26, s22, $0xb8;
	[tilespmem:$0x1C000] =	vst v63  }
0xd1: {  	s4 =	simm.s32 $0x4600  }
0xd2: {  	[spmem:s2] =	stream.indirect.scatter.add.f32 [tilespmem:s30], [sflag:$0x4], $0x10, s4, s22, $0xb8;
	[tilespmem:$0x1C000] =	vst v63  }
0xd3: {  	_ =	swait.ge [sflag:s19], $0x2000  }
0xd4: {  	[sflag:s19] =	ssyncset.done $0x0  }
0xd5: {  	[sflag:s19] =	ssyncadd.s32 $0xFFFFE000  }
0xd6: {  	_ =	swait.ge [sflag:s19], $0x2000  }
0xd7: {  	[sflag:s19] =	ssyncset.done $0x0  }
0xd8: {  	s26 =	simm.s32 $0x2000;
	[sflag:s19] =	ssyncadd.s32 $0xFFFFE000  }
0xd9: {  	[tilespmem:s23], [sflag:$0x1] =	stream.indirect.gather [spmem:s3], $0x10, s26, s22, $0xb8;
	[tilespmem:$0x1C000] =	vst v63  }
0xda: {  	s4 =	simm.s32 $0x2200  }
0xdb: {  	[tilespmem:s24], [sflag:$0x1] =	stream.indirect.gather [spmem:s3], $0x10, s4, s22, $0xb8;
	[tilespmem:$0x1C000] =	vst v63  }
0xdc: {  	_ =	swait.ge [sflag:s21], $0x2000  }
0xdd: {  	[sflag:s21] =	ssyncset.done $0x0  }
0xde: {  	[sflag:s21] =	ssyncadd.s32 $0xFFFFE000  }
0xdf: {  	_ =	swait.ge [sflag:s21], $0x2000  }
0xe0: {  	[sflag:s21] =	ssyncset.done $0x0  }
0xe1: {  	s26 =	simm.s32 $0x4800;
	[sflag:s21] =	ssyncadd.s32 $0xFFFFE000  }
0xe2: {  	[spmem:s2] =	stream.indirect.scatter.add.f32 [tilespmem:s23], [sflag:$0x3], $0x10, s26, s22, $0xb8;
	[tilespmem:$0x1C000] =	vst v63  }
0xe3: {  	s4 =	simm.s32 $0x4A00  }
0xe4: {  	[spmem:s2] =	stream.indirect.scatter.add.f32 [tilespmem:s24], [sflag:$0x3], $0x10, s4, s22, $0xb8;
	[tilespmem:$0x1C000] =	vst v63  }
0xe5: {  	_ =	swait.ge [sflag:s29], $0x2000  }
0xe6: {  	[sflag:s29] =	ssyncset.done $0x0  }
0xe7: {  	[sflag:s29] =	ssyncadd.s32 $0xFFFFE000  }
0xe8: {  	_ =	swait.ge [sflag:s29], $0x2000  }
0xe9: {  	[sflag:s29] =	ssyncset.done $0x0  }
0xea: {  	s26 =	simm.s32 $0x2400;
	[sflag:s29] =	ssyncadd.s32 $0xFFFFE000  }
0xeb: {  	[tilespmem:s28], [sflag:$0x2] =	stream.indirect.gather [spmem:s3], $0x10, s26, s22, $0xb8;
	[tilespmem:$0x1C000] =	vst v63  }
0xec: {  	s4 =	simm.s32 $0x2600  }
0xed: {  	[tilespmem:s30], [sflag:$0x2] =	stream.indirect.gather [spmem:s3], $0x10, s4, s22, $0xb8;
	[tilespmem:$0x1C000] =	vst v63  }
0xee: {  	_ =	swait.ge [sflag:s31], $0x2000  }
0xef: {  	[sflag:s31] =	ssyncset.done $0x0  }
0xf0: {  	[sflag:s31] =	ssyncadd.s32 $0xFFFFE000  }
0xf1: {  	_ =	swait.ge [sflag:s31], $0x2000  }
0xf2: {  	[sflag:s31] =	ssyncset.done $0x0  }
0xf3: {  	[sflag:s31] =	ssyncadd.s32 $0xFFFFE000  }
0xf4: {  	[spmem:s2] =	stream.indirect.scatter.add.f32 [tilespmem:s28], [sflag:$0x4], $0x10, s20, s22, $0xb8;
	[tilespmem:$0x1C000] =	vst v63  }
0xf5: {  	_ = 	snop  }
0xf6: {  	[spmem:s2] =	stream.indirect.scatter.add.f32 [tilespmem:s30], [sflag:$0x4], $0x10, s1, s22, $0xb8;
	[tilespmem:$0x1C000] =	vst v63  }
0xf7: {  	_ =	swait.ge [sflag:s19], $0x2000  }
0xf8: {  	[sflag:s19] =	ssyncset.done $0x0  }
0xf9: {  	[sflag:s19] =	ssyncadd.s32 $0xFFFFE000  }
0xfa: {  	_ =	swait.ge [sflag:s19], $0x2000  }
0xfb: {  	[sflag:s19] =	ssyncset.done $0x0  }
0xfc: {  	[sflag:s19] =	ssyncadd.s32 $0xFFFFE000  }
0xfd: {  	_ =	swait.ge [sflag:s29], $0x2000  }
0xfe: {  	[sflag:s29] =	ssyncset.done $0x0  }
0xff: {  	[sflag:s29] =	ssyncadd.s32 $0xFFFFE000  }
0x100: {  	s26 =	stileid.u32;
	_ =	swait.ge [sflag:s29], $0x2000  }
0x101: {  	s25 =	sadd.s32 $0x1, s25;
	s0 =	sshll.u32 s26, $0x6;
	[sflag:s29] =	ssyncset.done $0x0  }
0x102: {  	p0 =	sne.s32 s25, s14;
	s0 =	sor.u32 $0x1C05, s0;
	[sflag:s29] =	ssyncadd.s32 $0xFFFFE000  }
.Ltmp2:
0x103: {  	s4 =	sshrl.u32 s5, $0x3;
	[bflag:$0x0] =	sbarrier.arrive $0xFFFF;
	(pc) =	sbr.rel @p0 .LBB2_1-.Ltmp2, $4  }
0x104: {  	[hbm:s13], [sflag:s0] =	dma.local [spmem:s4], $0x500  }
0x105: {  	_ =	swait.ge [sflag:s16], $0x500  }
0x106: {  	[sflag:s16] =	ssyncset.done $0x0  }
0x107: {  	[sflag:s16] =	ssyncadd.s32 $0xFFFFFB00  }
0x108: {  	_ =	sfence.sel $0x180000  }
0x109: {  	[bflag:$0x0] =	sbarrier.arrive $0xFFFF  }
0x10a: {  	_ =	strace $0x9000004D  }
0x10b: {  	s0 =	stileid.u32;
	[bflag:$0x2] =	sbarrier.arrive $0xFFFF  }
0x10c: {  	p0 =	sne.s32 s0, $0x0;
	s0 =	rddreg [dreg:$0x3]  }
0x10d: {  	s0 =	sadd.s32 @!p0 $0x100000, s0  }
0x10e: {  	[sflag:s0] =	ssyncadd.tile.s32 @!p0 $0x1;
	_ =	shalt  }
.Lfunc_end2:
_tile_overlayer_lowered:
.L_overlay_start_2:
0x10f: {  	(tag) =	ssettag $0x2  }
0x110: {  	s0 =	rddreg [dreg:$0x0];
	s2 =	stileid.u32  }
0x111: {  	s1 =	rddreg [dreg:$0x1];
	p0 =	sne.s32 s2, $0x0  }
0x112: {  	s3 =	rddreg [dreg:$0x2];
	[bflag:$0x3] =	sbarrier.arrive $0xFFFF;
	s2 =	simm.s32 @!p0 $0x1C05  }
0x113: {  	[timem:s3], [sflag:s2] =	dma.local @!p0 [hbm:s0], s1  }
0x114: {  	s0 =	simm.s32 @!p0 $0x5  }
0x115: {  	_ =	swait.ge @!p0 [sflag:s0], s1  }
0x116: {  	s1 =	ssub.s32 @!p0 $0x0, s1;
	[sflag:s0] =	ssyncset.done @!p0 $0x0  }
0x117: {  	[sflag:s0] =	ssyncadd.s32 @!p0 s1  }
0x118: {  	[bflag:$0x3] =	sbarrier.arrive $0xFFFF  }
0x119: {  	_ =	shalt  }

// kernel: kernel.7.cloned.1.call-start
scs
__scs_entry_jumppad:
0x0: {  	(pc) =	sbr.rel $0x88, $3  }
0x1: {  	(tag) =	ssettag $0x0;
	lr =	simm.s32 $0x1  }
0x2: {  	[smem:$0x3F9D] =	sst lr;
	_ =	strace $0xD0000000  }
0x3: {  	_ = 	snop  }
0x4: {  	_ = 	snop  }
0x5: {  	_ = 	snop  }
0x6: {  	_ = 	snop  }
0x7: {  	_ = 	snop  }
__scs_overlays_trampoline_lowered:
0x8: {  	[smem:$0x3FAC] =	sst s0  }
0x9: {  	[smem:$0x3FAD] =	sst s1  }
0xa: {  	[smem:$0x3FAE] =	sst s2  }
0xb: {  	[smem:$0x3FAF] =	sst s3  }
0xc: {  	[smem:$0x3FB0] =	sst s4  }
0xd: {  	[smem:$0x3FB1] =	sst s5  }
0xe: {  	[smem:$0x3FB2] =	sst s6  }
0xf: {  	[smem:$0x3FB3] =	sst s7  }
0x10: {  	[smem:$0x3FB4] =	sst s8  }
0x11: {  	[smem:$0x3FB5] =	sst s9;
	s0 =	simm.s32 @!p0 $0x0  }
0x12: {  	s1 =	sld [smem:$0x3F9B];
	s0 =	simm.s32 @p0 $0x1  }
0x13: {  	[smem:$0x3FB6] =	sst s0;
	s0 =	simm.s32 @!p1 $0x0  }
0x14: {  	s2 =	sld [smem:$0x3F9A];
	s0 =	simm.s32 @p1 $0x1  }
0x15: {  	[smem:$0x3FB7] =	sst s0;
	s0 =	simm.s32 @!p2 $0x0  }
0x16: {  	s3 =	sld [smem:$0x3FDB];
	s0 =	simm.s32 @p2 $0x1  }
0x17: {  	s4 =	simm.s32 $0x1BF5;
	[smem:$0x3FB9] =	sst s0  }
0x18: {  	s0 =	sld [smem:$0x3F9C];
	_ =	swait.ge [sflag:s4], $0x0  }
0x19: {  	s7 =	sld [smem:$0x3F9D]  }
0x1a: {  	s8 =	sadd.s32 $0xFFFFE003, lr  }
0x1b: {  	s9 =	sadd.s32 $0xFFFFFEF7, lr;
	s5 =	simm.s32 $0xFFFFFFFF;
	p2 =	slt.u32 s8, $0xFFFFF086  }
0x1c: {  	p1 =	slt.u32 s9, $0xF7A;
	s5 =	simm.s32 @!p2 $0x0  }
0x1d: {  	s5 =	simm.s32 @p1 $0x1;
	p0 =	seq.s32 s7, s2  }
0x1e: {  	s7 =	smul.u32 @!p0 $0xF7A, s2;
	p2 =	seq.s32 @!p0 s5, $0x0  }
0x1f: {  	s9 =	smul.u32 $0xF7A, s1;
	s8 =	simm.s32 @!p0 $0x1BF5;
	p2 =	por !p2, p0  }
0x20: {  	[sflag:s8] =	ssyncset.s32 @!p0 $0xFFFFF086;
	s6 =	sadd.s32 @!p0 s3, s7;
	s7 =	simm.s32 @!p0 $0x108  }
0x21: {  	s3 =	sadd.s32 s3, s9;
	s6 =	sadd.s32 @!p0 $0x88, s6;
	s7 =	simm.s32 @p2 $0x1082  }
0x22: {  	[simem:s7], [sflag:s8] =	dma.local @!p0 [hbm:s6], $0xF7A  }
0x23: {  	s9 =	sor.u32 $0xD0000000, s2;
	s6 =	simm.s32 $0x108;
	_ =	swait.ge @!p0 [sflag:s8], $0x0  }
0x24: {  	s3 =	sadd.s32 $0x88, s3;
	s6 =	simm.s32 @!p1 $0x1082;
	[sflag:s4] =	ssyncset.s32 $0xFFFFF086  }
0x25: {  	[simem:s6], [sflag:s4] =	dma.local [hbm:s3], $0xF7A  }
0x26: {  	[smem:$0x3F9D] =	sst s1;
	(tag) =	ssettag s2;
	_ =	strace s9  }
0x27: {  	s1 =	sld [smem:$0x3FAD]  }
0x28: {  	s2 =	sld [smem:$0x3FAE]  }
0x29: {  	s4 =	sld [smem:$0x3FB0]  }
0x2a: {  	p0 =	seq.s32 s5, $0x0;
	s5 =	sld [smem:$0x3FB1]  }
0x2b: {  	s6 =	sld [smem:$0x3FB2]  }
0x2c: {  	s7 =	sld [smem:$0x3FB3]  }
0x2d: {  	s3 =	simm.s32 $0x108;
	s8 =	sld [smem:$0x3FB4]  }
0x2e: {  	s3 =	simm.s32 @!p0 $0x1082;
	s9 =	sld [smem:$0x3FB5]  }
0x2f: {  	lr =	sadd.s32 s0, s3;
	s0 =	sld [smem:$0x3FAC]  }
0x30: {  	s3 =	sld [smem:$0x3FAF]  }
0x31: {  	[smem:$0x3FB8] =	sst s10  }
0x32: {  	s10 =	sld [smem:$0x3FB6];
	_ =	sdelay $0x3  }
0x33: {  	p0 =	seq.s32 s10, $0x1;
	s10 =	sld [smem:$0x3FB8];
	_ =	sdelay $0x3  }
0x34: {  	[smem:$0x3FB8] =	sst s10  }
0x35: {  	s10 =	sld [smem:$0x3FB7];
	_ =	sdelay $0x3  }
0x36: {  	p1 =	seq.s32 s10, $0x1;
	s10 =	sld [smem:$0x3FB8];
	_ =	sdelay $0x3  }
0x37: {  	[smem:$0x3FB8] =	sst s10  }
0x38: {  	s10 =	sld [smem:$0x3FB9]  }
0x39: {  	_ = 	snop;
	(pc) =	sbr.ind lr, $3  }
0x3a: {  	_ = 	snop  }
0x3b: {  	_ = 	snop  }
0x3c: {  	p2 =	seq.s32 s10, $0x1;
	s10 =	sld [smem:$0x3FB8]  }
0x3d: {  	_ =	shalt  }
0x3e: {  	_ =	shalt  }
0x3f: {  	_ =	shalt  }
0x40: {  	_ =	shalt  }
0x41: {  	_ =	shalt  }
0x42: {  	_ =	shalt  }
0x43: {  	_ =	shalt  }
0x44: {  	_ =	shalt  }
0x45: {  	_ =	shalt  }
0x46: {  	_ =	shalt  }
0x47: {  	_ =	shalt  }
0x48: {  	_ =	shalt  }
0x49: {  	_ =	shalt  }
0x4a: {  	_ =	shalt  }
0x4b: {  	_ =	shalt  }
0x4c: {  	_ =	shalt  }
0x4d: {  	_ =	shalt  }
0x4e: {  	_ =	shalt  }
0x4f: {  	_ =	shalt  }
0x50: {  	_ =	shalt  }
0x51: {  	_ =	shalt  }
0x52: {  	_ =	shalt  }
0x53: {  	_ =	shalt  }
0x54: {  	_ =	shalt  }
0x55: {  	_ =	shalt  }
0x56: {  	_ =	shalt  }
0x57: {  	_ =	shalt  }
0x58: {  	_ =	shalt  }
0x59: {  	_ =	shalt  }
0x5a: {  	_ =	shalt  }
0x5b: {  	_ =	shalt  }
0x5c: {  	_ =	shalt  }
0x5d: {  	_ =	shalt  }
0x5e: {  	_ =	shalt  }
0x5f: {  	_ =	shalt  }
0x60: {  	_ =	shalt  }
0x61: {  	_ =	shalt  }
0x62: {  	_ =	shalt  }
0x63: {  	_ =	shalt  }
0x64: {  	_ =	shalt  }
0x65: {  	_ =	shalt  }
0x66: {  	_ =	shalt  }
0x67: {  	_ =	shalt  }
0x68: {  	_ =	shalt  }
0x69: {  	_ =	shalt  }
0x6a: {  	_ =	shalt  }
0x6b: {  	_ =	shalt  }
0x6c: {  	_ =	shalt  }
0x6d: {  	_ =	shalt  }
0x6e: {  	_ =	shalt  }
0x6f: {  	_ =	shalt  }
0x70: {  	_ =	shalt  }
0x71: {  	_ =	shalt  }
0x72: {  	_ =	shalt  }
0x73: {  	_ =	shalt  }
0x74: {  	_ =	shalt  }
0x75: {  	_ =	shalt  }
0x76: {  	_ =	shalt  }
0x77: {  	_ =	shalt  }
0x78: {  	_ =	shalt  }
0x79: {  	_ =	shalt  }
0x7a: {  	_ =	shalt  }
0x7b: {  	_ =	shalt  }
0x7c: {  	_ =	shalt  }
0x7d: {  	_ =	shalt  }
0x7e: {  	_ =	shalt  }
0x7f: {  	_ =	shalt  }
0x80: {  	_ =	shalt  }
0x81: {  	_ =	shalt  }
0x82: {  	_ =	shalt  }
0x83: {  	_ =	shalt  }
0x84: {  	_ =	shalt  }
0x85: {  	_ =	shalt  }
0x86: {  	_ =	shalt  }
0x87: {  	_ =	shalt  }
.Lfunc_end0:
.L_simem_size_0:
called_computation_lowered:
.L_overlay_start_0:
0x88: {  	s2 =	sld [smem:$0x3FD9]  }
0x89: {  	s3 =	sld [smem:$0x3FFE];
	_ =	sdelay $0x1  }
0x8a: {  	s1 =	srdreg.scid  }
0x8b: {  	s0 =	sand.u32 $0x1, s1  }
0x8c: {  	s17 =	sshll.u32 s0, $0xA;
	s2 =	sadd.s32 s3, s2  }
0x8d: {  	s2 =	sadd.s32 s2, s17  }
0x8e: {  	[smem:$0x3FC4] =	sst s2  }
0x8f: {  	_ = 	snop  }
0x90: {  	s2 =	sld [smem:$0x3FD0];
	(tm) =	ssettm $0x1  }
0x91: {  	s18 =	sld [smem:$0x3FFB];
	_ =	sdelay $0x3  }
0x92: {  	_ =	strace s18  }
0x93: {  	s3 =	sld [smem:$0x3FFC];
	_ =	sdelay $0x3  }
0x94: {  	_ =	strace s3  }
0x95: {  	s3 =	sld [smem:$0x3FFD];
	_ =	sdelay $0x3  }
0x96: {  	_ =	strace s3  }
0x97: {  	_ =	strace $0x8FFFFFFF  }
0x98: {  	s19 =	sld [smem:$0x3FDB];
	_ =	sdelay $0x1  }
0x99: {  	s4 =	simm.s32 $_scs_section_size  }
0x9a: {  	s5 =	simm.s32 $_size__tile_overlayer_lowered;
	s6 =	simm.s32 $_tile_overlayer_lowered  }
0x9b: {  	s22 =	simm.s32 $0x1BFF;
	s21 =	sshll.u32 s6, $0x1;
	s3 =	sadd.s32 s4, s19  }
0x9c: {  	s7 =	simm.s32 $0x0;
	s20 =	sshll.u32 s5, $0x1;
	s5 =	sadd.s32 s21, s3  }
0x9d: {  	[timem:s7], [sflag:s22] =	dma.local [hbm:s5], s20  }
0x9e: {  	_ =	swait.ge [sflag:s22], s20  }
0x9f: {  	s4 =	ssub.s32 $0x0, s20;
	[sflag:s22] =	ssyncset.done $0x0  }
0xa0: {  	[sflag:s22] =	ssyncadd.s32 s4;
	_ =	sdelay $0x1  }
0xa1: {  	s23 =	simm.s32 $0x1B8B  }
0xa2: {  	_ =	swait.ge [sflag:s23], $0x1  }
0xa3: {  	[sflag:s23] =	ssyncset.done $0x0  }
0xa4: {  	s25 =	simm.s32 $0x1B8E;
	s24 =	sld [smem:$0x3FFE];
	[sflag:s23] =	ssyncadd.s32 $0xFFFFFFFF  }
0xa5: {  	s26 =	simm.s32 $execute0_lowered;
	[smem:$0x3FD2] =	sst s25  }
0xa6: {  	s5 =	sshll.u32 s26, $0x1;
	_ =	strace $0x80000046;
	[dreg:$0x1] =	wrdreg $0xFFFFFFFF  }
0xa7: {  	s28 =	simm.s32 $_size_execute0_lowered;
	s3 =	sadd.s32 s3, s5;
	[dreg:$0x0] =	wrdreg $0x0  }
0xa8: {  	s5 =	sshll.u32 s28, $0x1;
	[dreg:$0x2] =	wrdreg s3  }
0xa9: {  	[dreg:$0x3] =	wrdreg s5  }
0xaa: {  	[dreg:$0x4] =	wrdreg $0xC0  }
0xab: {  	_ =	task [dreg:s7], $0x5FFFF  }
0xac: {  	[dreg:$0x1] =	wrdreg $0xFFFFFFFF  }
0xad: {  	[dreg:$0x0] =	wrdreg $0x60  }
0xae: {  	[dreg:$0x2] =	wrdreg s24  }
0xaf: {  	[dreg:$0x3] =	wrdreg s2  }
0xb0: {  	[dreg:$0x4] =	wrdreg $0x54800  }
0xb1: {  	[dreg:$0x5] =	wrdreg $0x57000  }
0xb2: {  	[dreg:$0x6] =	wrdreg $0x9  }
0xb3: {  	_ =	task.clear_ibuf [dreg:s7], $0x7FFFF;
	_ =	strace $0x90000046  }
0xb4: {  	s29 =	simm.s32 $0x9;
	_ =	strace $0x80000048  }
0xb5: {  	_ =	swait.ge [sflag:s29], $0x1  }
0xb6: {  	[sflag:s29] =	ssyncadd.s32 $0xFFFFFFFF  }
0xb7: {  	_ =	strace $0x90000048  }
0xb8: {  	_ =	sfence  }
0xb9: {  	s30 =	sld [smem:$0x0];
	_ =	sdelay $0x2  }
0xba: {  	s31 =	sshll.u32 s1, $0xD;
	s1 =	sshrl.u32 s1, $0x2  }
0xbb: {  	s3 =	sand.u32 $0x4000, s31;
	s1 =	sadd.s32 s1, s30  }
0xbc: {  	s0 =	sor.u32 s3, s0;
	s1 =	sshll.u32 s1, $0x11  }
0xbd: {  	s0 =	sor.u32 s1, s0  }
0xbe: {  	s0 =	sadd.s32 $0x8F2B, s0  }
0xbf: {  	[sflag:s0] =	ssyncadd.remote.s32 $0x1  }
0xc0: {  	_ =	sfence.sel $0xFFFF  }
0xc1: {  	[dreg:$0x0] =	wrdreg $0xFFFFFFFF;
	(pc) =	sbr.abs _section_cstart, $3  }
0xc2: {  	[dreg:$0x1] =	wrdreg $0xFFFFFFFF  }
0xc3: {  	_ =	task.clear_ibuf [dreg:s7], $0x2FFFF;
	_ =	strace $0x9FFFFFFF  }
0xc4: {  	(tm) =	ssettm $0x7FFFFFFF  }
0xc5: {  	_ =	shalt  }
tec
execute0_lowered:
.L_overlay_start_1:
0x0: {  	(tag) =	ssettag $0x1  }
0x1: {  	s6 =	rddreg [dreg:$0x0]  }
0x2: {  	s5 =	rddreg [dreg:$0x1]  }
0x3: {  	s1 =	rddreg [dreg:$0x2];
	s3 =	simm.s32 $0x0  }
0x4: {  	v0 =	vimm.f32 $1.000000000e+00;
	[smem:$0x7FF] =	sst s3  }
0x5: {  	s2 =	rddreg [dreg:$0x3];
	_ =	strace $0x80000047;
	[tilespmem:$0x5030] =	vst v0  }
0x6: {  	[tilespmem:$0x5040] =	vst v0  }
0x7: {  	[tilespmem:$0x5050] =	vst v0  }
0x8: {  	[tilespmem:$0x5060] =	vst v0  }
0x9: {  	[tilespmem:$0x5070] =	vst v0  }
0xa: {  	[tilespmem:$0x5080] =	vst v0  }
0xb: {  	[tilespmem:$0x5090] =	vst v0  }
0xc: {  	[tilespmem:$0x50A0] =	vst v0  }
0xd: {  	[tilespmem:$0x50B0] =	vst v0  }
0xe: {  	[tilespmem:$0x50C0] =	vst v0  }
0xf: {  	[tilespmem:$0x50D0] =	vst v0  }
0x10: {  	[tilespmem:$0x50E0] =	vst v0  }
0x11: {  	[tilespmem:$0x50F0] =	vst v0  }
0x12: {  	[tilespmem:$0x5100] =	vst v0  }
0x13: {  	[tilespmem:$0x5110] =	vst v0  }
0x14: {  	[tilespmem:$0x5120] =	vst v0  }
0x15: {  	[tilespmem:$0x5130] =	vst v0  }
0x16: {  	[tilespmem:$0x5140] =	vst v0  }
0x17: {  	[tilespmem:$0x5150] =	vst v0  }
0x18: {  	[tilespmem:$0x5160] =	vst v0  }
0x19: {  	[tilespmem:$0x5170] =	vst v0  }
0x1a: {  	[tilespmem:$0x5180] =	vst v0  }
0x1b: {  	[tilespmem:$0x5190] =	vst v0  }
0x1c: {  	[tilespmem:$0x51A0] =	vst v0  }
0x1d: {  	[tilespmem:$0x51B0] =	vst v0  }
0x1e: {  	[tilespmem:$0x51C0] =	vst v0  }
0x1f: {  	[tilespmem:$0x51D0] =	vst v0  }
0x20: {  	[tilespmem:$0x51E0] =	vst v0  }
0x21: {  	v1 =	vimm.f32 $0.0e+00;
	[tilespmem:$0x51F0] =	vst v0  }
0x22: {  	[tilespmem:$0x5200] =	vst v1  }
0x23: {  	[tilespmem:$0x5210] =	vst v1  }
0x24: {  	[tilespmem:$0x5220] =	vst v1  }
0x25: {  	[tilespmem:$0x5230] =	vst v1  }
0x26: {  	[tilespmem:$0x5000] =	vst v0  }
0x27: {  	[tilespmem:$0x5470] =	vst v1  }
0x28: {  	[tilespmem:$0x5460] =	vst v1  }
0x29: {  	[tilespmem:$0x5450] =	vst v1  }
0x2a: {  	[tilespmem:$0x5440] =	vst v1  }
0x2b: {  	[tilespmem:$0x5430] =	vst v1  }
0x2c: {  	[tilespmem:$0x5420] =	vst v1  }
0x2d: {  	[tilespmem:$0x5410] =	vst v1  }
0x2e: {  	[tilespmem:$0x5400] =	vst v1  }
0x2f: {  	s17 =	simm.s32 $0x2A00;
	[tilespmem:$0x53F0] =	vst v1  }
0x30: {  	s18 =	simm.s32 $0x400;
	[tilespmem:$0x53E0] =	vst v1;
	[dreg:$0x9] =	wrdreg s17  }
0x31: {  	s19 =	simm.s32 $0x2C00;
	[tilespmem:$0x53D0] =	vst v1;
	[dreg:$0xa] =	wrdreg s18  }
0x32: {  	s20 =	simm.s32 $0x600;
	[tilespmem:$0x53C0] =	vst v1;
	[dreg:$0xb] =	wrdreg s19  }
0x33: {  	s21 =	simm.s32 $0x2E00;
	[tilespmem:$0x53B0] =	vst v1;
	[dreg:$0xc] =	wrdreg s20  }
0x34: {  	s22 =	simm.s32 $0x800;
	[tilespmem:$0x53A0] =	vst v1;
	[dreg:$0xd] =	wrdreg s21  }
0x35: {  	s23 =	simm.s32 $0x3000;
	[tilespmem:$0x5390] =	vst v1;
	[dreg:$0xe] =	wrdreg s22  }
0x36: {  	s24 =	simm.s32 $0xA00;
	[tilespmem:$0x5380] =	vst v1;
	[dreg:$0xf] =	wrdreg s23  }
0x37: {  	s25 =	simm.s32 $0x3200;
	[tilespmem:$0x5370] =	vst v1;
	[dreg:$0x10] =	wrdreg s24  }
0x38: {  	s26 =	simm.s32 $0xC00;
	[tilespmem:$0x5360] =	vst v1;
	[dreg:$0x11] =	wrdreg s25  }
0x39: {  	s4 =	srdreg.scid;
	s31 =	simm.s32 $0x3400;
	[tilespmem:$0x5350] =	vst v1;
	[dreg:$0x12] =	wrdreg s26  }
0x3a: {  	s29 =	sand.u32 $0x1, s4;
	s4 =	simm.s32 $0xE00;
	[tilespmem:$0x5340] =	vst v1;
	[dreg:$0x13] =	wrdreg s31  }
0x3b: {  	s11 =	simm.s32 $0x3A00;
	[tilespmem:$0x5330] =	vst v1;
	[dreg:$0x14] =	wrdreg s4  }
0x3c: {  	s0 =	stileid.u32;
	s12 =	simm.s32 $0x1400;
	[tilespmem:$0x5320] =	vst v1;
	[dreg:$0x19] =	wrdreg s11  }
0x3d: {  	s13 =	simm.s32 $0x3C00;
	s14 =	simm.s32 $0x1600;
	[tilespmem:$0x5310] =	vst v1;
	[dreg:$0x1a] =	wrdreg s12  }
0x3e: {  	s15 =	simm.s32 $0x3E00;
	s8 =	smul.u32 $0x280, s0;
	[tilespmem:$0x5300] =	vst v1;
	[dreg:$0x1b] =	wrdreg s13  }
0x3f: {  	s7 =	sshll.u32 s29, $0x4;
	s9 =	smul.u32 $0x2800, s29;
	[tilespmem:$0x52F0] =	vst v1;
	[dreg:$0x1c] =	wrdreg s14  }
0x40: {  	[tilespmem:$0x52E0] =	vst v1;
	[dreg:$0x1d] =	wrdreg s15;
	s7 =	sor.u32 s0, s7  }
0x41: {  	[tilespmem:$0x52D0] =	vst v1;
	s17 =	simm.s32 $0x4000;
	s7 =	smul.u32 $0x500, s7;
	s9 =	sadd.s32 s8, s9  }
0x42: {  	[tilespmem:$0x52C0] =	vst v1;
	s18 =	simm.s32 $0x1A00;
	[dreg:$0x1f] =	wrdreg s17;
	s9 =	sshrl.u32 s9, $0x3  }
0x43: {  	[tilespmem:$0x52B0] =	vst v1;
	[smem:$0x7FD] =	sst s18;
	s7 =	sadd.s32 s7, s6;
	s5 =	sadd.s32 s5, s9  }
0x44: {  	[tilespmem:$0x52A0] =	vst v1;
	s6 =	sadd.s32 s9, s6;
	s9 =	simm.s32 $0x3800;
	[dreg:$0x7] =	wrdreg s5  }
0x45: {  	[tilespmem:$0x5290] =	vst v1;
	s10 =	sadd.s32 $0xBA00, s7;
	[dreg:$0x17] =	wrdreg s9  }
0x46: {  	[tilespmem:$0x5280] =	vst v1;
	s7 =	sadd.s32 $0x1A00, s7;
	[dreg:$0x5] =	wrdreg s10  }
0x47: {  	[tilespmem:$0x5270] =	vst v1;
	s16 =	sadd.s32 $0x15A00, s6;
	[dreg:$0x6] =	wrdreg s7  }
0x48: {  	[tilespmem:$0x5260] =	vst v1;
	s6 =	simm.s32 $0x3600;
	[dreg:$0x8] =	wrdreg s16  }
0x49: {  	[tilespmem:$0x5250] =	vst v1;
	[dreg:$0x15] =	wrdreg s6;
	s7 =	simm.s32 $0x1000  }
0x4a: {  	[tilespmem:$0x5240] =	vst v1;
	s10 =	simm.s32 $0x1200;
	[dreg:$0x16] =	wrdreg s7  }
0x4b: {  	[tilespmem:$0x5020] =	vst v0;
	s5 =	sadd.s32 s8, s1;
	s16 =	simm.s32 $0x1800;
	[dreg:$0x18] =	wrdreg s10  }
0x4c: {  	[tilespmem:$0x5010] =	vst v0;
	s6 =	simm.s32 $0x2;
	[dreg:$0x1e] =	wrdreg s16;
	s7 =	simm.s32 $0x5200  }
0x4d: {  	[spmem:s5] =	stream.linear.scatter [tilespmem:s7], [sflag:$0x2], $0x280, $0x38;
	[tilespmem:$0x5980] =	vst v63  }
0x4e: {  	_ =	swait.ge [sflag:s6], $0x280  }
0x4f: {  	[sflag:s6] =	ssyncset.done $0x0  }
0x50: {  	s8 =	sadd.s32 s8, s2;
	[sflag:s6] =	ssyncadd.s32 $0xFFFFFD80  }
0x51: {  	[spmem:s8] =	stream.linear.scatter [tilespmem:s7], [sflag:$0x2], $0x280, $0x38;
	[tilespmem:$0x5980] =	vst v63  }
0x52: {  	_ =	swait.ge [sflag:s6], $0x280  }
0x53: {  	[sflag:s6] =	ssyncset.done $0x0  }
0x54: {  	s19 =	rddreg [dreg:$0x5];
	[sflag:s6] =	ssyncadd.s32 $0xFFFFFD80  }
0x55: {  	[tilespmem:s3], [sflag:$0x2] =	stream.linear.gather [hbm4b:s19+s3], $0x2800, $0x38;
	[tilespmem:$0x5980] =	vst v63  }
0x56: {  	_ =	swait.ge [sflag:s6], $0x2800  }
0x57: {  	[sflag:s6] =	ssyncset.done $0x0  }
0x58: {  	s9 =	simm.s32 $0x2800;
	s20 =	rddreg [dreg:$0x6];
	[sflag:s6] =	ssyncadd.s32 $0xFFFFD800  }
0x59: {  	[tilespmem:s9], [sflag:$0x2] =	stream.linear.gather [hbm4b:s20+s3], $0x2800, $0x38;
	[tilespmem:$0x5980] =	vst v63  }
0x5a: {  	_ =	swait.ge [sflag:s6], $0x2800  }
0x5b: {  	[sflag:s6] =	ssyncset.done $0x0  }
0x5c: {  	[sflag:s6] =	ssyncadd.s32 $0xFFFFD800  }
0x5d: {  	s11 =	simm.s32 $0x5000;
	s10 =	simm.s32 $0x200;
	[bflag:$0x0] =	sbarrier.arrive $0xFFFF  }
0x5e: {  	[spmem:s1] =	stream.indirect.scatter.add.f32 [tilespmem:s11], [sflag:$0x1], $0x1, s3, s10, $0xb8;
	[tilespmem:$0x5980] =	vst v63  }
0x5f: {  	_ = 	snop  }
0x60: {  	[spmem:s2] =	stream.indirect.scatter.add.f32 [tilespmem:s11], [sflag:$0x1], $0x1, s9, s10, $0xb8;
	[tilespmem:$0x5980] =	vst v63  }
0x61: {  	s12 =	rddreg [dreg:$0x9]  }
0x62: {  	[spmem:s1] =	stream.indirect.scatter.add.f32 [tilespmem:s11], [sflag:$0x1], $0x1, s10, s10, $0xb8;
	[tilespmem:$0x5980] =	vst v63  }
0x63: {  	s13 =	rddreg [dreg:$0xa]  }
0x64: {  	[spmem:s2] =	stream.indirect.scatter.add.f32 [tilespmem:s11], [sflag:$0x1], $0x1, s12, s10, $0xb8;
	[tilespmem:$0x5980] =	vst v63  }
0x65: {  	s21 =	rddreg [dreg:$0xb]  }
0x66: {  	[spmem:s1] =	stream.indirect.scatter.add.f32 [tilespmem:s11], [sflag:$0x1], $0x1, s13, s10, $0xb8;
	[tilespmem:$0x5980] =	vst v63  }
0x67: {  	s22 =	rddreg [dreg:$0xc]  }
0x68: {  	[spmem:s2] =	stream.indirect.scatter.add.f32 [tilespmem:s11], [sflag:$0x1], $0x1, s21, s10, $0xb8;
	[tilespmem:$0x5980] =	vst v63  }
0x69: {  	s23 =	rddreg [dreg:$0xd]  }
0x6a: {  	[spmem:s1] =	stream.indirect.scatter.add.f32 [tilespmem:s11], [sflag:$0x1], $0x1, s22, s10, $0xb8;
	[tilespmem:$0x5980] =	vst v63  }
0x6b: {  	s24 =	rddreg [dreg:$0xe]  }
0x6c: {  	[spmem:s2] =	stream.indirect.scatter.add.f32 [tilespmem:s11], [sflag:$0x1], $0x1, s23, s10, $0xb8;
	[tilespmem:$0x5980] =	vst v63  }
0x6d: {  	s25 =	rddreg [dreg:$0xf]  }
0x6e: {  	[spmem:s1] =	stream.indirect.scatter.add.f32 [tilespmem:s11], [sflag:$0x1], $0x1, s24, s10, $0xb8;
	[tilespmem:$0x5980] =	vst v63  }
0x6f: {  	s26 =	rddreg [dreg:$0x10]  }
0x70: {  	[spmem:s2] =	stream.indirect.scatter.add.f32 [tilespmem:s11], [sflag:$0x1], $0x1, s25, s10, $0xb8;
	[tilespmem:$0x5980] =	vst v63  }
0x71: {  	s31 =	rddreg [dreg:$0x11]  }
0x72: {  	[spmem:s1] =	stream.indirect.scatter.add.f32 [tilespmem:s11], [sflag:$0x1], $0x1, s26, s10, $0xb8;
	[tilespmem:$0x5980] =	vst v63  }
0x73: {  	s4 =	rddreg [dreg:$0x12]  }
0x74: {  	[spmem:s2] =	stream.indirect.scatter.add.f32 [tilespmem:s11], [sflag:$0x1], $0x1, s31, s10, $0xb8;
	[tilespmem:$0x5980] =	vst v63  }
0x75: {  	s14 =	rddreg [dreg:$0x13]  }
0x76: {  	[spmem:s1] =	stream.indirect.scatter.add.f32 [tilespmem:s11], [sflag:$0x1], $0x1, s4, s10, $0xb8;
	[tilespmem:$0x5980] =	vst v63  }
0x77: {  	s15 =	rddreg [dreg:$0x14]  }
0x78: {  	[spmem:s2] =	stream.indirect.scatter.add.f32 [tilespmem:s11], [sflag:$0x1], $0x1, s14, s10, $0xb8;
	[tilespmem:$0x5980] =	vst v63  }
0x79: {  	s16 =	rddreg [dreg:$0x15]  }
0x7a: {  	[spmem:s1] =	stream.indirect.scatter.add.f32 [tilespmem:s11], [sflag:$0x1], $0x1, s15, s10, $0xb8;
	[tilespmem:$0x5980] =	vst v63  }
0x7b: {  	s17 =	rddreg [dreg:$0x16]  }
0x7c: {  	[spmem:s2] =	stream.indirect.scatter.add.f32 [tilespmem:s11], [sflag:$0x1], $0x1, s16, s10, $0xb8;
	[tilespmem:$0x5980] =	vst v63  }
0x7d: {  	s18 =	rddreg [dreg:$0x17]  }
0x7e: {  	[spmem:s1] =	stream.indirect.scatter.add.f32 [tilespmem:s11], [sflag:$0x1], $0x1, s17, s10, $0xb8;
	[tilespmem:$0x5980] =	vst v63  }
0x7f: {  	s19 =	rddreg [dreg:$0x18]  }
0x80: {  	[spmem:s2] =	stream.indirect.scatter.add.f32 [tilespmem:s11], [sflag:$0x1], $0x1, s18, s10, $0xb8;
	[tilespmem:$0x5980] =	vst v63  }
0x81: {  	s20 =	rddreg [dreg:$0x19]  }
0x82: {  	[spmem:s1] =	stream.indirect.scatter.add.f32 [tilespmem:s11], [sflag:$0x1], $0x1, s19, s10, $0xb8;
	[tilespmem:$0x5980] =	vst v63  }
0x83: {  	s21 =	rddreg [dreg:$0x1a]  }
0x84: {  	[spmem:s2] =	stream.indirect.scatter.add.f32 [tilespmem:s11], [sflag:$0x1], $0x1, s20, s10, $0xb8;
	[tilespmem:$0x5980] =	vst v63  }
0x85: {  	s22 =	rddreg [dreg:$0x1b]  }
0x86: {  	[spmem:s1] =	stream.indirect.scatter.add.f32 [tilespmem:s11], [sflag:$0x1], $0x1, s21, s10, $0xb8;
	[tilespmem:$0x5980] =	vst v63  }
0x87: {  	s23 =	rddreg [dreg:$0x1c]  }
0x88: {  	[spmem:s2] =	stream.indirect.scatter.add.f32 [tilespmem:s11], [sflag:$0x1], $0x1, s22, s10, $0xb8;
	[tilespmem:$0x5980] =	vst v63  }
0x89: {  	s24 =	rddreg [dreg:$0x1d]  }
0x8a: {  	[spmem:s1] =	stream.indirect.scatter.add.f32 [tilespmem:s11], [sflag:$0x1], $0x1, s23, s10, $0xb8;
	[tilespmem:$0x5980] =	vst v63  }
0x8b: {  	s25 =	rddreg [dreg:$0x1e]  }
0x8c: {  	[spmem:s2] =	stream.indirect.scatter.add.f32 [tilespmem:s11], [sflag:$0x1], $0x1, s24, s10, $0xb8;
	[tilespmem:$0x5980] =	vst v63  }
0x8d: {  	s26 =	rddreg [dreg:$0x1f]  }
0x8e: {  	[spmem:s1] =	stream.indirect.scatter.add.f32 [tilespmem:s11], [sflag:$0x1], $0x1, s25, s10, $0xb8;
	[tilespmem:$0x5980] =	vst v63  }
0x8f: {  	s31 =	sld [smem:$0x7FD]  }
0x90: {  	[spmem:s2] =	stream.indirect.scatter.add.f32 [tilespmem:s11], [sflag:$0x1], $0x1, s26, s10, $0xb8;
	[tilespmem:$0x5980] =	vst v63  }
0x91: {  	_ = 	snop  }
0x92: {  	[spmem:s1] =	stream.indirect.scatter.add.f32 [tilespmem:s11], [sflag:$0x1], $0x1, s31, s10, $0xb8;
	[tilespmem:$0x5980] =	vst v63  }
0x93: {  	s12 =	simm.s32 $0x4200  }
0x94: {  	[spmem:s2] =	stream.indirect.scatter.add.f32 [tilespmem:s11], [sflag:$0x1], $0x1, s12, s10, $0xb8;
	[tilespmem:$0x5980] =	vst v63  }
0x95: {  	s13 =	simm.s32 $0x1C00  }
0x96: {  	[spmem:s1] =	stream.indirect.scatter.add.f32 [tilespmem:s11], [sflag:$0x1], $0x1, s13, s10, $0xb8;
	[tilespmem:$0x5980] =	vst v63  }
0x97: {  	s14 =	simm.s32 $0x4400  }
0x98: {  	[spmem:s2] =	stream.indirect.scatter.add.f32 [tilespmem:s11], [sflag:$0x1], $0x1, s14, s10, $0xb8;
	[tilespmem:$0x5980] =	vst v63  }
0x99: {  	s15 =	simm.s32 $0x1E00  }
0x9a: {  	[spmem:s1] =	stream.indirect.scatter.add.f32 [tilespmem:s11], [sflag:$0x1], $0x1, s15, s10, $0xb8;
	[tilespmem:$0x5980] =	vst v63  }
0x9b: {  	s16 =	simm.s32 $0x4600  }
0x9c: {  	[spmem:s2] =	stream.indirect.scatter.add.f32 [tilespmem:s11], [sflag:$0x1], $0x1, s16, s10, $0xb8;
	[tilespmem:$0x5980] =	vst v63  }
0x9d: {  	s17 =	simm.s32 $0x2000  }
0x9e: {  	[spmem:s1] =	stream.indirect.scatter.add.f32 [tilespmem:s11], [sflag:$0x1], $0x1, s17, s10, $0xb8;
	[tilespmem:$0x5980] =	vst v63  }
0x9f: {  	s18 =	simm.s32 $0x4800  }
0xa0: {  	[spmem:s2] =	stream.indirect.scatter.add.f32 [tilespmem:s11], [sflag:$0x1], $0x1, s18, s10, $0xb8;
	[tilespmem:$0x5980] =	vst v63  }
0xa1: {  	s19 =	simm.s32 $0x2200  }
0xa2: {  	[spmem:s1] =	stream.indirect.scatter.add.f32 [tilespmem:s11], [sflag:$0x1], $0x1, s19, s10, $0xb8;
	[tilespmem:$0x5980] =	vst v63  }
0xa3: {  	s20 =	simm.s32 $0x4A00  }
0xa4: {  	[spmem:s2] =	stream.indirect.scatter.add.f32 [tilespmem:s11], [sflag:$0x1], $0x1, s20, s10, $0xb8;
	[tilespmem:$0x5980] =	vst v63  }
0xa5: {  	s21 =	simm.s32 $0x2400  }
0xa6: {  	[spmem:s1] =	stream.indirect.scatter.add.f32 [tilespmem:s11], [sflag:$0x1], $0x1, s21, s10, $0xb8;
	[tilespmem:$0x5980] =	vst v63  }
0xa7: {  	s22 =	simm.s32 $0x4C00  }
0xa8: {  	[spmem:s2] =	stream.indirect.scatter.add.f32 [tilespmem:s11], [sflag:$0x1], $0x1, s22, s10, $0xb8;
	[tilespmem:$0x5980] =	vst v63  }
0xa9: {  	s23 =	simm.s32 $0x2600  }
0xaa: {  	[spmem:s1] =	stream.indirect.scatter.add.f32 [tilespmem:s11], [sflag:$0x1], $0x1, s23, s10, $0xb8;
	[tilespmem:$0x5980] =	vst v63  }
0xab: {  	s24 =	simm.s32 $0x4E00;
	s25 =	simm.s32 $0x1  }
0xac: {  	[spmem:s2] =	stream.indirect.scatter.add.f32 [tilespmem:s11], [sflag:$0x1], $0x1, s24, s10, $0xb8;
	[tilespmem:$0x5980] =	vst v63  }
0xad: {  	_ =	swait.ge [sflag:s25], $0x200  }
0xae: {  	[sflag:s25] =	ssyncset.done $0x0  }
0xaf: {  	[sflag:s25] =	ssyncadd.s32 $0xFFFFFE00  }
0xb0: {  	_ =	swait.ge [sflag:s25], $0x200  }
0xb1: {  	[sflag:s25] =	ssyncset.done $0x0  }
0xb2: {  	[sflag:s25] =	ssyncadd.s32 $0xFFFFFE00  }
0xb3: {  	_ =	swait.ge [sflag:s25], $0x200  }
0xb4: {  	[sflag:s25] =	ssyncset.done $0x0  }
0xb5: {  	[sflag:s25] =	ssyncadd.s32 $0xFFFFFE00  }
0xb6: {  	_ =	swait.ge [sflag:s25], $0x200  }
0xb7: {  	[sflag:s25] =	ssyncset.done $0x0  }
0xb8: {  	[sflag:s25] =	ssyncadd.s32 $0xFFFFFE00  }
0xb9: {  	_ =	swait.ge [sflag:s25], $0x200  }
0xba: {  	[sflag:s25] =	ssyncset.done $0x0  }
0xbb: {  	[sflag:s25] =	ssyncadd.s32 $0xFFFFFE00  }
0xbc: {  	_ =	swait.ge [sflag:s25], $0x200  }
0xbd: {  	[sflag:s25] =	ssyncset.done $0x0  }
0xbe: {  	[sflag:s25] =	ssyncadd.s32 $0xFFFFFE00  }
0xbf: {  	_ =	swait.ge [sflag:s25], $0x200  }
0xc0: {  	[sflag:s25] =	ssyncset.done $0x0  }
0xc1: {  	[sflag:s25] =	ssyncadd.s32 $0xFFFFFE00  }
0xc2: {  	_ =	swait.ge [sflag:s25], $0x200  }
0xc3: {  	[sflag:s25] =	ssyncset.done $0x0  }
0xc4: {  	[sflag:s25] =	ssyncadd.s32 $0xFFFFFE00  }
0xc5: {  	_ =	swait.ge [sflag:s25], $0x200  }
0xc6: {  	[sflag:s25] =	ssyncset.done $0x0  }
0xc7: {  	[sflag:s25] =	ssyncadd.s32 $0xFFFFFE00  }
0xc8: {  	_ =	swait.ge [sflag:s25], $0x200  }
0xc9: {  	[sflag:s25] =	ssyncset.done $0x0  }
0xca: {  	[sflag:s25] =	ssyncadd.s32 $0xFFFFFE00  }
0xcb: {  	_ =	swait.ge [sflag:s25], $0x200  }
0xcc: {  	[sflag:s25] =	ssyncset.done $0x0  }
0xcd: {  	[sflag:s25] =	ssyncadd.s32 $0xFFFFFE00  }
0xce: {  	_ =	swait.ge [sflag:s25], $0x200  }
0xcf: {  	[sflag:s25] =	ssyncset.done $0x0  }
0xd0: {  	[sflag:s25] =	ssyncadd.s32 $0xFFFFFE00  }
0xd1: {  	_ =	swait.ge [sflag:s25], $0x200  }
0xd2: {  	[sflag:s25] =	ssyncset.done $0x0  }
0xd3: {  	[sflag:s25] =	ssyncadd.s32 $0xFFFFFE00  }
0xd4: {  	_ =	swait.ge [sflag:s25], $0x200  }
0xd5: {  	[sflag:s25] =	ssyncset.done $0x0  }
0xd6: {  	[sflag:s25] =	ssyncadd.s32 $0xFFFFFE00  }
0xd7: {  	_ =	swait.ge [sflag:s25], $0x200  }
0xd8: {  	[sflag:s25] =	ssyncset.done $0x0  }
0xd9: {  	[sflag:s25] =	ssyncadd.s32 $0xFFFFFE00  }
0xda: {  	_ =	swait.ge [sflag:s25], $0x200  }
0xdb: {  	[sflag:s25] =	ssyncset.done $0x0  }
0xdc: {  	[sflag:s25] =	ssyncadd.s32 $0xFFFFFE00  }
0xdd: {  	_ =	swait.ge [sflag:s25], $0x200  }
0xde: {  	[sflag:s25] =	ssyncset.done $0x0  }
0xdf: {  	[sflag:s25] =	ssyncadd.s32 $0xFFFFFE00  }
0xe0: {  	_ =	swait.ge [sflag:s25], $0x200  }
0xe1: {  	[sflag:s25] =	ssyncset.done $0x0  }
0xe2: {  	[sflag:s25] =	ssyncadd.s32 $0xFFFFFE00  }
0xe3: {  	_ =	swait.ge [sflag:s25], $0x200  }
0xe4: {  	[sflag:s25] =	ssyncset.done $0x0  }
0xe5: {  	[sflag:s25] =	ssyncadd.s32 $0xFFFFFE00  }
0xe6: {  	_ =	swait.ge [sflag:s25], $0x200  }
0xe7: {  	[sflag:s25] =	ssyncset.done $0x0  }
0xe8: {  	[sflag:s25] =	ssyncadd.s32 $0xFFFFFE00  }
0xe9: {  	_ =	swait.ge [sflag:s25], $0x200  }
0xea: {  	[sflag:s25] =	ssyncset.done $0x0  }
0xeb: {  	[sflag:s25] =	ssyncadd.s32 $0xFFFFFE00  }
0xec: {  	_ =	swait.ge [sflag:s25], $0x200  }
0xed: {  	[sflag:s25] =	ssyncset.done $0x0  }
0xee: {  	[sflag:s25] =	ssyncadd.s32 $0xFFFFFE00  }
0xef: {  	_ =	swait.ge [sflag:s25], $0x200  }
0xf0: {  	[sflag:s25] =	ssyncset.done $0x0  }
0xf1: {  	[sflag:s25] =	ssyncadd.s32 $0xFFFFFE00  }
0xf2: {  	_ =	swait.ge [sflag:s25], $0x200  }
0xf3: {  	[sflag:s25] =	ssyncset.done $0x0  }
0xf4: {  	[sflag:s25] =	ssyncadd.s32 $0xFFFFFE00  }
0xf5: {  	_ =	swait.ge [sflag:s25], $0x200  }
0xf6: {  	[sflag:s25] =	ssyncset.done $0x0  }
0xf7: {  	[sflag:s25] =	ssyncadd.s32 $0xFFFFFE00  }
0xf8: {  	_ =	swait.ge [sflag:s25], $0x200  }
0xf9: {  	[sflag:s25] =	ssyncset.done $0x0  }
0xfa: {  	[sflag:s25] =	ssyncadd.s32 $0xFFFFFE00  }
0xfb: {  	_ =	swait.ge [sflag:s25], $0x200  }
0xfc: {  	[sflag:s25] =	ssyncset.done $0x0  }
0xfd: {  	[sflag:s25] =	ssyncadd.s32 $0xFFFFFE00  }
0xfe: {  	_ =	swait.ge [sflag:s25], $0x200  }
0xff: {  	[sflag:s25] =	ssyncset.done $0x0  }
0x100: {  	[sflag:s25] =	ssyncadd.s32 $0xFFFFFE00  }
0x101: {  	_ =	swait.ge [sflag:s25], $0x200  }
0x102: {  	[sflag:s25] =	ssyncset.done $0x0  }
0x103: {  	[sflag:s25] =	ssyncadd.s32 $0xFFFFFE00  }
0x104: {  	_ =	swait.ge [sflag:s25], $0x200  }
0x105: {  	[sflag:s25] =	ssyncset.done $0x0  }
0x106: {  	[sflag:s25] =	ssyncadd.s32 $0xFFFFFE00  }
0x107: {  	_ =	swait.ge [sflag:s25], $0x200  }
0x108: {  	[sflag:s25] =	ssyncset.done $0x0  }
0x109: {  	[sflag:s25] =	ssyncadd.s32 $0xFFFFFE00  }
0x10a: {  	_ =	swait.ge [sflag:s25], $0x200  }
0x10b: {  	[sflag:s25] =	ssyncset.done $0x0  }
0x10c: {  	[sflag:s25] =	ssyncadd.s32 $0xFFFFFE00  }
0x10d: {  	_ =	swait.ge [sflag:s25], $0x200  }
0x10e: {  	[sflag:s25] =	ssyncset.done $0x0  }
0x10f: {  	[sflag:s25] =	ssyncadd.s32 $0xFFFFFE00  }
0x110: {  	_ =	swait.ge [sflag:s25], $0x200  }
0x111: {  	[sflag:s25] =	ssyncset.done $0x0  }
0x112: {  	[sflag:s25] =	ssyncadd.s32 $0xFFFFFE00  }
0x113: {  	_ =	swait.ge [sflag:s25], $0x200  }
0x114: {  	[sflag:s25] =	ssyncset.done $0x0  }
0x115: {  	[sflag:s25] =	ssyncadd.s32 $0xFFFFFE00  }
0x116: {  	_ =	swait.ge [sflag:s25], $0x200  }
0x117: {  	[sflag:s25] =	ssyncset.done $0x0  }
0x118: {  	[sflag:s25] =	ssyncadd.s32 $0xFFFFFE00  }
0x119: {  	_ =	swait.ge [sflag:s25], $0x200  }
0x11a: {  	[sflag:s25] =	ssyncset.done $0x0  }
0x11b: {  	[sflag:s25] =	ssyncadd.s32 $0xFFFFFE00  }
0x11c: {  	_ =	swait.ge [sflag:s25], $0x200  }
0x11d: {  	[sflag:s25] =	ssyncset.done $0x0  }
0x11e: {  	[sflag:s25] =	ssyncadd.s32 $0xFFFFFE00  }
0x11f: {  	_ =	swait.ge [sflag:s25], $0x200  }
0x120: {  	[sflag:s25] =	ssyncset.done $0x0  }
0x121: {  	[sflag:s25] =	ssyncadd.s32 $0xFFFFFE00  }
0x122: {  	_ =	swait.ge [sflag:s25], $0x200  }
0x123: {  	[sflag:s25] =	ssyncset.done $0x0  }
0x124: {  	[sflag:s25] =	ssyncadd.s32 $0xFFFFFE00  }
0x125: {  	s29 =	ssub.s32 $0x2, s29;
	s26 =	sshll.u32 s0, $0x6;
	[bflag:$0x0] =	sbarrier.arrive $0xFFFF  }
0x126: {  	s28 =	sshrl.u32 s5, $0x3;
	s26 =	sor.u32 $0x1C02, s26;
	s30 =	rddreg [dreg:$0x7]  }
0x127: {  	[hbm:s30], [sflag:s26] =	dma.local [spmem:s28], $0x50  }
0x128: {  	s31 =	sshrl.u32 s29, $0x1;
	_ =	swait.ge [sflag:s6], $0x50  }
0x129: {  	s31 =	ssub.s32 s29, s31;
	[sflag:s6] =	ssyncset.done $0x0  }
0x12a: {  	s29 =	sshrl.u32 s8, $0x3;
	s30 =	rddreg [dreg:$0x8];
	[sflag:s6] =	ssyncadd.s32 $0xFFFFFFB0  }
0x12b: {  	[hbm:s30], [sflag:s26] =	dma.local [spmem:s29], $0x50  }
0x12c: {  	s30 =	smax.u32 s31, $0x1  }
0x12d: {  	p0 =	sne.s32 s30, $0x1  }
.Ltmp0:
0x12e: {  	_ = 	snop;
	(pc) =	sbr.rel @!p0 .LBB2_2-.Ltmp0, $2  }
0x12f: {  	_ =	sdelay $0x2  }
0x130: {  	s30 =	sadd.s32 $0xFFFFFFFF, s30;
	_ =	swait.ge [sflag:s6], $0x50  }
.LBB2_1:
0x131: {  	[sflag:s6] =	ssyncset.done $0x0  }
0x132: {  	[sflag:s6] =	ssyncadd.s32 $0xFFFFFFB0  }
0x133: {  	[tilespmem:$0x5030] =	vst v0  }
0x134: {  	[tilespmem:$0x5040] =	vst v0  }
0x135: {  	[tilespmem:$0x5050] =	vst v0  }
0x136: {  	[tilespmem:$0x5060] =	vst v0  }
0x137: {  	[tilespmem:$0x5070] =	vst v0  }
0x138: {  	[tilespmem:$0x5080] =	vst v0  }
0x139: {  	[tilespmem:$0x5090] =	vst v0  }
0x13a: {  	[tilespmem:$0x50A0] =	vst v0  }
0x13b: {  	[tilespmem:$0x50B0] =	vst v0  }
0x13c: {  	[tilespmem:$0x50C0] =	vst v0  }
0x13d: {  	[tilespmem:$0x50D0] =	vst v0  }
0x13e: {  	[tilespmem:$0x50E0] =	vst v0  }
0x13f: {  	[tilespmem:$0x50F0] =	vst v0  }
0x140: {  	[tilespmem:$0x5100] =	vst v0  }
0x141: {  	[tilespmem:$0x5110] =	vst v0  }
0x142: {  	[tilespmem:$0x5120] =	vst v0  }
0x143: {  	[tilespmem:$0x5130] =	vst v0  }
0x144: {  	[tilespmem:$0x5140] =	vst v0  }
0x145: {  	[tilespmem:$0x5150] =	vst v0  }
0x146: {  	[tilespmem:$0x5160] =	vst v0  }
0x147: {  	[tilespmem:$0x5170] =	vst v0  }
0x148: {  	[tilespmem:$0x5180] =	vst v0  }
0x149: {  	[tilespmem:$0x5190] =	vst v0  }
0x14a: {  	[tilespmem:$0x51A0] =	vst v0  }
0x14b: {  	[tilespmem:$0x51B0] =	vst v0  }
0x14c: {  	[tilespmem:$0x51C0] =	vst v0  }
0x14d: {  	[tilespmem:$0x51D0] =	vst v0  }
0x14e: {  	[tilespmem:$0x51E0] =	vst v0  }
0x14f: {  	[tilespmem:$0x51F0] =	vst v0  }
0x150: {  	[tilespmem:$0x5200] =	vst v1  }
0x151: {  	[tilespmem:$0x5210] =	vst v1  }
0x152: {  	[tilespmem:$0x5220] =	vst v1  }
0x153: {  	[tilespmem:$0x5230] =	vst v1  }
0x154: {  	[tilespmem:$0x5000] =	vst v0  }
0x155: {  	[tilespmem:$0x5470] =	vst v1  }
0x156: {  	[tilespmem:$0x5460] =	vst v1  }
0x157: {  	[tilespmem:$0x5450] =	vst v1  }
0x158: {  	[tilespmem:$0x5440] =	vst v1  }
0x159: {  	[tilespmem:$0x5430] =	vst v1  }
0x15a: {  	[tilespmem:$0x5420] =	vst v1  }
0x15b: {  	[tilespmem:$0x5410] =	vst v1  }
0x15c: {  	[tilespmem:$0x5400] =	vst v1  }
0x15d: {  	[tilespmem:$0x53F0] =	vst v1  }
0x15e: {  	[tilespmem:$0x53E0] =	vst v1  }
0x15f: {  	[tilespmem:$0x53D0] =	vst v1  }
0x160: {  	[tilespmem:$0x53C0] =	vst v1  }
0x161: {  	[tilespmem:$0x53B0] =	vst v1  }
0x162: {  	[tilespmem:$0x53A0] =	vst v1  }
0x163: {  	[tilespmem:$0x5390] =	vst v1  }
0x164: {  	[tilespmem:$0x5380] =	vst v1  }
0x165: {  	[tilespmem:$0x5370] =	vst v1  }
0x166: {  	[tilespmem:$0x5360] =	vst v1  }
0x167: {  	[tilespmem:$0x5350] =	vst v1  }
0x168: {  	[tilespmem:$0x5340] =	vst v1  }
0x169: {  	[tilespmem:$0x5330] =	vst v1  }
0x16a: {  	[tilespmem:$0x5320] =	vst v1  }
0x16b: {  	[tilespmem:$0x5310] =	vst v1  }
0x16c: {  	[tilespmem:$0x5300] =	vst v1  }
0x16d: {  	[tilespmem:$0x52F0] =	vst v1  }
0x16e: {  	[tilespmem:$0x52E0] =	vst v1  }
0x16f: {  	[tilespmem:$0x52D0] =	vst v1  }
0x170: {  	[tilespmem:$0x52C0] =	vst v1  }
0x171: {  	[tilespmem:$0x52B0] =	vst v1  }
0x172: {  	[tilespmem:$0x52A0] =	vst v1  }
0x173: {  	[tilespmem:$0x5290] =	vst v1  }
0x174: {  	[tilespmem:$0x5280] =	vst v1  }
0x175: {  	[tilespmem:$0x5270] =	vst v1  }
0x176: {  	[tilespmem:$0x5260] =	vst v1  }
0x177: {  	[tilespmem:$0x5250] =	vst v1  }
0x178: {  	[tilespmem:$0x5240] =	vst v1  }
0x179: {  	[tilespmem:$0x5020] =	vst v0  }
0x17a: {  	[tilespmem:$0x5010] =	vst v0  }
0x17b: {  	[spmem:s5] =	stream.linear.scatter [tilespmem:s7], [sflag:$0x2], $0x280, $0x38;
	[tilespmem:$0x5980] =	vst v63  }
0x17c: {  	_ =	swait.ge [sflag:s6], $0x280  }
0x17d: {  	[sflag:s6] =	ssyncset.done $0x0  }
0x17e: {  	[sflag:s6] =	ssyncadd.s32 $0xFFFFFD80  }
0x17f: {  	[spmem:s8] =	stream.linear.scatter [tilespmem:s7], [sflag:$0x2], $0x280, $0x38;
	[tilespmem:$0x5980] =	vst v63  }
0x180: {  	_ =	swait.ge [sflag:s6], $0x280  }
0x181: {  	[sflag:s6] =	ssyncset.done $0x0  }
0x182: {  	s31 =	rddreg [dreg:$0x5];
	[sflag:s6] =	ssyncadd.s32 $0xFFFFFD80  }
0x183: {  	[tilespmem:s3], [sflag:$0x2] =	stream.linear.gather [hbm4b:s31+s3], $0x2800, $0x38;
	[tilespmem:$0x5980] =	vst v63  }
0x184: {  	_ =	swait.ge [sflag:s6], $0x2800  }
0x185: {  	[sflag:s6] =	ssyncset.done $0x0  }
0x186: {  	s0 =	rddreg [dreg:$0x6];
	[sflag:s6] =	ssyncadd.s32 $0xFFFFD800  }
0x187: {  	[tilespmem:s9], [sflag:$0x2] =	stream.linear.gather [hbm4b:s0+s3], $0x2800, $0x38;
	[tilespmem:$0x5980] =	vst v63  }
0x188: {  	_ =	swait.ge [sflag:s6], $0x2800  }
0x189: {  	[sflag:s6] =	ssyncset.done $0x0  }
0x18a: {  	[sflag:s6] =	ssyncadd.s32 $0xFFFFD800  }
0x18b: {  	[bflag:$0x0] =	sbarrier.arrive $0xFFFF  }
0x18c: {  	[spmem:s1] =	stream.indirect.scatter.add.f32 [tilespmem:s11], [sflag:$0x1], $0x1, s3, s10, $0xb8;
	[tilespmem:$0x5980] =	vst v63  }
0x18d: {  	_ = 	snop  }
0x18e: {  	[spmem:s2] =	stream.indirect.scatter.add.f32 [tilespmem:s11], [sflag:$0x1], $0x1, s9, s10, $0xb8;
	[tilespmem:$0x5980] =	vst v63  }
0x18f: {  	s31 =	rddreg [dreg:$0x9]  }
0x190: {  	[spmem:s1] =	stream.indirect.scatter.add.f32 [tilespmem:s11], [sflag:$0x1], $0x1, s10, s10, $0xb8;
	[tilespmem:$0x5980] =	vst v63  }
0x191: {  	s0 =	rddreg [dreg:$0xa]  }
0x192: {  	[spmem:s2] =	stream.indirect.scatter.add.f32 [tilespmem:s11], [sflag:$0x1], $0x1, s31, s10, $0xb8;
	[tilespmem:$0x5980] =	vst v63  }
0x193: {  	s4 =	rddreg [dreg:$0xb]  }
0x194: {  	[spmem:s1] =	stream.indirect.scatter.add.f32 [tilespmem:s11], [sflag:$0x1], $0x1, s0, s10, $0xb8;
	[tilespmem:$0x5980] =	vst v63  }
0x195: {  	s31 =	rddreg [dreg:$0xc]  }
0x196: {  	[spmem:s2] =	stream.indirect.scatter.add.f32 [tilespmem:s11], [sflag:$0x1], $0x1, s4, s10, $0xb8;
	[tilespmem:$0x5980] =	vst v63  }
0x197: {  	s0 =	rddreg [dreg:$0xf]  }
0x198: {  	[spmem:s1] =	stream.indirect.scatter.add.f32 [tilespmem:s11], [sflag:$0x1], $0x1, s31, s10, $0xb8;
	[tilespmem:$0x5980] =	vst v63  }
0x199: {  	s4 =	rddreg [dreg:$0xd]  }
0x19a: {  	[spmem:s2] =	stream.indirect.scatter.add.f32 [tilespmem:s11], [sflag:$0x1], $0x1, s4, s10, $0xb8;
	[tilespmem:$0x5980] =	vst v63  }
0x19b: {  	s31 =	rddreg [dreg:$0xe]  }
0x19c: {  	[spmem:s1] =	stream.indirect.scatter.add.f32 [tilespmem:s11], [sflag:$0x1], $0x1, s31, s10, $0xb8;
	[tilespmem:$0x5980] =	vst v63  }
0x19d: {  	s4 =	rddreg [dreg:$0x11]  }
0x19e: {  	[spmem:s2] =	stream.indirect.scatter.add.f32 [tilespmem:s11], [sflag:$0x1], $0x1, s0, s10, $0xb8;
	[tilespmem:$0x5980] =	vst v63  }
0x19f: {  	s31 =	rddreg [dreg:$0x10]  }
0x1a0: {  	[spmem:s1] =	stream.indirect.scatter.add.f32 [tilespmem:s11], [sflag:$0x1], $0x1, s31, s10, $0xb8;
	[tilespmem:$0x5980] =	vst v63  }
0x1a1: {  	s0 =	rddreg [dreg:$0x13]  }
0x1a2: {  	[spmem:s2] =	stream.indirect.scatter.add.f32 [tilespmem:s11], [sflag:$0x1], $0x1, s4, s10, $0xb8;
	[tilespmem:$0x5980] =	vst v63  }
0x1a3: {  	s31 =	rddreg [dreg:$0x12]  }
0x1a4: {  	[spmem:s1] =	stream.indirect.scatter.add.f32 [tilespmem:s11], [sflag:$0x1], $0x1, s31, s10, $0xb8;
	[tilespmem:$0x5980] =	vst v63  }
0x1a5: {  	s4 =	rddreg [dreg:$0x15]  }
0x1a6: {  	[spmem:s2] =	stream.indirect.scatter.add.f32 [tilespmem:s11], [sflag:$0x1], $0x1, s0, s10, $0xb8;
	[tilespmem:$0x5980] =	vst v63  }
0x1a7: {  	s31 =	rddreg [dreg:$0x14]  }
0x1a8: {  	[spmem:s1] =	stream.indirect.scatter.add.f32 [tilespmem:s11], [sflag:$0x1], $0x1, s31, s10, $0xb8;
	[tilespmem:$0x5980] =	vst v63  }
0x1a9: {  	s0 =	rddreg [dreg:$0x16]  }
0x1aa: {  	[spmem:s2] =	stream.indirect.scatter.add.f32 [tilespmem:s11], [sflag:$0x1], $0x1, s4, s10, $0xb8;
	[tilespmem:$0x5980] =	vst v63  }
0x1ab: {  	s31 =	rddreg [dreg:$0x17]  }
0x1ac: {  	[spmem:s1] =	stream.indirect.scatter.add.f32 [tilespmem:s11], [sflag:$0x1], $0x1, s0, s10, $0xb8;
	[tilespmem:$0x5980] =	vst v63  }
0x1ad: {  	s4 =	rddreg [dreg:$0x18]  }
0x1ae: {  	[spmem:s2] =	stream.indirect.scatter.add.f32 [tilespmem:s11], [sflag:$0x1], $0x1, s31, s10, $0xb8;
	[tilespmem:$0x5980] =	vst v63  }
0x1af: {  	s0 =	rddreg [dreg:$0x19]  }
0x1b0: {  	[spmem:s1] =	stream.indirect.scatter.add.f32 [tilespmem:s11], [sflag:$0x1], $0x1, s4, s10, $0xb8;
	[tilespmem:$0x5980] =	vst v63  }
0x1b1: {  	s31 =	rddreg [dreg:$0x1a]  }
0x1b2: {  	[spmem:s2] =	stream.indirect.scatter.add.f32 [tilespmem:s11], [sflag:$0x1], $0x1, s0, s10, $0xb8;
	[tilespmem:$0x5980] =	vst v63  }
0x1b3: {  	s4 =	rddreg [dreg:$0x1b]  }
0x1b4: {  	[spmem:s1] =	stream.indirect.scatter.add.f32 [tilespmem:s11], [sflag:$0x1], $0x1, s31, s10, $0xb8;
	[tilespmem:$0x5980] =	vst v63  }
0x1b5: {  	s0 =	rddreg [dreg:$0x1c]  }
0x1b6: {  	[spmem:s2] =	stream.indirect.scatter.add.f32 [tilespmem:s11], [sflag:$0x1], $0x1, s4, s10, $0xb8;
	[tilespmem:$0x5980] =	vst v63  }
0x1b7: {  	s31 =	rddreg [dreg:$0x1d]  }
0x1b8: {  	[spmem:s1] =	stream.indirect.scatter.add.f32 [tilespmem:s11], [sflag:$0x1], $0x1, s0, s10, $0xb8;
	[tilespmem:$0x5980] =	vst v63  }
0x1b9: {  	s4 =	rddreg [dreg:$0x1e]  }
0x1ba: {  	[spmem:s2] =	stream.indirect.scatter.add.f32 [tilespmem:s11], [sflag:$0x1], $0x1, s31, s10, $0xb8;
	[tilespmem:$0x5980] =	vst v63  }
0x1bb: {  	s0 =	rddreg [dreg:$0x1f]  }
0x1bc: {  	[spmem:s1] =	stream.indirect.scatter.add.f32 [tilespmem:s11], [sflag:$0x1], $0x1, s4, s10, $0xb8;
	[tilespmem:$0x5980] =	vst v63  }
0x1bd: {  	s31 =	sld [smem:$0x7FD]  }
0x1be: {  	[spmem:s2] =	stream.indirect.scatter.add.f32 [tilespmem:s11], [sflag:$0x1], $0x1, s0, s10, $0xb8;
	[tilespmem:$0x5980] =	vst v63  }
0x1bf: {  	_ = 	snop  }
0x1c0: {  	[spmem:s1] =	stream.indirect.scatter.add.f32 [tilespmem:s11], [sflag:$0x1], $0x1, s31, s10, $0xb8;
	[tilespmem:$0x5980] =	vst v63  }
0x1c1: {  	_ = 	snop  }
0x1c2: {  	[spmem:s2] =	stream.indirect.scatter.add.f32 [tilespmem:s11], [sflag:$0x1], $0x1, s12, s10, $0xb8;
	[tilespmem:$0x5980] =	vst v63  }
0x1c3: {  	_ = 	snop  }
0x1c4: {  	[spmem:s1] =	stream.indirect.scatter.add.f32 [tilespmem:s11], [sflag:$0x1], $0x1, s13, s10, $0xb8;
	[tilespmem:$0x5980] =	vst v63  }
0x1c5: {  	_ = 	snop  }
0x1c6: {  	[spmem:s2] =	stream.indirect.scatter.add.f32 [tilespmem:s11], [sflag:$0x1], $0x1, s14, s10, $0xb8;
	[tilespmem:$0x5980] =	vst v63  }
0x1c7: {  	_ = 	snop  }
0x1c8: {  	[spmem:s1] =	stream.indirect.scatter.add.f32 [tilespmem:s11], [sflag:$0x1], $0x1, s15, s10, $0xb8;
	[tilespmem:$0x5980] =	vst v63  }
0x1c9: {  	_ = 	snop  }
0x1ca: {  	[spmem:s2] =	stream.indirect.scatter.add.f32 [tilespmem:s11], [sflag:$0x1], $0x1, s16, s10, $0xb8;
	[tilespmem:$0x5980] =	vst v63  }
0x1cb: {  	_ = 	snop  }
0x1cc: {  	[spmem:s1] =	stream.indirect.scatter.add.f32 [tilespmem:s11], [sflag:$0x1], $0x1, s17, s10, $0xb8;
	[tilespmem:$0x5980] =	vst v63  }
0x1cd: {  	_ = 	snop  }
0x1ce: {  	[spmem:s2] =	stream.indirect.scatter.add.f32 [tilespmem:s11], [sflag:$0x1], $0x1, s18, s10, $0xb8;
	[tilespmem:$0x5980] =	vst v63  }
0x1cf: {  	_ = 	snop  }
0x1d0: {  	[spmem:s1] =	stream.indirect.scatter.add.f32 [tilespmem:s11], [sflag:$0x1], $0x1, s19, s10, $0xb8;
	[tilespmem:$0x5980] =	vst v63  }
0x1d1: {  	_ = 	snop  }
0x1d2: {  	[spmem:s2] =	stream.indirect.scatter.add.f32 [tilespmem:s11], [sflag:$0x1], $0x1, s20, s10, $0xb8;
	[tilespmem:$0x5980] =	vst v63  }
0x1d3: {  	_ = 	snop  }
0x1d4: {  	[spmem:s1] =	stream.indirect.scatter.add.f32 [tilespmem:s11], [sflag:$0x1], $0x1, s21, s10, $0xb8;
	[tilespmem:$0x5980] =	vst v63  }
0x1d5: {  	_ = 	snop  }
0x1d6: {  	[spmem:s2] =	stream.indirect.scatter.add.f32 [tilespmem:s11], [sflag:$0x1], $0x1, s22, s10, $0xb8;
	[tilespmem:$0x5980] =	vst v63  }
0x1d7: {  	_ = 	snop  }
0x1d8: {  	[spmem:s1] =	stream.indirect.scatter.add.f32 [tilespmem:s11], [sflag:$0x1], $0x1, s23, s10, $0xb8;
	[tilespmem:$0x5980] =	vst v63  }
0x1d9: {  	_ = 	snop  }
0x1da: {  	[spmem:s2] =	stream.indirect.scatter.add.f32 [tilespmem:s11], [sflag:$0x1], $0x1, s24, s10, $0xb8;
	[tilespmem:$0x5980] =	vst v63  }
0x1db: {  	_ =	swait.ge [sflag:s25], $0x200  }
0x1dc: {  	[sflag:s25] =	ssyncset.done $0x0  }
0x1dd: {  	[sflag:s25] =	ssyncadd.s32 $0xFFFFFE00  }
0x1de: {  	_ =	swait.ge [sflag:s25], $0x200  }
0x1df: {  	[sflag:s25] =	ssyncset.done $0x0  }
0x1e0: {  	[sflag:s25] =	ssyncadd.s32 $0xFFFFFE00  }
0x1e1: {  	_ =	swait.ge [sflag:s25], $0x200  }
0x1e2: {  	[sflag:s25] =	ssyncset.done $0x0  }
0x1e3: {  	[sflag:s25] =	ssyncadd.s32 $0xFFFFFE00  }
0x1e4: {  	_ =	swait.ge [sflag:s25], $0x200  }
0x1e5: {  	[sflag:s25] =	ssyncset.done $0x0  }
0x1e6: {  	[sflag:s25] =	ssyncadd.s32 $0xFFFFFE00  }
0x1e7: {  	_ =	swait.ge [sflag:s25], $0x200  }
0x1e8: {  	[sflag:s25] =	ssyncset.done $0x0  }
0x1e9: {  	[sflag:s25] =	ssyncadd.s32 $0xFFFFFE00  }
0x1ea: {  	_ =	swait.ge [sflag:s25], $0x200  }
0x1eb: {  	[sflag:s25] =	ssyncset.done $0x0  }
0x1ec: {  	[sflag:s25] =	ssyncadd.s32 $0xFFFFFE00  }
0x1ed: {  	_ =	swait.ge [sflag:s25], $0x200  }
0x1ee: {  	[sflag:s25] =	ssyncset.done $0x0  }
0x1ef: {  	[sflag:s25] =	ssyncadd.s32 $0xFFFFFE00  }
0x1f0: {  	_ =	swait.ge [sflag:s25], $0x200  }
0x1f1: {  	[sflag:s25] =	ssyncset.done $0x0  }
0x1f2: {  	[sflag:s25] =	ssyncadd.s32 $0xFFFFFE00  }
0x1f3: {  	_ =	swait.ge [sflag:s25], $0x200  }
0x1f4: {  	[sflag:s25] =	ssyncset.done $0x0  }
0x1f5: {  	[sflag:s25] =	ssyncadd.s32 $0xFFFFFE00  }
0x1f6: {  	_ =	swait.ge [sflag:s25], $0x200  }
0x1f7: {  	[sflag:s25] =	ssyncset.done $0x0  }
0x1f8: {  	[sflag:s25] =	ssyncadd.s32 $0xFFFFFE00  }
0x1f9: {  	_ =	swait.ge [sflag:s25], $0x200  }
0x1fa: {  	[sflag:s25] =	ssyncset.done $0x0  }
0x1fb: {  	[sflag:s25] =	ssyncadd.s32 $0xFFFFFE00  }
0x1fc: {  	_ =	swait.ge [sflag:s25], $0x200  }
0x1fd: {  	[sflag:s25] =	ssyncset.done $0x0  }
0x1fe: {  	[sflag:s25] =	ssyncadd.s32 $0xFFFFFE00  }
0x1ff: {  	_ =	swait.ge [sflag:s25], $0x200  }
0x200: {  	[sflag:s25] =	ssyncset.done $0x0  }
0x201: {  	[sflag:s25] =	ssyncadd.s32 $0xFFFFFE00  }
0x202: {  	_ =	swait.ge [sflag:s25], $0x200  }
0x203: {  	[sflag:s25] =	ssyncset.done $0x0  }
0x204: {  	[sflag:s25] =	ssyncadd.s32 $0xFFFFFE00  }
0x205: {  	_ =	swait.ge [sflag:s25], $0x200  }
0x206: {  	[sflag:s25] =	ssyncset.done $0x0  }
0x207: {  	[sflag:s25] =	ssyncadd.s32 $0xFFFFFE00  }
0x208: {  	_ =	swait.ge [sflag:s25], $0x200  }
0x209: {  	[sflag:s25] =	ssyncset.done $0x0  }
0x20a: {  	[sflag:s25] =	ssyncadd.s32 $0xFFFFFE00  }
0x20b: {  	_ =	swait.ge [sflag:s25], $0x200  }
0x20c: {  	[sflag:s25] =	ssyncset.done $0x0  }
0x20d: {  	[sflag:s25] =	ssyncadd.s32 $0xFFFFFE00  }
0x20e: {  	_ =	swait.ge [sflag:s25], $0x200  }
0x20f: {  	[sflag:s25] =	ssyncset.done $0x0  }
0x210: {  	[sflag:s25] =	ssyncadd.s32 $0xFFFFFE00  }
0x211: {  	_ =	swait.ge [sflag:s25], $0x200  }
0x212: {  	[sflag:s25] =	ssyncset.done $0x0  }
0x213: {  	[sflag:s25] =	ssyncadd.s32 $0xFFFFFE00  }
0x214: {  	_ =	swait.ge [sflag:s25], $0x200  }
0x215: {  	[sflag:s25] =	ssyncset.done $0x0  }
0x216: {  	[sflag:s25] =	ssyncadd.s32 $0xFFFFFE00  }
0x217: {  	_ =	swait.ge [sflag:s25], $0x200  }
0x218: {  	[sflag:s25] =	ssyncset.done $0x0  }
0x219: {  	[sflag:s25] =	ssyncadd.s32 $0xFFFFFE00  }
0x21a: {  	_ =	swait.ge [sflag:s25], $0x200  }
0x21b: {  	[sflag:s25] =	ssyncset.done $0x0  }
0x21c: {  	[sflag:s25] =	ssyncadd.s32 $0xFFFFFE00  }
0x21d: {  	_ =	swait.ge [sflag:s25], $0x200  }
0x21e: {  	[sflag:s25] =	ssyncset.done $0x0  }
0x21f: {  	[sflag:s25] =	ssyncadd.s32 $0xFFFFFE00  }
0x220: {  	_ =	swait.ge [sflag:s25], $0x200  }
0x221: {  	[sflag:s25] =	ssyncset.done $0x0  }
0x222: {  	[sflag:s25] =	ssyncadd.s32 $0xFFFFFE00  }
0x223: {  	_ =	swait.ge [sflag:s25], $0x200  }
0x224: {  	[sflag:s25] =	ssyncset.done $0x0  }
0x225: {  	[sflag:s25] =	ssyncadd.s32 $0xFFFFFE00  }
0x226: {  	_ =	swait.ge [sflag:s25], $0x200  }
0x227: {  	[sflag:s25] =	ssyncset.done $0x0  }
0x228: {  	[sflag:s25] =	ssyncadd.s32 $0xFFFFFE00  }
0x229: {  	_ =	swait.ge [sflag:s25], $0x200  }
0x22a: {  	[sflag:s25] =	ssyncset.done $0x0  }
0x22b: {  	[sflag:s25] =	ssyncadd.s32 $0xFFFFFE00  }
0x22c: {  	_ =	swait.ge [sflag:s25], $0x200  }
0x22d: {  	[sflag:s25] =	ssyncset.done $0x0  }
0x22e: {  	[sflag:s25] =	ssyncadd.s32 $0xFFFFFE00  }
0x22f: {  	_ =	swait.ge [sflag:s25], $0x200  }
0x230: {  	[sflag:s25] =	ssyncset.done $0x0  }
0x231: {  	[sflag:s25] =	ssyncadd.s32 $0xFFFFFE00  }
0x232: {  	_ =	swait.ge [sflag:s25], $0x200  }
0x233: {  	[sflag:s25] =	ssyncset.done $0x0  }
0x234: {  	[sflag:s25] =	ssyncadd.s32 $0xFFFFFE00  }
0x235: {  	_ =	swait.ge [sflag:s25], $0x200  }
0x236: {  	[sflag:s25] =	ssyncset.done $0x0  }
0x237: {  	[sflag:s25] =	ssyncadd.s32 $0xFFFFFE00  }
0x238: {  	_ =	swait.ge [sflag:s25], $0x200  }
0x239: {  	[sflag:s25] =	ssyncset.done $0x0  }
0x23a: {  	[sflag:s25] =	ssyncadd.s32 $0xFFFFFE00  }
0x23b: {  	_ =	swait.ge [sflag:s25], $0x200  }
0x23c: {  	[sflag:s25] =	ssyncset.done $0x0  }
0x23d: {  	[sflag:s25] =	ssyncadd.s32 $0xFFFFFE00  }
0x23e: {  	_ =	swait.ge [sflag:s25], $0x200  }
0x23f: {  	[sflag:s25] =	ssyncset.done $0x0  }
0x240: {  	[sflag:s25] =	ssyncadd.s32 $0xFFFFFE00  }
0x241: {  	_ =	swait.ge [sflag:s25], $0x200  }
0x242: {  	[sflag:s25] =	ssyncset.done $0x0  }
0x243: {  	[sflag:s25] =	ssyncadd.s32 $0xFFFFFE00  }
0x244: {  	_ =	swait.ge [sflag:s25], $0x200  }
0x245: {  	[sflag:s25] =	ssyncset.done $0x0  }
0x246: {  	[sflag:s25] =	ssyncadd.s32 $0xFFFFFE00  }
0x247: {  	_ =	swait.ge [sflag:s25], $0x200  }
0x248: {  	[sflag:s25] =	ssyncset.done $0x0  }
0x249: {  	[sflag:s25] =	ssyncadd.s32 $0xFFFFFE00  }
0x24a: {  	_ =	swait.ge [sflag:s25], $0x200  }
0x24b: {  	[sflag:s25] =	ssyncset.done $0x0  }
0x24c: {  	[sflag:s25] =	ssyncadd.s32 $0xFFFFFE00  }
0x24d: {  	_ =	swait.ge [sflag:s25], $0x200  }
0x24e: {  	[sflag:s25] =	ssyncset.done $0x0  }
0x24f: {  	[sflag:s25] =	ssyncadd.s32 $0xFFFFFE00  }
0x250: {  	_ =	swait.ge [sflag:s25], $0x200  }
0x251: {  	[sflag:s25] =	ssyncset.done $0x0  }
0x252: {  	[sflag:s25] =	ssyncadd.s32 $0xFFFFFE00  }
0x253: {  	[bflag:$0x0] =	sbarrier.arrive $0xFFFF  }
0x254: {  	p0 =	sne.s32 s30, $0x1;
	s4 =	rddreg [dreg:$0x7]  }
0x255: {  	[hbm:s4], [sflag:s26] =	dma.local [spmem:s28], $0x50  }
.Ltmp1:
0x256: {  	_ =	swait.ge [sflag:s6], $0x50;
	(pc) =	sbr.rel @p0 .LBB2_1-.Ltmp1, $4  }
0x257: {  	[sflag:s6] =	ssyncset.done $0x0  }
0x258: {  	s31 =	rddreg [dreg:$0x8];
	[sflag:s6] =	ssyncadd.s32 $0xFFFFFFB0  }
0x259: {  	[hbm:s31], [sflag:s26] =	dma.local [spmem:s29], $0x50  }
0x25a: {  	s30 =	sadd.s32 $0xFFFFFFFF, s30;
	_ =	swait.ge [sflag:s6], $0x50  }
.LBB2_2:
0x25b: {  	[sflag:s6] =	ssyncset.done $0x0  }
0x25c: {  	[sflag:s6] =	ssyncadd.s32 $0xFFFFFFB0  }
0x25d: {  	_ =	sfence.sel $0x180000  }
0x25e: {  	[bflag:$0x0] =	sbarrier.arrive $0xFFFF  }
0x25f: {  	_ =	strace $0x90000047  }
0x260: {  	s0 =	stileid.u32;
	[bflag:$0x2] =	sbarrier.arrive $0xFFFF  }
0x261: {  	p0 =	sne.s32 s0, $0x0;
	s0 =	rddreg [dreg:$0x4]  }
0x262: {  	s0 =	sadd.s32 @!p0 $0x100000, s0  }
0x263: {  	[sflag:s0] =	ssyncadd.tile.s32 @!p0 $0x1;
	_ =	shalt  }
.Lfunc_end2:
_tile_overlayer_lowered:
.L_overlay_start_2:
0x264: {  	(tag) =	ssettag $0x2  }
0x265: {  	s0 =	rddreg [dreg:$0x0];
	s2 =	stileid.u32  }
0x266: {  	s1 =	rddreg [dreg:$0x1];
	p0 =	sne.s32 s2, $0x0  }
0x267: {  	s3 =	rddreg [dreg:$0x2];
	[bflag:$0x3] =	sbarrier.arrive $0xFFFF;
	s2 =	simm.s32 @!p0 $0x1C02  }
0x268: {  	[timem:s3], [sflag:s2] =	dma.local @!p0 [hbm:s0], s1  }
0x269: {  	s0 =	simm.s32 @!p0 $0x2  }
0x26a: {  	_ =	swait.ge @!p0 [sflag:s0], s1  }
0x26b: {  	s1 =	ssub.s32 @!p0 $0x0, s1;
	[sflag:s0] =	ssyncset.done @!p0 $0x0  }
0x26c: {  	[sflag:s0] =	ssyncadd.s32 @!p0 s1  }
0x26d: {  	[bflag:$0x3] =	sbarrier.arrive $0xFFFF  }
0x26e: {  	_ =	shalt  }

</sc_bundles>
